<compile_context>
chip_gen: v7x
topology: tpu7x:2x2x1
jax: 0.10.2.dev20260603
libtpu: 0.0.44.dev20260713+nightly
codegen_flags: <defaults>
</compile_context>

<pallas_src>
import jax
import jax.numpy as jnp
from jax import lax
from jax.experimental import pallas as pl
from jax.experimental.pallas import tpu as pltpu
from jax.experimental.pallas import tpu_sc as plsc

N_NODES = 10000
N_EDGES = 160000
N_GRAPHS = 64
NCHUNK = 4
CW = 128
NHID = 512
BF = jnp.bfloat16

NSUB = 16
NCORE = 2
CPC = NCHUNK // NCORE
EBLK = 128
RING = 5
EPS_PAD = 10240
NBLK = EPS_PAD // EBLK
TRASH = N_NODES
ACC_ROWS = N_NODES + 16
ZSTRIPE = 1000
NZSUB = N_NODES // ZSTRIPE
ZBUF = 200

ROWBLK = 2000
NROWBLK = N_NODES // ROWBLK



def _agg_body(src_hbm, dst_hbm, *refs):
    hs = refs[:NCHUNK]
    aggs = refs[NCHUNK:2 * NCHUNK]
    rest = refs[2 * NCHUNK:]
    src_v, dst_v = rest[0], rest[1]
    rows = rest[2:2 + RING]
    zero_v, acc_s = rest[2 + RING], rest[3 + RING]
    gsem = rest[4 + RING:4 + 2 * RING]
    ssem = rest[4 + 2 * RING:4 + 3 * RING]
    zsem = rest[4 + 3 * RING]
    cid = lax.axis_index("c")
    sid = lax.axis_index("s")

    pltpu.sync_copy(src_hbm.at[sid], src_v)
    pltpu.sync_copy(dst_hbm.at[sid], dst_v)

    zvec = jnp.zeros((32,), BF)

    @pl.loop(0, ZBUF)
    def _(r):
        @pl.loop(0, CW // 32)
        def _(c):
            zero_v[r, pl.ds(c * 32, 32)] = zvec

    def process(h_hbm, a_hbm):
        for i in range(RING - 1):
            pltpu.async_copy(h_hbm.at[src_v.at[i]], rows[i], gsem[i])

        @pl.when(sid < NZSUB)
        def _():
            @pl.loop(0, ZSTRIPE // ZBUF)
            def _(t):
                pltpu.sync_copy(zero_v,
                                acc_s.at[pl.ds(sid * ZSTRIPE + t * ZBUF,
                                               ZBUF)])

        plsc.subcore_barrier()

        @pl.loop(0, NBLK // RING)
        def _(g):
            for kk in range(RING):
                j = g * RING + kk
                bp = (kk + RING - 1) % RING
                pltpu.make_async_copy(h_hbm.at[src_v.at[j]], rows[kk],
                                      gsem[kk]).wait()
                pltpu.async_copy(rows[kk], acc_s.at[dst_v.at[j]], ssem[kk],
                                 add=True)
                if kk == 0:
                    @pl.when(g >= 1)
                    def _():
                        pltpu.make_async_copy(rows[bp], acc_s.at[dst_v.at[j]],
                                              ssem[bp]).wait()
                    pltpu.async_copy(h_hbm.at[src_v.at[j + RING - 1]],
                                     rows[bp], gsem[bp])
                else:
                    @pl.when(g <= NBLK // RING - 2)
                    def _():
                        pltpu.make_async_copy(rows[bp], acc_s.at[dst_v.at[j]],
                                              ssem[bp]).wait()
                        pltpu.async_copy(h_hbm.at[src_v.at[j + RING - 1]],
                                         rows[bp], gsem[bp])

        for kk in range(RING):
            pltpu.make_async_copy(rows[kk], acc_s.at[dst_v.at[0]],
                                  ssem[kk]).wait()

        plsc.subcore_barrier()

        @pl.when(sid < NZSUB)
        def _():
            pltpu.sync_copy(acc_s.at[pl.ds(sid * ZSTRIPE, ZSTRIPE)],
                            a_hbm.at[pl.ds(sid * ZSTRIPE, ZSTRIPE)])

        plsc.subcore_barrier()

    @pl.when(cid == 0)
    def _():
        for c in range(CPC):
            process(hs[c], aggs[c])

    @pl.when(cid == 1)
    def _():
        for c in range(CPC):
            process(hs[CPC + c], aggs[CPC + c])


def _agg_sc(src_r, dst_r, hs):
    chunk = jax.ShapeDtypeStruct((N_NODES, CW), BF)
    mesh = plsc.VectorSubcoreMesh(core_axis_name="c", subcore_axis_name="s")
    k = pl.kernel(
        _agg_body,
        out_type=(chunk,) * NCHUNK,
        mesh=mesh,
        scratch_types=(
            [pltpu.VMEM((NBLK, EBLK), jnp.int32)] * 2
            + [pltpu.VMEM((EBLK, CW), BF)] * RING
            + [pltpu.VMEM((ZBUF, CW), BF),
               pltpu.VMEM_SHARED((ACC_ROWS, CW), BF)]
            + [pltpu.SemaphoreType.DMA] * (2 * RING + 1)
        ),
        compiler_params=pltpu.CompilerParams(use_tc_tiling_on_sc=False),
    )
    return k(src_r, dst_r, *hs)



def _pre_body(x_ref, w_ref, b_ref, *outs):
    acc = jnp.dot(x_ref[...], w_ref[...],
                  preferred_element_type=jnp.float32) + b_ref[...]
    for c, o in enumerate(outs):
        o[...] = acc[:, c * CW:(c + 1) * CW].astype(BF)


def _pre(x, W0, b0):
    nf = x.shape[1]
    chunk = jax.ShapeDtypeStruct((N_NODES, CW), BF)
    return pl.pallas_call(
        _pre_body,
        grid=(NROWBLK,),
        in_specs=[
            pl.BlockSpec((ROWBLK, nf), lambda i: (i, 0)),
            pl.BlockSpec((nf, NHID), lambda i: (0, 0)),
            pl.BlockSpec((1, NHID), lambda i: (0, 0)),
        ],
        out_specs=[pl.BlockSpec((ROWBLK, CW), lambda i: (i, 0))] * NCHUNK,
        out_shape=(chunk,) * NCHUNK,
    )(x, W0, b0.reshape(1, NHID))


def _mlp_body(*refs):
    hs = refs[:NCHUNK]
    as_ = refs[NCHUNK:2 * NCHUNK]
    wa_ref, ba_ref, wb_ref, bb_ref = refs[2 * NCHUNK:2 * NCHUNK + 4]
    outs = refs[2 * NCHUNK + 4:]
    z = jnp.concatenate(
        [hs[c][...].astype(jnp.float32) + as_[c][...].astype(jnp.float32)
         for c in range(NCHUNK)], axis=1)
    acc = jnp.dot(z, wa_ref[...], preferred_element_type=jnp.float32) \
        + ba_ref[...]
    u = jnp.maximum(acc, 0.0)
    v = jnp.dot(u, wb_ref[...], preferred_element_type=jnp.float32) \
        + bb_ref[...]
    v = jnp.maximum(v, 0.0)
    for c, o in enumerate(outs):
        o[...] = v[:, c * CW:(c + 1) * CW].astype(BF)


def _mlp(hs, aggs, Wa_i, ba_i, Wb_i, bb_i):
    chunk = jax.ShapeDtypeStruct((N_NODES, CW), BF)
    cb = pl.BlockSpec((ROWBLK, CW), lambda i: (i, 0))
    return pl.pallas_call(
        _mlp_body,
        grid=(NROWBLK,),
        in_specs=[cb] * NCHUNK + [cb] * NCHUNK + [
            pl.BlockSpec((NHID, NHID), lambda i: (0, 0)),
            pl.BlockSpec((1, NHID), lambda i: (0, 0)),
            pl.BlockSpec((NHID, NHID), lambda i: (0, 0)),
            pl.BlockSpec((1, NHID), lambda i: (0, 0)),
        ],
        out_specs=[cb] * NCHUNK,
        out_shape=(chunk,) * NCHUNK,
    )(*hs, *aggs, Wa_i, ba_i.reshape(1, NHID), Wb_i, bb_i.reshape(1, NHID))


def _pool_body(*refs):
    hs = refs[:NCHUNK]
    batch_ref, wp_ref, bp_ref, wr_ref, br_ref = refs[NCHUNK:NCHUNK + 5]
    out_ref, g_acc = refs[NCHUNK + 5:]
    i = pl.program_id(0)

    @pl.when(i == 0)
    def _():
        g_acc[...] = jnp.zeros((N_GRAPHS, NHID), jnp.float32)

    b = batch_ref[0, 0, :]
    onehot = (b[:, None] == lax.broadcasted_iota(jnp.int32, (1, N_GRAPHS), 1)
              ).astype(jnp.float32)
    z = jnp.concatenate([hs[c][...].astype(jnp.float32)
                         for c in range(NCHUNK)], axis=1)
    g_acc[...] += lax.dot_general(onehot, z, (((0,), (0,)), ((), ())),
                                  preferred_element_type=jnp.float32)

    @pl.when(i == NROWBLK - 1)
    def _():
        g = g_acc[...]
        g = jnp.maximum(jnp.dot(g, wp_ref[...],
                                preferred_element_type=jnp.float32)
                        + bp_ref[...], 0.0)
        o = jnp.dot(g, wr_ref[...], preferred_element_type=jnp.float32) \
            + br_ref[...]
        m = jnp.max(o, axis=1, keepdims=True)
        lse = jnp.log(jnp.sum(jnp.exp(o - m), axis=1, keepdims=True)) + m
        out_ref[...] = o - lse


def _pool(hs, batch, Wp, bp, Wr, br):
    nclass = Wr.shape[1]
    cb = pl.BlockSpec((ROWBLK, CW), lambda i: (i, 0))
    return pl.pallas_call(
        _pool_body,
        grid=(NROWBLK,),
        in_specs=[cb] * NCHUNK + [
            pl.BlockSpec((1, 1, ROWBLK), lambda i: (i, 0, 0)),
            pl.BlockSpec((NHID, NHID), lambda i: (0, 0)),
            pl.BlockSpec((1, NHID), lambda i: (0, 0)),
            pl.BlockSpec((NHID, nclass), lambda i: (0, 0)),
            pl.BlockSpec((1, nclass), lambda i: (0, 0)),
        ],
        out_specs=pl.BlockSpec((N_GRAPHS, nclass), lambda i: (0, 0)),
        out_shape=jax.ShapeDtypeStruct((N_GRAPHS, nclass), jnp.float32),
        scratch_shapes=[pltpu.VMEM((N_GRAPHS, NHID), jnp.float32)],
    )(*hs, batch.reshape(NROWBLK, 1, ROWBLK).astype(jnp.int32),
      Wp, bp.reshape(1, NHID), Wr, br.reshape(1, nclass))



def kernel(x, edge_index, batch, W0, b0, Wa, ba, Wb, bb, Wp, bp, Wr, br):
    eps = N_EDGES // NSUB
    pad = EPS_PAD - eps
    src = jnp.pad(edge_index[0].astype(jnp.int32).reshape(NSUB, eps),
                  ((0, 0), (0, pad))).reshape(NSUB, NBLK, EBLK)
    dst = jnp.pad(edge_index[1].astype(jnp.int32).reshape(NSUB, eps),
                  ((0, 0), (0, pad)),
                  constant_values=TRASH).reshape(NSUB, NBLK, EBLK)
    hs = _pre(x, W0, b0)

    def layer(carry, w):
        Wa_i, ba_i, Wb_i, bb_i = w
        aggs = _agg_sc(src, dst, carry)
        return _mlp(carry, aggs, Wa_i, ba_i, Wb_i, bb_i), None

    hs, _ = lax.scan(layer, hs, (Wa, ba, Wb, bb))
    return _pool(hs, batch, Wp, bp, Wr, br)

# --- scband reference (transcript-rebuilt; emitter-appended) ---
"""Pipeline reference for scband-gin-9234179686775 (READ-ONLY COPY).

The authoritative reference and input builder live on the scoring server;
editing this copy changes nothing except your own understanding.
"""

import jax, jax.numpy as jnp
import numpy as np

NFEAT = 256
NHID = 512
NCLASS = 16
NLAYER = 4
N_NODES = 10000
N_EDGES = 160000
N_GRAPHS = 64


def setup_inputs(seed: int = 0) -> dict:
    key = jax.random.key(seed)
    ks = jax.random.split(key, 16)
    x = jax.random.normal(ks[0], (N_NODES, NFEAT), dtype=jnp.float32)
    edge_index = jax.random.randint(ks[1], (2, N_EDGES), 0, N_NODES, dtype=jnp.int64 if jax.config.read('jax_enable_x64') else jnp.int32)
    batch = jnp.sort(jax.random.randint(ks[2], (N_NODES,), 0, N_GRAPHS))
    s_in = 1.0 / np.sqrt(NFEAT)
    s_h = 1.0 / np.sqrt(NHID)
    W0 = jax.random.uniform(ks[3], (NFEAT, NHID), jnp.float32, -s_in, s_in)
    b0 = jax.random.uniform(ks[4], (NHID,), jnp.float32, -s_in, s_in)
    Wa = jax.random.uniform(ks[5], (NLAYER, NHID, NHID), jnp.float32, -s_h, s_h)
    ba = jax.random.uniform(ks[6], (NLAYER, NHID), jnp.float32, -s_h, s_h)
    Wb = jax.random.uniform(ks[7], (NLAYER, NHID, NHID), jnp.float32, -s_h, s_h)
    bb = jax.random.uniform(ks[8], (NLAYER, NHID), jnp.float32, -s_h, s_h)
    Wp = jax.random.uniform(ks[9], (NHID, NHID), jnp.float32, -s_h, s_h)
    bp = jax.random.uniform(ks[10], (NHID,), jnp.float32, -s_h, s_h)
    Wr = jax.random.uniform(ks[11], (NHID, NCLASS), jnp.float32, -s_h, s_h)
    br = jax.random.uniform(ks[12], (NCLASS,), jnp.float32, -s_h, s_h)
    return {"x": x, "edge_index": edge_index, "batch": batch,
            "W0": W0, "b0": b0, "Wa": Wa, "ba": ba, "Wb": Wb, "bb": bb,
            "Wp": Wp, "bp": bp, "Wr": Wr, "br": br}


def reference(x, edge_index, batch, W0, b0, Wa, ba, Wb, bb, Wp, bp, Wr, br):
    # pre: Linear(nfeat -> nhid)
    h = x @ W0 + b0
    src = edge_index[0]
    dst = edge_index[1]
    nlayer = Wa.shape[0]
    for i in range(nlayer):
        # GINConv with eps=0: nn((1+eps)*h + sum_{j in N(i)} h_j)
        agg = jnp.zeros_like(h).at[dst].add(h[src])
        z = h + agg
        z = jax.nn.relu(z @ Wa[i] + ba[i]) @ Wb[i] + bb[i]
        # outer ReLU after each conv (dropout is identity in eval mode)
        h = jax.nn.relu(z)
    # global_add_pool over graph ids
    g = jax.ops.segment_sum(h, batch, num_segments=N_GRAPHS)
    # post: Linear + ReLU
    g = jax.nn.relu(g @ Wp + bp)
    # readout + log_softmax
    out = g @ Wr + br
    return jax.nn.log_softmax(out, axis=1)

if __name__ == "__main__":
    import jax
    _d = setup_inputs()
    print(jax.jit(kernel)(*tuple(_d.values())))

</pallas_src>

<mosaic_0001>
#map = affine_map<(d0, d1) -> (0, 0, 0)>
#map1 = affine_map<(d0, d1) -> (0, 0)>
module attributes {stable_mosaic.version = 14 : i64} {
  func.func @_agg_body(%arg0: i32, %arg1: i32, %arg2: memref<16x80x128xi32, #tpu.memory_space<hbm>>, %arg3: memref<16x80x128xi32, #tpu.memory_space<hbm>>, %arg4: memref<10000x128xbf16, #tpu.memory_space<hbm>>, %arg5: memref<10000x128xbf16, #tpu.memory_space<hbm>>, %arg6: memref<10000x128xbf16, #tpu.memory_space<hbm>>, %arg7: memref<10000x128xbf16, #tpu.memory_space<hbm>>, %arg8: memref<10000x128xbf16, #tpu.memory_space<hbm>>, %arg9: memref<10000x128xbf16, #tpu.memory_space<hbm>>, %arg10: memref<10000x128xbf16, #tpu.memory_space<hbm>>, %arg11: memref<10000x128xbf16, #tpu.memory_space<hbm>>, %arg12: memref<80x128xi32, #tpu.memory_space<vmem>>, %arg13: memref<80x128xi32, #tpu.memory_space<vmem>>, %arg14: memref<128x128xbf16, #tpu.memory_space<vmem>>, %arg15: memref<128x128xbf16, #tpu.memory_space<vmem>>, %arg16: memref<128x128xbf16, #tpu.memory_space<vmem>>, %arg17: memref<128x128xbf16, #tpu.memory_space<vmem>>, %arg18: memref<128x128xbf16, #tpu.memory_space<vmem>>, %arg19: memref<200x128xbf16, #tpu.memory_space<vmem>>, %arg20: memref<10016x128xbf16, #tpu.memory_space<vmem_shared>>, %arg21: memref<!tpu.dma_semaphore, #tpu.memory_space<semaphore_mem>>, %arg22: memref<!tpu.dma_semaphore, #tpu.memory_space<semaphore_mem>>, %arg23: memref<!tpu.dma_semaphore, #tpu.memory_space<semaphore_mem>>, %arg24: memref<!tpu.dma_semaphore, #tpu.memory_space<semaphore_mem>>, %arg25: memref<!tpu.dma_semaphore, #tpu.memory_space<semaphore_mem>>, %arg26: memref<!tpu.dma_semaphore, #tpu.memory_space<semaphore_mem>>, %arg27: memref<!tpu.dma_semaphore, #tpu.memory_space<semaphore_mem>>, %arg28: memref<!tpu.dma_semaphore, #tpu.memory_space<semaphore_mem>>, %arg29: memref<!tpu.dma_semaphore, #tpu.memory_space<semaphore_mem>>, %arg30: memref<!tpu.dma_semaphore, #tpu.memory_space<semaphore_mem>>, %arg31: memref<!tpu.dma_semaphore, #tpu.memory_space<semaphore_mem>>) attributes {dimension_semantics = [#tpu.dimension_semantics<core_parallel>, #tpu.dimension_semantics<subcore_parallel>], iteration_bounds = array<i64: 2, 16>, scalar_prefetch = 0 : i64, scratch_operands = 20 : i64, tpu.core_type = #tpu.core_type<sc_vector_subcore>, window_params = [{transform_indices = #map}, {transform_indices = #map}, {transform_indices = #map1}, {transform_indices = #map1}, {transform_indices = #map1}, {transform_indices = #map1}, {transform_indices = #map1}, {transform_indices = #map1}, {transform_indices = #map1}, {transform_indices = #map1}]} {
    "tpu.region"() ({
      %run_scoped3A = tpu.sem_alloc : memref<!tpu.dma_semaphore, #tpu.memory_space<semaphore_mem>>
      %dma_start3A = arith.constant 0 : i32
      %dma_start3A_12 = arith.constant 0 : i32
      %dma_start3A_13 = tpu.memref_slice %arg2[%arg1, %dma_start3A, %dma_start3A_12] : memref<16x80x128xi32, #tpu.memory_space<hbm>> -> memref<1x80x128xi32, #tpu.memory_space<hbm>>
      %dma_start3A_14 = tpu.memref_squeeze %dma_start3A_13 : memref<1x80x128xi32, #tpu.memory_space<hbm>> -> memref<80x128xi32, #tpu.memory_space<hbm>>
      %dma_start3A_15 = arith.constant 0 : i32
      %dma_start3A_16 = arith.constant 0 : i32
      %dma_start3A_17 = tpu.memref_slice %arg2[%arg1, %dma_start3A_15, %dma_start3A_16] : memref<16x80x128xi32, #tpu.memory_space<hbm>> -> memref<1x80x128xi32, #tpu.memory_space<hbm>>
      %dma_start3A_18 = tpu.memref_squeeze %dma_start3A_17 : memref<1x80x128xi32, #tpu.memory_space<hbm>> -> memref<80x128xi32, #tpu.memory_space<hbm>>
      tpu.enqueue_dma source(%dma_start3A_18 : memref<80x128xi32, #tpu.memory_space<hbm>>) target(%arg12 : memref<80x128xi32, #tpu.memory_space<vmem>>) target_semaphore(%run_scoped3A : memref<!tpu.dma_semaphore, #tpu.memory_space<semaphore_mem>>)
      %dma_wait3A = arith.constant 0 : i32
      %dma_wait3A_19 = arith.constant 0 : i32
      %dma_wait3A_20 = tpu.memref_slice %arg2[%arg1, %dma_wait3A, %dma_wait3A_19] : memref<16x80x128xi32, #tpu.memory_space<hbm>> -> memref<1x80x128xi32, #tpu.memory_space<hbm>>
      %dma_wait3A_21 = tpu.memref_squeeze %dma_wait3A_20 : memref<1x80x128xi32, #tpu.memory_space<hbm>> -> memref<80x128xi32, #tpu.memory_space<hbm>>
      %dma_wait3A_22 = arith.constant 0 : i32
      %dma_wait3A_23 = arith.constant 0 : i32
      %dma_wait3A_24 = tpu.memref_slice %arg2[%arg1, %dma_wait3A_22, %dma_wait3A_23] : memref<16x80x128xi32, #tpu.memory_space<hbm>> -> memref<1x80x128xi32, #tpu.memory_space<hbm>>
      %dma_wait3A_25 = tpu.memref_squeeze %dma_wait3A_24 : memref<1x80x128xi32, #tpu.memory_space<hbm>> -> memref<80x128xi32, #tpu.memory_space<hbm>>
      tpu.wait_dma2 semaphore(%run_scoped3A : memref<!tpu.dma_semaphore, #tpu.memory_space<semaphore_mem>>) src(%dma_wait3A_25 : memref<80x128xi32, #tpu.memory_space<hbm>>) dst(%arg12 : memref<80x128xi32, #tpu.memory_space<vmem>>)
      tpu.yield
    }) : () -> ()
    "tpu.region"() ({
      %run_scoped3A = tpu.sem_alloc : memref<!tpu.dma_semaphore, #tpu.memory_space<semaphore_mem>>
      %dma_start3A = arith.constant 0 : i32
      %dma_start3A_12 = arith.constant 0 : i32
      %dma_start3A_13 = tpu.memref_slice %arg3[%arg1, %dma_start3A, %dma_start3A_12] : memref<16x80x128xi32, #tpu.memory_space<hbm>> -> memref<1x80x128xi32, #tpu.memory_space<hbm>>
      %dma_start3A_14 = tpu.memref_squeeze %dma_start3A_13 : memref<1x80x128xi32, #tpu.memory_space<hbm>> -> memref<80x128xi32, #tpu.memory_space<hbm>>
      %dma_start3A_15 = arith.constant 0 : i32
      %dma_start3A_16 = arith.constant 0 : i32
      %dma_start3A_17 = tpu.memref_slice %arg3[%arg1, %dma_start3A_15, %dma_start3A_16] : memref<16x80x128xi32, #tpu.memory_space<hbm>> -> memref<1x80x128xi32, #tpu.memory_space<hbm>>
      %dma_start3A_18 = tpu.memref_squeeze %dma_start3A_17 : memref<1x80x128xi32, #tpu.memory_space<hbm>> -> memref<80x128xi32, #tpu.memory_space<hbm>>
      tpu.enqueue_dma source(%dma_start3A_18 : memref<80x128xi32, #tpu.memory_space<hbm>>) target(%arg13 : memref<80x128xi32, #tpu.memory_space<vmem>>) target_semaphore(%run_scoped3A : memref<!tpu.dma_semaphore, #tpu.memory_space<semaphore_mem>>)
      %dma_wait3A = arith.constant 0 : i32
      %dma_wait3A_19 = arith.constant 0 : i32
      %dma_wait3A_20 = tpu.memref_slice %arg3[%arg1, %dma_wait3A, %dma_wait3A_19] : memref<16x80x128xi32, #tpu.memory_space<hbm>> -> memref<1x80x128xi32, #tpu.memory_space<hbm>>
      %dma_wait3A_21 = tpu.memref_squeeze %dma_wait3A_20 : memref<1x80x128xi32, #tpu.memory_space<hbm>> -> memref<80x128xi32, #tpu.memory_space<hbm>>
      %dma_wait3A_22 = arith.constant 0 : i32
      %dma_wait3A_23 = arith.constant 0 : i32
      %dma_wait3A_24 = tpu.memref_slice %arg3[%arg1, %dma_wait3A_22, %dma_wait3A_23] : memref<16x80x128xi32, #tpu.memory_space<hbm>> -> memref<1x80x128xi32, #tpu.memory_space<hbm>>
      %dma_wait3A_25 = tpu.memref_squeeze %dma_wait3A_24 : memref<1x80x128xi32, #tpu.memory_space<hbm>> -> memref<80x128xi32, #tpu.memory_space<hbm>>
      tpu.wait_dma2 semaphore(%run_scoped3A : memref<!tpu.dma_semaphore, #tpu.memory_space<semaphore_mem>>) src(%dma_wait3A_25 : memref<80x128xi32, #tpu.memory_space<hbm>>) dst(%arg13 : memref<80x128xi32, #tpu.memory_space<vmem>>)
      tpu.yield
    }) : () -> ()
    %broadcast_in_dim3A = arith.constant 0.000000e+00 : bf16
    %broadcast_in_dim3A_0 = vector.broadcast %broadcast_in_dim3A : bf16 to vector<32xbf16>
    %scan3A = arith.constant 0 : i32
    %scan3A_1 = arith.constant 200 : i32
    %scan3A_2 = arith.addi %scan3A, %scan3A_1 : i32
    %scan3A_3 = arith.constant 1 : i32
    scf.for %scan3A_12 = %scan3A to %scan3A_2 step %scan3A_3  : i32 {
      %mul3A = arith.constant 1 : i32
      %mul3A_13 = arith.muli %scan3A_12, %mul3A : i32
      %add3A = arith.constant 0 : i32
      %add3A_14 = arith.addi %add3A, %mul3A_13 : i32
      %scan3A_15 = arith.constant 0 : i32
      %scan3A_16 = arith.constant 4 : i32
      %scan3A_17 = arith.addi %scan3A_15, %scan3A_16 : i32
      %scan3A_18 = arith.constant 1 : i32
      scf.for %scan3A_20 = %scan3A_15 to %scan3A_17 step %scan3A_18  : i32 {
        %mul3A_21 = arith.constant 1 : i32
        %mul3A_22 = arith.muli %scan3A_20, %mul3A_21 : i32
        %add3A_23 = arith.constant 0 : i32
        %add3A_24 = arith.addi %add3A_23, %mul3A_22 : i32
        %mul3A_25 = arith.constant 32 : i32
        %mul3A_26 = arith.muli %add3A_24, %mul3A_25 : i32
        %swap3A = arith.index_cast %add3A_14 : i32 to index
        %swap3A_27 = arith.index_cast %mul3A_26 : i32 to index
        %swap3A_28 = tpu.vector_load %arg19[%swap3A, %swap3A_27] {strides = array<i32>} : memref<200x128xbf16, #tpu.memory_space<vmem>>, vector<1x32xbf16>,
        %swap3A_29 = vector.shape_cast %swap3A_28 : vector<1x32xbf16> to vector<32xbf16>
        %swap3A_30 = vector.shape_cast %broadcast_in_dim3A_0 : vector<32xbf16> to vector<1x32xbf16>
        tpu.vector_store %arg19[%swap3A, %swap3A_27], %swap3A_30 {strides = array<i32>} : memref<200x128xbf16, #tpu.memory_space<vmem>>, vector<1x32xbf16>,
      }
      %scan3A_19 = arith.constant 4 : i32
    }
    %scan3A_4 = arith.constant 200 : i32
    %eq3A = arith.constant 0 : i32
    %eq3A_5 = arith.cmpi eq, %arg0, %eq3A : i32
    %convert_element_type3A = arith.extui %eq3A_5 : i1 to i32
    %cond3A = arith.constant 0 : i32
    %cond3A_6 = arith.cmpi ne, %convert_element_type3A, %cond3A : i32
    scf.if %cond3A_6 {
      %dma_start3A = arith.constant 0 : i32
      %dma_start3A_12 = arith.constant 0 : i32
      %dma_start3A_13 = tpu.memref_slice %arg12[%dma_start3A, %dma_start3A_12] : memref<80x128xi32, #tpu.memory_space<vmem>> -> memref<1x128xi32, #tpu.memory_space<vmem>>
      %dma_start3A_14 = tpu.memref_squeeze %dma_start3A_13 : memref<1x128xi32, #tpu.memory_space<vmem>> -> memref<128xi32, #tpu.memory_space<vmem>>
      %dma_start3A_15 = arith.constant 0 : i32
      %dma_start3A_16 = arith.constant 0 : i32
      %dma_start3A_17 = tpu.memref_slice %arg4[%dma_start3A_15, %dma_start3A_16] : memref<10000x128xbf16, #tpu.memory_space<hbm>> -> memref<10000x128xbf16, #tpu.memory_space<hbm>>
      tpu.enqueue_indirect_dma source(%dma_start3A_17 : memref<10000x128xbf16, #tpu.memory_space<hbm>>) target(%arg14 : memref<128x128xbf16, #tpu.memory_space<vmem>>) offsets(%dma_start3A_14 : memref<128xi32, #tpu.memory_space<vmem>>) semaphore(%arg21 : memref<!tpu.dma_semaphore, #tpu.memory_space<semaphore_mem>>)
      %dma_start3A_18 = arith.constant 1 : i32
      %dma_start3A_19 = arith.constant 0 : i32
      %dma_start3A_20 = tpu.memref_slice %arg12[%dma_start3A_18, %dma_start3A_19] : memref<80x128xi32, #tpu.memory_space<vmem>> -> memref<1x128xi32, #tpu.memory_space<vmem>>
      %dma_start3A_21 = tpu.memref_squeeze %dma_start3A_20 : memref<1x128xi32, #tpu.memory_space<vmem>> -> memref<128xi32, #tpu.memory_space<vmem>>
      %dma_start3A_22 = arith.constant 0 : i32
      %dma_start3A_23 = arith.constant 0 : i32
      %dma_start3A_24 = tpu.memref_slice %arg4[%dma_start3A_22, %dma_start3A_23] : memref<10000x128xbf16, #tpu.memory_space<hbm>> -> memref<10000x128xbf16, #tpu.memory_space<hbm>>
      tpu.enqueue_indirect_dma source(%dma_start3A_24 : memref<10000x128xbf16, #tpu.memory_space<hbm>>) target(%arg15 : memref<128x128xbf16, #tpu.memory_space<vmem>>) offsets(%dma_start3A_21 : memref<128xi32, #tpu.memory_space<vmem>>) semaphore(%arg22 : memref<!tpu.dma_semaphore, #tpu.memory_space<semaphore_mem>>)
      %dma_start3A_25 = arith.constant 2 : i32
      %dma_start3A_26 = arith.constant 0 : i32
      %dma_start3A_27 = tpu.memref_slice %arg12[%dma_start3A_25, %dma_start3A_26] : memref<80x128xi32, #tpu.memory_space<vmem>> -> memref<1x128xi32, #tpu.memory_space<vmem>>
      %dma_start3A_28 = tpu.memref_squeeze %dma_start3A_27 : memref<1x128xi32, #tpu.memory_space<vmem>> -> memref<128xi32, #tpu.memory_space<vmem>>
      %dma_start3A_29 = arith.constant 0 : i32
      %dma_start3A_30 = arith.constant 0 : i32
      %dma_start3A_31 = tpu.memref_slice %arg4[%dma_start3A_29, %dma_start3A_30] : memref<10000x128xbf16, #tpu.memory_space<hbm>> -> memref<10000x128xbf16, #tpu.memory_space<hbm>>
      tpu.enqueue_indirect_dma source(%dma_start3A_31 : memref<10000x128xbf16, #tpu.memory_space<hbm>>) target(%arg16 : memref<128x128xbf16, #tpu.memory_space<vmem>>) offsets(%dma_start3A_28 : memref<128xi32, #tpu.memory_space<vmem>>) semaphore(%arg23 : memref<!tpu.dma_semaphore, #tpu.memory_space<semaphore_mem>>)
      %dma_start3A_32 = arith.constant 3 : i32
      %dma_start3A_33 = arith.constant 0 : i32
      %dma_start3A_34 = tpu.memref_slice %arg12[%dma_start3A_32, %dma_start3A_33] : memref<80x128xi32, #tpu.memory_space<vmem>> -> memref<1x128xi32, #tpu.memory_space<vmem>>
      %dma_start3A_35 = tpu.memref_squeeze %dma_start3A_34 : memref<1x128xi32, #tpu.memory_space<vmem>> -> memref<128xi32, #tpu.memory_space<vmem>>
      %dma_start3A_36 = arith.constant 0 : i32
      %dma_start3A_37 = arith.constant 0 : i32
      %dma_start3A_38 = tpu.memref_slice %arg4[%dma_start3A_36, %dma_start3A_37] : memref<10000x128xbf16, #tpu.memory_space<hbm>> -> memref<10000x128xbf16, #tpu.memory_space<hbm>>
      tpu.enqueue_indirect_dma source(%dma_start3A_38 : memref<10000x128xbf16, #tpu.memory_space<hbm>>) target(%arg17 : memref<128x128xbf16, #tpu.memory_space<vmem>>) offsets(%dma_start3A_35 : memref<128xi32, #tpu.memory_space<vmem>>) semaphore(%arg24 : memref<!tpu.dma_semaphore, #tpu.memory_space<semaphore_mem>>)
      %lt3A = arith.constant 10 : i32
      %lt3A_39 = arith.cmpi slt, %arg1, %lt3A : i32
      %convert_element_type3A_40 = arith.extui %lt3A_39 : i1 to i32
      %cond3A_41 = arith.constant 0 : i32
      %cond3A_42 = arith.cmpi ne, %convert_element_type3A_40, %cond3A_41 : i32
      scf.if %cond3A_42 {
        %scan3A_170 = arith.constant 0 : i32
        %scan3A_171 = arith.constant 5 : i32
        %scan3A_172 = arith.addi %scan3A_170, %scan3A_171 : i32
        %scan3A_173 = arith.constant 1 : i32
        scf.for %scan3A_175 = %scan3A_170 to %scan3A_172 step %scan3A_173  : i32 {
          %mul3A = arith.constant 1 : i32
          %mul3A_176 = arith.muli %scan3A_175, %mul3A : i32
          %add3A = arith.constant 0 : i32
          %add3A_177 = arith.addi %add3A, %mul3A_176 : i32
          %mul3A_178 = arith.constant 1000 : i32
          %mul3A_179 = arith.muli %arg1, %mul3A_178 : i32
          %mul3A_180 = arith.constant 200 : i32
          %mul3A_181 = arith.muli %add3A_177, %mul3A_180 : i32
          %add3A_182 = arith.addi %mul3A_179, %mul3A_181 : i32
          "tpu.region"() ({
            %run_scoped3A = tpu.sem_alloc : memref<!tpu.dma_semaphore, #tpu.memory_space<semaphore_mem>>
            %dma_start3A_183 = arith.constant 0 : i32
            %dma_start3A_184 = tpu.memref_slice %arg20[%add3A_182, %dma_start3A_183] : memref<10016x128xbf16, #tpu.memory_space<vmem_shared>> -> memref<200x128xbf16, #tpu.memory_space<vmem_shared>>
            %dma_start3A_185 = arith.constant 0 : i32
            %dma_start3A_186 = tpu.memref_slice %arg20[%add3A_182, %dma_start3A_185] : memref<10016x128xbf16, #tpu.memory_space<vmem_shared>> -> memref<200x128xbf16, #tpu.memory_space<vmem_shared>>
            tpu.enqueue_dma source(%arg19 : memref<200x128xbf16, #tpu.memory_space<vmem>>) target(%dma_start3A_186 : memref<200x128xbf16, #tpu.memory_space<vmem_shared>>) target_semaphore(%run_scoped3A : memref<!tpu.dma_semaphore, #tpu.memory_space<semaphore_mem>>)
            %dma_wait3A_187 = arith.constant 0 : i32
            %dma_wait3A_188 = tpu.memref_slice %arg20[%add3A_182, %dma_wait3A_187] : memref<10016x128xbf16, #tpu.memory_space<vmem_shared>> -> memref<200x128xbf16, #tpu.memory_space<vmem_shared>>
            %dma_wait3A_189 = arith.constant 0 : i32
            %dma_wait3A_190 = tpu.memref_slice %arg20[%add3A_182, %dma_wait3A_189] : memref<10016x128xbf16, #tpu.memory_space<vmem_shared>> -> memref<200x128xbf16, #tpu.memory_space<vmem_shared>>
            tpu.wait_dma2 semaphore(%run_scoped3A : memref<!tpu.dma_semaphore, #tpu.memory_space<semaphore_mem>>) src(%arg19 : memref<200x128xbf16, #tpu.memory_space<vmem>>) dst(%dma_wait3A_190 : memref<200x128xbf16, #tpu.memory_space<vmem_shared>>)
            tpu.yield
          }) : () -> ()
        }
        %scan3A_174 = arith.constant 5 : i32
      } else {
      }
      %barrier3A = arith.constant 0 : index
      tpu.barrier barrier_id(%barrier3A)
      %scan3A_43 = arith.constant 0 : i32
      %scan3A_44 = arith.constant 16 : i32
      %scan3A_45 = arith.addi %scan3A_43, %scan3A_44 : i32
      %scan3A_46 = arith.constant 1 : i32
      scf.for %scan3A_170 = %scan3A_43 to %scan3A_45 step %scan3A_46  : i32 {
        %mul3A = arith.constant 1 : i32
        %mul3A_171 = arith.muli %scan3A_170, %mul3A : i32
        %add3A = arith.constant 0 : i32
        %add3A_172 = arith.addi %add3A, %mul3A_171 : i32
        %mul3A_173 = arith.constant 5 : i32
        %mul3A_174 = arith.muli %add3A_172, %mul3A_173 : i32
        %add3A_175 = arith.constant 0 : i32
        %add3A_176 = arith.addi %mul3A_174, %add3A_175 : i32
        %dma_wait3A_177 = arith.constant 0 : i32
        %dma_wait3A_178 = tpu.memref_slice %arg12[%add3A_176, %dma_wait3A_177] : memref<80x128xi32, #tpu.memory_space<vmem>> -> memref<1x128xi32, #tpu.memory_space<vmem>>
        %dma_wait3A_179 = tpu.memref_squeeze %dma_wait3A_178 : memref<1x128xi32, #tpu.memory_space<vmem>> -> memref<128xi32, #tpu.memory_space<vmem>>
        %dma_wait3A_180 = arith.constant 0 : i32
        %dma_wait3A_181 = arith.constant 0 : i32
        %dma_wait3A_182 = tpu.memref_slice %arg4[%dma_wait3A_180, %dma_wait3A_181] : memref<10000x128xbf16, #tpu.memory_space<hbm>> -> memref<10000x128xbf16, #tpu.memory_space<hbm>>
        tpu.wait_indirect_dma semaphore(%arg21 : memref<!tpu.dma_semaphore, #tpu.memory_space<semaphore_mem>>) src(%dma_wait3A_182 : memref<10000x128xbf16, #tpu.memory_space<hbm>>) dst(%arg14 : memref<128x128xbf16, #tpu.memory_space<vmem>>)
        %dma_start3A_183 = arith.constant 0 : i32
        %dma_start3A_184 = tpu.memref_slice %arg13[%add3A_176, %dma_start3A_183] : memref<80x128xi32, #tpu.memory_space<vmem>> -> memref<1x128xi32, #tpu.memory_space<vmem>>
        %dma_start3A_185 = tpu.memref_squeeze %dma_start3A_184 : memref<1x128xi32, #tpu.memory_space<vmem>> -> memref<128xi32, #tpu.memory_space<vmem>>
        %dma_start3A_186 = arith.constant 0 : i32
        %dma_start3A_187 = arith.constant 0 : i32
        %dma_start3A_188 = tpu.memref_slice %arg20[%dma_start3A_186, %dma_start3A_187] : memref<10016x128xbf16, #tpu.memory_space<vmem_shared>> -> memref<10016x128xbf16, #tpu.memory_space<vmem_shared>>
        tpu.enqueue_indirect_dma source(%arg14 : memref<128x128xbf16, #tpu.memory_space<vmem>>) target(%dma_start3A_188 : memref<10016x128xbf16, #tpu.memory_space<vmem_shared>>) offsets(%dma_start3A_185 : memref<128xi32, #tpu.memory_space<vmem>>) semaphore(%arg26 : memref<!tpu.dma_semaphore, #tpu.memory_space<semaphore_mem>>) {add = true}
        %ge3A = arith.constant 1 : i32
        %ge3A_189 = arith.cmpi sge, %add3A_172, %ge3A : i32
        %convert_element_type3A_190 = arith.extui %ge3A_189 : i1 to i32
        %cond3A_191 = arith.constant 0 : i32
        %cond3A_192 = arith.cmpi ne, %convert_element_type3A_190, %cond3A_191 : i32
        scf.if %cond3A_192 {
          %dma_wait3A_285 = arith.constant 0 : i32
          %dma_wait3A_286 = tpu.memref_slice %arg13[%add3A_176, %dma_wait3A_285] : memref<80x128xi32, #tpu.memory_space<vmem>> -> memref<1x128xi32, #tpu.memory_space<vmem>>
          %dma_wait3A_287 = tpu.memref_squeeze %dma_wait3A_286 : memref<1x128xi32, #tpu.memory_space<vmem>> -> memref<128xi32, #tpu.memory_space<vmem>>
          %dma_wait3A_288 = arith.constant 0 : i32
          %dma_wait3A_289 = arith.constant 0 : i32
          %dma_wait3A_290 = tpu.memref_slice %arg20[%dma_wait3A_288, %dma_wait3A_289] : memref<10016x128xbf16, #tpu.memory_space<vmem_shared>> -> memref<10016x128xbf16, #tpu.memory_space<vmem_shared>>
          tpu.wait_indirect_dma semaphore(%arg30 : memref<!tpu.dma_semaphore, #tpu.memory_space<semaphore_mem>>) src(%arg18 : memref<128x128xbf16, #tpu.memory_space<vmem>>) dst(%dma_wait3A_290 : memref<10016x128xbf16, #tpu.memory_space<vmem_shared>>)
        } else {
        }
        %add3A_193 = arith.constant 5 : i32
        %add3A_194 = arith.addi %add3A_176, %add3A_193 : i32
        %sub3A = arith.constant 1 : i32
        %sub3A_195 = arith.subi %add3A_194, %sub3A : i32
        %dma_start3A_196 = arith.constant 0 : i32
        %dma_start3A_197 = tpu.memref_slice %arg12[%sub3A_195, %dma_start3A_196] : memref<80x128xi32, #tpu.memory_space<vmem>> -> memref<1x128xi32, #tpu.memory_space<vmem>>
        %dma_start3A_198 = tpu.memref_squeeze %dma_start3A_197 : memref<1x128xi32, #tpu.memory_space<vmem>> -> memref<128xi32, #tpu.memory_space<vmem>>
        %dma_start3A_199 = arith.constant 0 : i32
        %dma_start3A_200 = arith.constant 0 : i32
        %dma_start3A_201 = tpu.memref_slice %arg4[%dma_start3A_199, %dma_start3A_200] : memref<10000x128xbf16, #tpu.memory_space<hbm>> -> memref<10000x128xbf16, #tpu.memory_space<hbm>>
        tpu.enqueue_indirect_dma source(%dma_start3A_201 : memref<10000x128xbf16, #tpu.memory_space<hbm>>) target(%arg18 : memref<128x128xbf16, #tpu.memory_space<vmem>>) offsets(%dma_start3A_198 : memref<128xi32, #tpu.memory_space<vmem>>) semaphore(%arg25 : memref<!tpu.dma_semaphore, #tpu.memory_space<semaphore_mem>>)
        %mul3A_202 = arith.constant 5 : i32
        %mul3A_203 = arith.muli %add3A_172, %mul3A_202 : i32
        %add3A_204 = arith.constant 1 : i32
        %add3A_205 = arith.addi %mul3A_203, %add3A_204 : i32
        %dma_wait3A_206 = arith.constant 0 : i32
        %dma_wait3A_207 = tpu.memref_slice %arg12[%add3A_205, %dma_wait3A_206] : memref<80x128xi32, #tpu.memory_space<vmem>> -> memref<1x128xi32, #tpu.memory_space<vmem>>
        %dma_wait3A_208 = tpu.memref_squeeze %dma_wait3A_207 : memref<1x128xi32, #tpu.memory_space<vmem>> -> memref<128xi32, #tpu.memory_space<vmem>>
        %dma_wait3A_209 = arith.constant 0 : i32
        %dma_wait3A_210 = arith.constant 0 : i32
        %dma_wait3A_211 = tpu.memref_slice %arg4[%dma_wait3A_209, %dma_wait3A_210] : memref<10000x128xbf16, #tpu.memory_space<hbm>> -> memref<10000x128xbf16, #tpu.memory_space<hbm>>
        tpu.wait_indirect_dma semaphore(%arg22 : memref<!tpu.dma_semaphore, #tpu.memory_space<semaphore_mem>>) src(%dma_wait3A_211 : memref<10000x128xbf16, #tpu.memory_space<hbm>>) dst(%arg15 : memref<128x128xbf16, #tpu.memory_space<vmem>>)
        %dma_start3A_212 = arith.constant 0 : i32
        %dma_start3A_213 = tpu.memref_slice %arg13[%add3A_205, %dma_start3A_212] : memref<80x128xi32, #tpu.memory_space<vmem>> -> memref<1x128xi32, #tpu.memory_space<vmem>>
        %dma_start3A_214 = tpu.memref_squeeze %dma_start3A_213 : memref<1x128xi32, #tpu.memory_space<vmem>> -> memref<128xi32, #tpu.memory_space<vmem>>
        %dma_start3A_215 = arith.constant 0 : i32
        %dma_start3A_216 = arith.constant 0 : i32
        %dma_start3A_217 = tpu.memref_slice %arg20[%dma_start3A_215, %dma_start3A_216] : memref<10016x128xbf16, #tpu.memory_space<vmem_shared>> -> memref<10016x128xbf16, #tpu.memory_space<vmem_shared>>
        tpu.enqueue_indirect_dma source(%arg15 : memref<128x128xbf16, #tpu.memory_space<vmem>>) target(%dma_start3A_217 : memref<10016x128xbf16, #tpu.memory_space<vmem_shared>>) offsets(%dma_start3A_214 : memref<128xi32, #tpu.memory_space<vmem>>) semaphore(%arg27 : memref<!tpu.dma_semaphore, #tpu.memory_space<semaphore_mem>>) {add = true}
        %le3A = arith.constant 14 : i32
        %le3A_218 = arith.cmpi sle, %add3A_172, %le3A : i32
        %convert_element_type3A_219 = arith.extui %le3A_218 : i1 to i32
        %cond3A_220 = arith.constant 0 : i32
        %cond3A_221 = arith.cmpi ne, %convert_element_type3A_219, %cond3A_220 : i32
        scf.if %cond3A_221 {
          %dma_wait3A_285 = arith.constant 0 : i32
          %dma_wait3A_286 = tpu.memref_slice %arg13[%add3A_205, %dma_wait3A_285] : memref<80x128xi32, #tpu.memory_space<vmem>> -> memref<1x128xi32, #tpu.memory_space<vmem>>
          %dma_wait3A_287 = tpu.memref_squeeze %dma_wait3A_286 : memref<1x128xi32, #tpu.memory_space<vmem>> -> memref<128xi32, #tpu.memory_space<vmem>>
          %dma_wait3A_288 = arith.constant 0 : i32
          %dma_wait3A_289 = arith.constant 0 : i32
          %dma_wait3A_290 = tpu.memref_slice %arg20[%dma_wait3A_288, %dma_wait3A_289] : memref<10016x128xbf16, #tpu.memory_space<vmem_shared>> -> memref<10016x128xbf16, #tpu.memory_space<vmem_shared>>
          tpu.wait_indirect_dma semaphore(%arg26 : memref<!tpu.dma_semaphore, #tpu.memory_space<semaphore_mem>>) src(%arg14 : memref<128x128xbf16, #tpu.memory_space<vmem>>) dst(%dma_wait3A_290 : memref<10016x128xbf16, #tpu.memory_space<vmem_shared>>)
          %add3A_291 = arith.constant 5 : i32
          %add3A_292 = arith.addi %add3A_205, %add3A_291 : i32
          %sub3A_293 = arith.constant 1 : i32
          %sub3A_294 = arith.subi %add3A_292, %sub3A_293 : i32
          %dma_start3A_295 = arith.constant 0 : i32
          %dma_start3A_296 = tpu.memref_slice %arg12[%sub3A_294, %dma_start3A_295] : memref<80x128xi32, #tpu.memory_space<vmem>> -> memref<1x128xi32, #tpu.memory_space<vmem>>
          %dma_start3A_297 = tpu.memref_squeeze %dma_start3A_296 : memref<1x128xi32, #tpu.memory_space<vmem>> -> memref<128xi32, #tpu.memory_space<vmem>>
          %dma_start3A_298 = arith.constant 0 : i32
          %dma_start3A_299 = arith.constant 0 : i32
          %dma_start3A_300 = tpu.memref_slice %arg4[%dma_start3A_298, %dma_start3A_299] : memref<10000x128xbf16, #tpu.memory_space<hbm>> -> memref<10000x128xbf16, #tpu.memory_space<hbm>>
          tpu.enqueue_indirect_dma source(%dma_start3A_300 : memref<10000x128xbf16, #tpu.memory_space<hbm>>) target(%arg14 : memref<128x128xbf16, #tpu.memory_space<vmem>>) offsets(%dma_start3A_297 : memref<128xi32, #tpu.memory_space<vmem>>) semaphore(%arg21 : memref<!tpu.dma_semaphore, #tpu.memory_space<semaphore_mem>>)
        } else {
        }
        %mul3A_222 = arith.constant 5 : i32
        %mul3A_223 = arith.muli %add3A_172, %mul3A_222 : i32
        %add3A_224 = arith.constant 2 : i32
        %add3A_225 = arith.addi %mul3A_223, %add3A_224 : i32
        %dma_wait3A_226 = arith.constant 0 : i32
        %dma_wait3A_227 = tpu.memref_slice %arg12[%add3A_225, %dma_wait3A_226] : memref<80x128xi32, #tpu.memory_space<vmem>> -> memref<1x128xi32, #tpu.memory_space<vmem>>
        %dma_wait3A_228 = tpu.memref_squeeze %dma_wait3A_227 : memref<1x128xi32, #tpu.memory_space<vmem>> -> memref<128xi32, #tpu.memory_space<vmem>>
        %dma_wait3A_229 = arith.constant 0 : i32
        %dma_wait3A_230 = arith.constant 0 : i32
        %dma_wait3A_231 = tpu.memref_slice %arg4[%dma_wait3A_229, %dma_wait3A_230] : memref<10000x128xbf16, #tpu.memory_space<hbm>> -> memref<10000x128xbf16, #tpu.memory_space<hbm>>
        tpu.wait_indirect_dma semaphore(%arg23 : memref<!tpu.dma_semaphore, #tpu.memory_space<semaphore_mem>>) src(%dma_wait3A_231 : memref<10000x128xbf16, #tpu.memory_space<hbm>>) dst(%arg16 : memref<128x128xbf16, #tpu.memory_space<vmem>>)
        %dma_start3A_232 = arith.constant 0 : i32
        %dma_start3A_233 = tpu.memref_slice %arg13[%add3A_225, %dma_start3A_232] : memref<80x128xi32, #tpu.memory_space<vmem>> -> memref<1x128xi32, #tpu.memory_space<vmem>>
        %dma_start3A_234 = tpu.memref_squeeze %dma_start3A_233 : memref<1x128xi32, #tpu.memory_space<vmem>> -> memref<128xi32, #tpu.memory_space<vmem>>
        %dma_start3A_235 = arith.constant 0 : i32
        %dma_start3A_236 = arith.constant 0 : i32
        %dma_start3A_237 = tpu.memref_slice %arg20[%dma_start3A_235, %dma_start3A_236] : memref<10016x128xbf16, #tpu.memory_space<vmem_shared>> -> memref<10016x128xbf16, #tpu.memory_space<vmem_shared>>
        tpu.enqueue_indirect_dma source(%arg16 : memref<128x128xbf16, #tpu.memory_space<vmem>>) target(%dma_start3A_237 : memref<10016x128xbf16, #tpu.memory_space<vmem_shared>>) offsets(%dma_start3A_234 : memref<128xi32, #tpu.memory_space<vmem>>) semaphore(%arg28 : memref<!tpu.dma_semaphore, #tpu.memory_space<semaphore_mem>>) {add = true}
        %le3A_238 = arith.constant 14 : i32
        %le3A_239 = arith.cmpi sle, %add3A_172, %le3A_238 : i32
        %convert_element_type3A_240 = arith.extui %le3A_239 : i1 to i32
        %cond3A_241 = arith.constant 0 : i32
        %cond3A_242 = arith.cmpi ne, %convert_element_type3A_240, %cond3A_241 : i32
        scf.if %cond3A_242 {
          %dma_wait3A_285 = arith.constant 0 : i32
          %dma_wait3A_286 = tpu.memref_slice %arg13[%add3A_225, %dma_wait3A_285] : memref<80x128xi32, #tpu.memory_space<vmem>> -> memref<1x128xi32, #tpu.memory_space<vmem>>
          %dma_wait3A_287 = tpu.memref_squeeze %dma_wait3A_286 : memref<1x128xi32, #tpu.memory_space<vmem>> -> memref<128xi32, #tpu.memory_space<vmem>>
          %dma_wait3A_288 = arith.constant 0 : i32
          %dma_wait3A_289 = arith.constant 0 : i32
          %dma_wait3A_290 = tpu.memref_slice %arg20[%dma_wait3A_288, %dma_wait3A_289] : memref<10016x128xbf16, #tpu.memory_space<vmem_shared>> -> memref<10016x128xbf16, #tpu.memory_space<vmem_shared>>
          tpu.wait_indirect_dma semaphore(%arg27 : memref<!tpu.dma_semaphore, #tpu.memory_space<semaphore_mem>>) src(%arg15 : memref<128x128xbf16, #tpu.memory_space<vmem>>) dst(%dma_wait3A_290 : memref<10016x128xbf16, #tpu.memory_space<vmem_shared>>)
          %add3A_291 = arith.constant 5 : i32
          %add3A_292 = arith.addi %add3A_225, %add3A_291 : i32
          %sub3A_293 = arith.constant 1 : i32
          %sub3A_294 = arith.subi %add3A_292, %sub3A_293 : i32
          %dma_start3A_295 = arith.constant 0 : i32
          %dma_start3A_296 = tpu.memref_slice %arg12[%sub3A_294, %dma_start3A_295] : memref<80x128xi32, #tpu.memory_space<vmem>> -> memref<1x128xi32, #tpu.memory_space<vmem>>
          %dma_start3A_297 = tpu.memref_squeeze %dma_start3A_296 : memref<1x128xi32, #tpu.memory_space<vmem>> -> memref<128xi32, #tpu.memory_space<vmem>>
          %dma_start3A_298 = arith.constant 0 : i32
          %dma_start3A_299 = arith.constant 0 : i32
          %dma_start3A_300 = tpu.memref_slice %arg4[%dma_start3A_298, %dma_start3A_299] : memref<10000x128xbf16, #tpu.memory_space<hbm>> -> memref<10000x128xbf16, #tpu.memory_space<hbm>>
          tpu.enqueue_indirect_dma source(%dma_start3A_300 : memref<10000x128xbf16, #tpu.memory_space<hbm>>) target(%arg15 : memref<128x128xbf16, #tpu.memory_space<vmem>>) offsets(%dma_start3A_297 : memref<128xi32, #tpu.memory_space<vmem>>) semaphore(%arg22 : memref<!tpu.dma_semaphore, #tpu.memory_space<semaphore_mem>>)
        } else {
        }
        %mul3A_243 = arith.constant 5 : i32
        %mul3A_244 = arith.muli %add3A_172, %mul3A_243 : i32
        %add3A_245 = arith.constant 3 : i32
        %add3A_246 = arith.addi %mul3A_244, %add3A_245 : i32
        %dma_wait3A_247 = arith.constant 0 : i32
        %dma_wait3A_248 = tpu.memref_slice %arg12[%add3A_246, %dma_wait3A_247] : memref<80x128xi32, #tpu.memory_space<vmem>> -> memref<1x128xi32, #tpu.memory_space<vmem>>
        %dma_wait3A_249 = tpu.memref_squeeze %dma_wait3A_248 : memref<1x128xi32, #tpu.memory_space<vmem>> -> memref<128xi32, #tpu.memory_space<vmem>>
        %dma_wait3A_250 = arith.constant 0 : i32
        %dma_wait3A_251 = arith.constant 0 : i32
        %dma_wait3A_252 = tpu.memref_slice %arg4[%dma_wait3A_250, %dma_wait3A_251] : memref<10000x128xbf16, #tpu.memory_space<hbm>> -> memref<10000x128xbf16, #tpu.memory_space<hbm>>
        tpu.wait_indirect_dma semaphore(%arg24 : memref<!tpu.dma_semaphore, #tpu.memory_space<semaphore_mem>>) src(%dma_wait3A_252 : memref<10000x128xbf16, #tpu.memory_space<hbm>>) dst(%arg17 : memref<128x128xbf16, #tpu.memory_space<vmem>>)
        %dma_start3A_253 = arith.constant 0 : i32
        %dma_start3A_254 = tpu.memref_slice %arg13[%add3A_246, %dma_start3A_253] : memref<80x128xi32, #tpu.memory_space<vmem>> -> memref<1x128xi32, #tpu.memory_space<vmem>>
        %dma_start3A_255 = tpu.memref_squeeze %dma_start3A_254 : memref<1x128xi32, #tpu.memory_space<vmem>> -> memref<128xi32, #tpu.memory_space<vmem>>
        %dma_start3A_256 = arith.constant 0 : i32
        %dma_start3A_257 = arith.constant 0 : i32
        %dma_start3A_258 = tpu.memref_slice %arg20[%dma_start3A_256, %dma_start3A_257] : memref<10016x128xbf16, #tpu.memory_space<vmem_shared>> -> memref<10016x128xbf16, #tpu.memory_space<vmem_shared>>
        tpu.enqueue_indirect_dma source(%arg17 : memref<128x128xbf16, #tpu.memory_space<vmem>>) target(%dma_start3A_258 : memref<10016x128xbf16, #tpu.memory_space<vmem_shared>>) offsets(%dma_start3A_255 : memref<128xi32, #tpu.memory_space<vmem>>) semaphore(%arg29 : memref<!tpu.dma_semaphore, #tpu.memory_space<semaphore_mem>>) {add = true}
        %le3A_259 = arith.constant 14 : i32
        %le3A_260 = arith.cmpi sle, %add3A_172, %le3A_259 : i32
        %convert_element_type3A_261 = arith.extui %le3A_260 : i1 to i32
        %cond3A_262 = arith.constant 0 : i32
        %cond3A_263 = arith.cmpi ne, %convert_element_type3A_261, %cond3A_262 : i32
        scf.if %cond3A_263 {
          %dma_wait3A_285 = arith.constant 0 : i32
          %dma_wait3A_286 = tpu.memref_slice %arg13[%add3A_246, %dma_wait3A_285] : memref<80x128xi32, #tpu.memory_space<vmem>> -> memref<1x128xi32, #tpu.memory_space<vmem>>
          %dma_wait3A_287 = tpu.memref_squeeze %dma_wait3A_286 : memref<1x128xi32, #tpu.memory_space<vmem>> -> memref<128xi32, #tpu.memory_space<vmem>>
          %dma_wait3A_288 = arith.constant 0 : i32
          %dma_wait3A_289 = arith.constant 0 : i32
          %dma_wait3A_290 = tpu.memref_slice %arg20[%dma_wait3A_288, %dma_wait3A_289] : memref<10016x128xbf16, #tpu.memory_space<vmem_shared>> -> memref<10016x128xbf16, #tpu.memory_space<vmem_shared>>
          tpu.wait_indirect_dma semaphore(%arg28 : memref<!tpu.dma_semaphore, #tpu.memory_space<semaphore_mem>>) src(%arg16 : memref<128x128xbf16, #tpu.memory_space<vmem>>) dst(%dma_wait3A_290 : memref<10016x128xbf16, #tpu.memory_space<vmem_shared>>)
          %add3A_291 = arith.constant 5 : i32
          %add3A_292 = arith.addi %add3A_246, %add3A_291 : i32
          %sub3A_293 = arith.constant 1 : i32
          %sub3A_294 = arith.subi %add3A_292, %sub3A_293 : i32
          %dma_start3A_295 = arith.constant 0 : i32
          %dma_start3A_296 = tpu.memref_slice %arg12[%sub3A_294, %dma_start3A_295] : memref<80x128xi32, #tpu.memory_space<vmem>> -> memref<1x128xi32, #tpu.memory_space<vmem>>
          %dma_start3A_297 = tpu.memref_squeeze %dma_start3A_296 : memref<1x128xi32, #tpu.memory_space<vmem>> -> memref<128xi32, #tpu.memory_space<vmem>>
          %dma_start3A_298 = arith.constant 0 : i32
          %dma_start3A_299 = arith.constant 0 : i32
          %dma_start3A_300 = tpu.memref_slice %arg4[%dma_start3A_298, %dma_start3A_299] : memref<10000x128xbf16, #tpu.memory_space<hbm>> -> memref<10000x128xbf16, #tpu.memory_space<hbm>>
          tpu.enqueue_indirect_dma source(%dma_start3A_300 : memref<10000x128xbf16, #tpu.memory_space<hbm>>) target(%arg16 : memref<128x128xbf16, #tpu.memory_space<vmem>>) offsets(%dma_start3A_297 : memref<128xi32, #tpu.memory_space<vmem>>) semaphore(%arg23 : memref<!tpu.dma_semaphore, #tpu.memory_space<semaphore_mem>>)
        } else {
        }
        %mul3A_264 = arith.constant 5 : i32
        %mul3A_265 = arith.muli %add3A_172, %mul3A_264 : i32
        %add3A_266 = arith.constant 4 : i32
        %add3A_267 = arith.addi %mul3A_265, %add3A_266 : i32
        %dma_wait3A_268 = arith.constant 0 : i32
        %dma_wait3A_269 = tpu.memref_slice %arg12[%add3A_267, %dma_wait3A_268] : memref<80x128xi32, #tpu.memory_space<vmem>> -> memref<1x128xi32, #tpu.memory_space<vmem>>
        %dma_wait3A_270 = tpu.memref_squeeze %dma_wait3A_269 : memref<1x128xi32, #tpu.memory_space<vmem>> -> memref<128xi32, #tpu.memory_space<vmem>>
        %dma_wait3A_271 = arith.constant 0 : i32
        %dma_wait3A_272 = arith.constant 0 : i32
        %dma_wait3A_273 = tpu.memref_slice %arg4[%dma_wait3A_271, %dma_wait3A_272] : memref<10000x128xbf16, #tpu.memory_space<hbm>> -> memref<10000x128xbf16, #tpu.memory_space<hbm>>
        tpu.wait_indirect_dma semaphore(%arg25 : memref<!tpu.dma_semaphore, #tpu.memory_space<semaphore_mem>>) src(%dma_wait3A_273 : memref<10000x128xbf16, #tpu.memory_space<hbm>>) dst(%arg18 : memref<128x128xbf16, #tpu.memory_space<vmem>>)
        %dma_start3A_274 = arith.constant 0 : i32
        %dma_start3A_275 = tpu.memref_slice %arg13[%add3A_267, %dma_start3A_274] : memref<80x128xi32, #tpu.memory_space<vmem>> -> memref<1x128xi32, #tpu.memory_space<vmem>>
        %dma_start3A_276 = tpu.memref_squeeze %dma_start3A_275 : memref<1x128xi32, #tpu.memory_space<vmem>> -> memref<128xi32, #tpu.memory_space<vmem>>
        %dma_start3A_277 = arith.constant 0 : i32
        %dma_start3A_278 = arith.constant 0 : i32
        %dma_start3A_279 = tpu.memref_slice %arg20[%dma_start3A_277, %dma_start3A_278] : memref<10016x128xbf16, #tpu.memory_space<vmem_shared>> -> memref<10016x128xbf16, #tpu.memory_space<vmem_shared>>
        tpu.enqueue_indirect_dma source(%arg18 : memref<128x128xbf16, #tpu.memory_space<vmem>>) target(%dma_start3A_279 : memref<10016x128xbf16, #tpu.memory_space<vmem_shared>>) offsets(%dma_start3A_276 : memref<128xi32, #tpu.memory_space<vmem>>) semaphore(%arg30 : memref<!tpu.dma_semaphore, #tpu.memory_space<semaphore_mem>>) {add = true}
        %le3A_280 = arith.constant 14 : i32
        %le3A_281 = arith.cmpi sle, %add3A_172, %le3A_280 : i32
        %convert_element_type3A_282 = arith.extui %le3A_281 : i1 to i32
        %cond3A_283 = arith.constant 0 : i32
        %cond3A_284 = arith.cmpi ne, %convert_element_type3A_282, %cond3A_283 : i32
        scf.if %cond3A_284 {
          %dma_wait3A_285 = arith.constant 0 : i32
          %dma_wait3A_286 = tpu.memref_slice %arg13[%add3A_267, %dma_wait3A_285] : memref<80x128xi32, #tpu.memory_space<vmem>> -> memref<1x128xi32, #tpu.memory_space<vmem>>
          %dma_wait3A_287 = tpu.memref_squeeze %dma_wait3A_286 : memref<1x128xi32, #tpu.memory_space<vmem>> -> memref<128xi32, #tpu.memory_space<vmem>>
          %dma_wait3A_288 = arith.constant 0 : i32
          %dma_wait3A_289 = arith.constant 0 : i32
          %dma_wait3A_290 = tpu.memref_slice %arg20[%dma_wait3A_288, %dma_wait3A_289] : memref<10016x128xbf16, #tpu.memory_space<vmem_shared>> -> memref<10016x128xbf16, #tpu.memory_space<vmem_shared>>
          tpu.wait_indirect_dma semaphore(%arg29 : memref<!tpu.dma_semaphore, #tpu.memory_space<semaphore_mem>>) src(%arg17 : memref<128x128xbf16, #tpu.memory_space<vmem>>) dst(%dma_wait3A_290 : memref<10016x128xbf16, #tpu.memory_space<vmem_shared>>)
          %add3A_291 = arith.constant 5 : i32
          %add3A_292 = arith.addi %add3A_267, %add3A_291 : i32
          %sub3A_293 = arith.constant 1 : i32
          %sub3A_294 = arith.subi %add3A_292, %sub3A_293 : i32
          %dma_start3A_295 = arith.constant 0 : i32
          %dma_start3A_296 = tpu.memref_slice %arg12[%sub3A_294, %dma_start3A_295] : memref<80x128xi32, #tpu.memory_space<vmem>> -> memref<1x128xi32, #tpu.memory_space<vmem>>
          %dma_start3A_297 = tpu.memref_squeeze %dma_start3A_296 : memref<1x128xi32, #tpu.memory_space<vmem>> -> memref<128xi32, #tpu.memory_space<vmem>>
          %dma_start3A_298 = arith.constant 0 : i32
          %dma_start3A_299 = arith.constant 0 : i32
          %dma_start3A_300 = tpu.memref_slice %arg4[%dma_start3A_298, %dma_start3A_299] : memref<10000x128xbf16, #tpu.memory_space<hbm>> -> memref<10000x128xbf16, #tpu.memory_space<hbm>>
          tpu.enqueue_indirect_dma source(%dma_start3A_300 : memref<10000x128xbf16, #tpu.memory_space<hbm>>) target(%arg17 : memref<128x128xbf16, #tpu.memory_space<vmem>>) offsets(%dma_start3A_297 : memref<128xi32, #tpu.memory_space<vmem>>) semaphore(%arg24 : memref<!tpu.dma_semaphore, #tpu.memory_space<semaphore_mem>>)
        } else {
        }
      }
      %scan3A_47 = arith.constant 16 : i32
      %dma_wait3A = arith.constant 0 : i32
      %dma_wait3A_48 = arith.constant 0 : i32
      %dma_wait3A_49 = tpu.memref_slice %arg13[%dma_wait3A, %dma_wait3A_48] : memref<80x128xi32, #tpu.memory_space<vmem>> -> memref<1x128xi32, #tpu.memory_space<vmem>>
      %dma_wait3A_50 = tpu.memref_squeeze %dma_wait3A_49 : memref<1x128xi32, #tpu.memory_space<vmem>> -> memref<128xi32, #tpu.memory_space<vmem>>
      %dma_wait3A_51 = arith.constant 0 : i32
      %dma_wait3A_52 = arith.constant 0 : i32
      %dma_wait3A_53 = tpu.memref_slice %arg20[%dma_wait3A_51, %dma_wait3A_52] : memref<10016x128xbf16, #tpu.memory_space<vmem_shared>> -> memref<10016x128xbf16, #tpu.memory_space<vmem_shared>>
      tpu.wait_indirect_dma semaphore(%arg26 : memref<!tpu.dma_semaphore, #tpu.memory_space<semaphore_mem>>) src(%arg14 : memref<128x128xbf16, #tpu.memory_space<vmem>>) dst(%dma_wait3A_53 : memref<10016x128xbf16, #tpu.memory_space<vmem_shared>>)
      %dma_wait3A_54 = arith.constant 0 : i32
      %dma_wait3A_55 = arith.constant 0 : i32
      %dma_wait3A_56 = tpu.memref_slice %arg13[%dma_wait3A_54, %dma_wait3A_55] : memref<80x128xi32, #tpu.memory_space<vmem>> -> memref<1x128xi32, #tpu.memory_space<vmem>>
      %dma_wait3A_57 = tpu.memref_squeeze %dma_wait3A_56 : memref<1x128xi32, #tpu.memory_space<vmem>> -> memref<128xi32, #tpu.memory_space<vmem>>
      %dma_wait3A_58 = arith.constant 0 : i32
      %dma_wait3A_59 = arith.constant 0 : i32
      %dma_wait3A_60 = tpu.memref_slice %arg20[%dma_wait3A_58, %dma_wait3A_59] : memref<10016x128xbf16, #tpu.memory_space<vmem_shared>> -> memref<10016x128xbf16, #tpu.memory_space<vmem_shared>>
      tpu.wait_indirect_dma semaphore(%arg27 : memref<!tpu.dma_semaphore, #tpu.memory_space<semaphore_mem>>) src(%arg15 : memref<128x128xbf16, #tpu.memory_space<vmem>>) dst(%dma_wait3A_60 : memref<10016x128xbf16, #tpu.memory_space<vmem_shared>>)
      %dma_wait3A_61 = arith.constant 0 : i32
      %dma_wait3A_62 = arith.constant 0 : i32
      %dma_wait3A_63 = tpu.memref_slice %arg13[%dma_wait3A_61, %dma_wait3A_62] : memref<80x128xi32, #tpu.memory_space<vmem>> -> memref<1x128xi32, #tpu.memory_space<vmem>>
      %dma_wait3A_64 = tpu.memref_squeeze %dma_wait3A_63 : memref<1x128xi32, #tpu.memory_space<vmem>> -> memref<128xi32, #tpu.memory_space<vmem>>
      %dma_wait3A_65 = arith.constant 0 : i32
      %dma_wait3A_66 = arith.constant 0 : i32
      %dma_wait3A_67 = tpu.memref_slice %arg20[%dma_wait3A_65, %dma_wait3A_66] : memref<10016x128xbf16, #tpu.memory_space<vmem_shared>> -> memref<10016x128xbf16, #tpu.memory_space<vmem_shared>>
      tpu.wait_indirect_dma semaphore(%arg28 : memref<!tpu.dma_semaphore, #tpu.memory_space<semaphore_mem>>) src(%arg16 : memref<128x128xbf16, #tpu.memory_space<vmem>>) dst(%dma_wait3A_67 : memref<10016x128xbf16, #tpu.memory_space<vmem_shared>>)
      %dma_wait3A_68 = arith.constant 0 : i32
      %dma_wait3A_69 = arith.constant 0 : i32
      %dma_wait3A_70 = tpu.memref_slice %arg13[%dma_wait3A_68, %dma_wait3A_69] : memref<80x128xi32, #tpu.memory_space<vmem>> -> memref<1x128xi32, #tpu.memory_space<vmem>>
      %dma_wait3A_71 = tpu.memref_squeeze %dma_wait3A_70 : memref<1x128xi32, #tpu.memory_space<vmem>> -> memref<128xi32, #tpu.memory_space<vmem>>
      %dma_wait3A_72 = arith.constant 0 : i32
      %dma_wait3A_73 = arith.constant 0 : i32
      %dma_wait3A_74 = tpu.memref_slice %arg20[%dma_wait3A_72, %dma_wait3A_73] : memref<10016x128xbf16, #tpu.memory_space<vmem_shared>> -> memref<10016x128xbf16, #tpu.memory_space<vmem_shared>>
      tpu.wait_indirect_dma semaphore(%arg29 : memref<!tpu.dma_semaphore, #tpu.memory_space<semaphore_mem>>) src(%arg17 : memref<128x128xbf16, #tpu.memory_space<vmem>>) dst(%dma_wait3A_74 : memref<10016x128xbf16, #tpu.memory_space<vmem_shared>>)
      %dma_wait3A_75 = arith.constant 0 : i32
      %dma_wait3A_76 = arith.constant 0 : i32
      %dma_wait3A_77 = tpu.memref_slice %arg13[%dma_wait3A_75, %dma_wait3A_76] : memref<80x128xi32, #tpu.memory_space<vmem>> -> memref<1x128xi32, #tpu.memory_space<vmem>>
      %dma_wait3A_78 = tpu.memref_squeeze %dma_wait3A_77 : memref<1x128xi32, #tpu.memory_space<vmem>> -> memref<128xi32, #tpu.memory_space<vmem>>
      %dma_wait3A_79 = arith.constant 0 : i32
      %dma_wait3A_80 = arith.constant 0 : i32
      %dma_wait3A_81 = tpu.memref_slice %arg20[%dma_wait3A_79, %dma_wait3A_80] : memref<10016x128xbf16, #tpu.memory_space<vmem_shared>> -> memref<10016x128xbf16, #tpu.memory_space<vmem_shared>>
      tpu.wait_indirect_dma semaphore(%arg30 : memref<!tpu.dma_semaphore, #tpu.memory_space<semaphore_mem>>) src(%arg18 : memref<128x128xbf16, #tpu.memory_space<vmem>>) dst(%dma_wait3A_81 : memref<10016x128xbf16, #tpu.memory_space<vmem_shared>>)
      %barrier3A_82 = arith.constant 0 : index
      tpu.barrier barrier_id(%barrier3A_82)
      %lt3A_83 = arith.constant 10 : i32
      %lt3A_84 = arith.cmpi slt, %arg1, %lt3A_83 : i32
      %convert_element_type3A_85 = arith.extui %lt3A_84 : i1 to i32
      %cond3A_86 = arith.constant 0 : i32
      %cond3A_87 = arith.cmpi ne, %convert_element_type3A_85, %cond3A_86 : i32
      scf.if %cond3A_87 {
        %mul3A = arith.constant 1000 : i32
        %mul3A_170 = arith.muli %arg1, %mul3A : i32
        %mul3A_171 = arith.constant 1000 : i32
        %mul3A_172 = arith.muli %arg1, %mul3A_171 : i32
        "tpu.region"() ({
          %run_scoped3A = tpu.sem_alloc : memref<!tpu.dma_semaphore, #tpu.memory_space<semaphore_mem>>
          %dma_start3A_173 = arith.constant 0 : i32
          %dma_start3A_174 = tpu.memref_slice %arg8[%mul3A_172, %dma_start3A_173] : memref<10000x128xbf16, #tpu.memory_space<hbm>> -> memref<1000x128xbf16, #tpu.memory_space<hbm>>
          %dma_start3A_175 = arith.constant 0 : i32
          %dma_start3A_176 = tpu.memref_slice %arg20[%mul3A_170, %dma_start3A_175] : memref<10016x128xbf16, #tpu.memory_space<vmem_shared>> -> memref<1000x128xbf16, #tpu.memory_space<vmem_shared>>
          tpu.enqueue_dma source(%dma_start3A_176 : memref<1000x128xbf16, #tpu.memory_space<vmem_shared>>) target(%dma_start3A_174 : memref<1000x128xbf16, #tpu.memory_space<hbm>>) target_semaphore(%run_scoped3A : memref<!tpu.dma_semaphore, #tpu.memory_space<semaphore_mem>>)
          %dma_wait3A_177 = arith.constant 0 : i32
          %dma_wait3A_178 = tpu.memref_slice %arg8[%mul3A_172, %dma_wait3A_177] : memref<10000x128xbf16, #tpu.memory_space<hbm>> -> memref<1000x128xbf16, #tpu.memory_space<hbm>>
          %dma_wait3A_179 = arith.constant 0 : i32
          %dma_wait3A_180 = tpu.memref_slice %arg20[%mul3A_170, %dma_wait3A_179] : memref<10016x128xbf16, #tpu.memory_space<vmem_shared>> -> memref<1000x128xbf16, #tpu.memory_space<vmem_shared>>
          tpu.wait_dma2 semaphore(%run_scoped3A : memref<!tpu.dma_semaphore, #tpu.memory_space<semaphore_mem>>) src(%dma_wait3A_180 : memref<1000x128xbf16, #tpu.memory_space<vmem_shared>>) dst(%dma_wait3A_178 : memref<1000x128xbf16, #tpu.memory_space<hbm>>)
          tpu.yield
        }) : () -> ()
      } else {
      }
      %barrier3A_88 = arith.constant 0 : index
      tpu.barrier barrier_id(%barrier3A_88)
      %dma_start3A_89 = arith.constant 0 : i32
      %dma_start3A_90 = arith.constant 0 : i32
      %dma_start3A_91 = tpu.memref_slice %arg12[%dma_start3A_89, %dma_start3A_90] : memref<80x128xi32, #tpu.memory_space<vmem>> -> memref<1x128xi32, #tpu.memory_space<vmem>>
      %dma_start3A_92 = tpu.memref_squeeze %dma_start3A_91 : memref<1x128xi32, #tpu.memory_space<vmem>> -> memref<128xi32, #tpu.memory_space<vmem>>
      %dma_start3A_93 = arith.constant 0 : i32
      %dma_start3A_94 = arith.constant 0 : i32
      %dma_start3A_95 = tpu.memref_slice %arg5[%dma_start3A_93, %dma_start3A_94] : memref<10000x128xbf16, #tpu.memory_space<hbm>> -> memref<10000x128xbf16, #tpu.memory_space<hbm>>
      tpu.enqueue_indirect_dma source(%dma_start3A_95 : memref<10000x128xbf16, #tpu.memory_space<hbm>>) target(%arg14 : memref<128x128xbf16, #tpu.memory_space<vmem>>) offsets(%dma_start3A_92 : memref<128xi32, #tpu.memory_space<vmem>>) semaphore(%arg21 : memref<!tpu.dma_semaphore, #tpu.memory_space<semaphore_mem>>)
      %dma_start3A_96 = arith.constant 1 : i32
      %dma_start3A_97 = arith.constant 0 : i32
      %dma_start3A_98 = tpu.memref_slice %arg12[%dma_start3A_96, %dma_start3A_97] : memref<80x128xi32, #tpu.memory_space<vmem>> -> memref<1x128xi32, #tpu.memory_space<vmem>>
      %dma_start3A_99 = tpu.memref_squeeze %dma_start3A_98 : memref<1x128xi32, #tpu.memory_space<vmem>> -> memref<128xi32, #tpu.memory_space<vmem>>
      %dma_start3A_100 = arith.constant 0 : i32
      %dma_start3A_101 = arith.constant 0 : i32
      %dma_start3A_102 = tpu.memref_slice %arg5[%dma_start3A_100, %dma_start3A_101] : memref<10000x128xbf16, #tpu.memory_space<hbm>> -> memref<10000x128xbf16, #tpu.memory_space<hbm>>
      tpu.enqueue_indirect_dma source(%dma_start3A_102 : memref<10000x128xbf16, #tpu.memory_space<hbm>>) target(%arg15 : memref<128x128xbf16, #tpu.memory_space<vmem>>) offsets(%dma_start3A_99 : memref<128xi32, #tpu.memory_space<vmem>>) semaphore(%arg22 : memref<!tpu.dma_semaphore, #tpu.memory_space<semaphore_mem>>)
      %dma_start3A_103 = arith.constant 2 : i32
      %dma_start3A_104 = arith.constant 0 : i32
      %dma_start3A_105 = tpu.memref_slice %arg12[%dma_start3A_103, %dma_start3A_104] : memref<80x128xi32, #tpu.memory_space<vmem>> -> memref<1x128xi32, #tpu.memory_space<vmem>>
      %dma_start3A_106 = tpu.memref_squeeze %dma_start3A_105 : memref<1x128xi32, #tpu.memory_space<vmem>> -> memref<128xi32, #tpu.memory_space<vmem>>
      %dma_start3A_107 = arith.constant 0 : i32
      %dma_start3A_108 = arith.constant 0 : i32
      %dma_start3A_109 = tpu.memref_slice %arg5[%dma_start3A_107, %dma_start3A_108] : memref<10000x128xbf16, #tpu.memory_space<hbm>> -> memref<10000x128xbf16, #tpu.memory_space<hbm>>
      tpu.enqueue_indirect_dma source(%dma_start3A_109 : memref<10000x128xbf16, #tpu.memory_space<hbm>>) target(%arg16 : memref<128x128xbf16, #tpu.memory_space<vmem>>) offsets(%dma_start3A_106 : memref<128xi32, #tpu.memory_space<vmem>>) semaphore(%arg23 : memref<!tpu.dma_semaphore, #tpu.memory_space<semaphore_mem>>)
      %dma_start3A_110 = arith.constant 3 : i32
      %dma_start3A_111 = arith.constant 0 : i32
      %dma_start3A_112 = tpu.memref_slice %arg12[%dma_start3A_110, %dma_start3A_111] : memref<80x128xi32, #tpu.memory_space<vmem>> -> memref<1x128xi32, #tpu.memory_space<vmem>>
      %dma_start3A_113 = tpu.memref_squeeze %dma_start3A_112 : memref<1x128xi32, #tpu.memory_space<vmem>> -> memref<128xi32, #tpu.memory_space<vmem>>
      %dma_start3A_114 = arith.constant 0 : i32
      %dma_start3A_115 = arith.constant 0 : i32
      %dma_start3A_116 = tpu.memref_slice %arg5[%dma_start3A_114, %dma_start3A_115] : memref<10000x128xbf16, #tpu.memory_space<hbm>> -> memref<10000x128xbf16, #tpu.memory_space<hbm>>
      tpu.enqueue_indirect_dma source(%dma_start3A_116 : memref<10000x128xbf16, #tpu.memory_space<hbm>>) target(%arg17 : memref<128x128xbf16, #tpu.memory_space<vmem>>) offsets(%dma_start3A_113 : memref<128xi32, #tpu.memory_space<vmem>>) semaphore(%arg24 : memref<!tpu.dma_semaphore, #tpu.memory_space<semaphore_mem>>)
      %lt3A_117 = arith.constant 10 : i32
      %lt3A_118 = arith.cmpi slt, %arg1, %lt3A_117 : i32
      %convert_element_type3A_119 = arith.extui %lt3A_118 : i1 to i32
      %cond3A_120 = arith.constant 0 : i32
      %cond3A_121 = arith.cmpi ne, %convert_element_type3A_119, %cond3A_120 : i32
      scf.if %cond3A_121 {
        %scan3A_170 = arith.constant 0 : i32
        %scan3A_171 = arith.constant 5 : i32
        %scan3A_172 = arith.addi %scan3A_170, %scan3A_171 : i32
        %scan3A_173 = arith.constant 1 : i32
        scf.for %scan3A_175 = %scan3A_170 to %scan3A_172 step %scan3A_173  : i32 {
          %mul3A = arith.constant 1 : i32
          %mul3A_176 = arith.muli %scan3A_175, %mul3A : i32
          %add3A = arith.constant 0 : i32
          %add3A_177 = arith.addi %add3A, %mul3A_176 : i32
          %mul3A_178 = arith.constant 1000 : i32
          %mul3A_179 = arith.muli %arg1, %mul3A_178 : i32
          %mul3A_180 = arith.constant 200 : i32
          %mul3A_181 = arith.muli %add3A_177, %mul3A_180 : i32
          %add3A_182 = arith.addi %mul3A_179, %mul3A_181 : i32
          "tpu.region"() ({
            %run_scoped3A = tpu.sem_alloc : memref<!tpu.dma_semaphore, #tpu.memory_space<semaphore_mem>>
            %dma_start3A_183 = arith.constant 0 : i32
            %dma_start3A_184 = tpu.memref_slice %arg20[%add3A_182, %dma_start3A_183] : memref<10016x128xbf16, #tpu.memory_space<vmem_shared>> -> memref<200x128xbf16, #tpu.memory_space<vmem_shared>>
            %dma_start3A_185 = arith.constant 0 : i32
            %dma_start3A_186 = tpu.memref_slice %arg20[%add3A_182, %dma_start3A_185] : memref<10016x128xbf16, #tpu.memory_space<vmem_shared>> -> memref<200x128xbf16, #tpu.memory_space<vmem_shared>>
            tpu.enqueue_dma source(%arg19 : memref<200x128xbf16, #tpu.memory_space<vmem>>) target(%dma_start3A_186 : memref<200x128xbf16, #tpu.memory_space<vmem_shared>>) target_semaphore(%run_scoped3A : memref<!tpu.dma_semaphore, #tpu.memory_space<semaphore_mem>>)
            %dma_wait3A_187 = arith.constant 0 : i32
            %dma_wait3A_188 = tpu.memref_slice %arg20[%add3A_182, %dma_wait3A_187] : memref<10016x128xbf16, #tpu.memory_space<vmem_shared>> -> memref<200x128xbf16, #tpu.memory_space<vmem_shared>>
            %dma_wait3A_189 = arith.constant 0 : i32
            %dma_wait3A_190 = tpu.memref_slice %arg20[%add3A_182, %dma_wait3A_189] : memref<10016x128xbf16, #tpu.memory_space<vmem_shared>> -> memref<200x128xbf16, #tpu.memory_space<vmem_shared>>
            tpu.wait_dma2 semaphore(%run_scoped3A : memref<!tpu.dma_semaphore, #tpu.memory_space<semaphore_mem>>) src(%arg19 : memref<200x128xbf16, #tpu.memory_space<vmem>>) dst(%dma_wait3A_190 : memref<200x128xbf16, #tpu.memory_space<vmem_shared>>)
            tpu.yield
          }) : () -> ()
        }
        %scan3A_174 = arith.constant 5 : i32
      } else {
      }
      %barrier3A_122 = arith.constant 0 : index
      tpu.barrier barrier_id(%barrier3A_122)
      %scan3A_123 = arith.constant 0 : i32
      %scan3A_124 = arith.constant 16 : i32
      %scan3A_125 = arith.addi %scan3A_123, %scan3A_124 : i32
      %scan3A_126 = arith.constant 1 : i32
      scf.for %scan3A_170 = %scan3A_123 to %scan3A_125 step %scan3A_126  : i32 {
        %mul3A = arith.constant 1 : i32
        %mul3A_171 = arith.muli %scan3A_170, %mul3A : i32
        %add3A = arith.constant 0 : i32
        %add3A_172 = arith.addi %add3A, %mul3A_171 : i32
        %mul3A_173 = arith.constant 5 : i32
        %mul3A_174 = arith.muli %add3A_172, %mul3A_173 : i32
        %add3A_175 = arith.constant 0 : i32
        %add3A_176 = arith.addi %mul3A_174, %add3A_175 : i32
        %dma_wait3A_177 = arith.constant 0 : i32
        %dma_wait3A_178 = tpu.memref_slice %arg12[%add3A_176, %dma_wait3A_177] : memref<80x128xi32, #tpu.memory_space<vmem>> -> memref<1x128xi32, #tpu.memory_space<vmem>>
        %dma_wait3A_179 = tpu.memref_squeeze %dma_wait3A_178 : memref<1x128xi32, #tpu.memory_space<vmem>> -> memref<128xi32, #tpu.memory_space<vmem>>
        %dma_wait3A_180 = arith.constant 0 : i32
        %dma_wait3A_181 = arith.constant 0 : i32
        %dma_wait3A_182 = tpu.memref_slice %arg5[%dma_wait3A_180, %dma_wait3A_181] : memref<10000x128xbf16, #tpu.memory_space<hbm>> -> memref<10000x128xbf16, #tpu.memory_space<hbm>>
        tpu.wait_indirect_dma semaphore(%arg21 : memref<!tpu.dma_semaphore, #tpu.memory_space<semaphore_mem>>) src(%dma_wait3A_182 : memref<10000x128xbf16, #tpu.memory_space<hbm>>) dst(%arg14 : memref<128x128xbf16, #tpu.memory_space<vmem>>)
        %dma_start3A_183 = arith.constant 0 : i32
        %dma_start3A_184 = tpu.memref_slice %arg13[%add3A_176, %dma_start3A_183] : memref<80x128xi32, #tpu.memory_space<vmem>> -> memref<1x128xi32, #tpu.memory_space<vmem>>
        %dma_start3A_185 = tpu.memref_squeeze %dma_start3A_184 : memref<1x128xi32, #tpu.memory_space<vmem>> -> memref<128xi32, #tpu.memory_space<vmem>>
        %dma_start3A_186 = arith.constant 0 : i32
        %dma_start3A_187 = arith.constant 0 : i32
        %dma_start3A_188 = tpu.memref_slice %arg20[%dma_start3A_186, %dma_start3A_187] : memref<10016x128xbf16, #tpu.memory_space<vmem_shared>> -> memref<10016x128xbf16, #tpu.memory_space<vmem_shared>>
        tpu.enqueue_indirect_dma source(%arg14 : memref<128x128xbf16, #tpu.memory_space<vmem>>) target(%dma_start3A_188 : memref<10016x128xbf16, #tpu.memory_space<vmem_shared>>) offsets(%dma_start3A_185 : memref<128xi32, #tpu.memory_space<vmem>>) semaphore(%arg26 : memref<!tpu.dma_semaphore, #tpu.memory_space<semaphore_mem>>) {add = true}
        %ge3A = arith.constant 1 : i32
        %ge3A_189 = arith.cmpi sge, %add3A_172, %ge3A : i32
        %convert_element_type3A_190 = arith.extui %ge3A_189 : i1 to i32
        %cond3A_191 = arith.constant 0 : i32
        %cond3A_192 = arith.cmpi ne, %convert_element_type3A_190, %cond3A_191 : i32
        scf.if %cond3A_192 {
          %dma_wait3A_285 = arith.constant 0 : i32
          %dma_wait3A_286 = tpu.memref_slice %arg13[%add3A_176, %dma_wait3A_285] : memref<80x128xi32, #tpu.memory_space<vmem>> -> memref<1x128xi32, #tpu.memory_space<vmem>>
          %dma_wait3A_287 = tpu.memref_squeeze %dma_wait3A_286 : memref<1x128xi32, #tpu.memory_space<vmem>> -> memref<128xi32, #tpu.memory_space<vmem>>
          %dma_wait3A_288 = arith.constant 0 : i32
          %dma_wait3A_289 = arith.constant 0 : i32
          %dma_wait3A_290 = tpu.memref_slice %arg20[%dma_wait3A_288, %dma_wait3A_289] : memref<10016x128xbf16, #tpu.memory_space<vmem_shared>> -> memref<10016x128xbf16, #tpu.memory_space<vmem_shared>>
          tpu.wait_indirect_dma semaphore(%arg30 : memref<!tpu.dma_semaphore, #tpu.memory_space<semaphore_mem>>) src(%arg18 : memref<128x128xbf16, #tpu.memory_space<vmem>>) dst(%dma_wait3A_290 : memref<10016x128xbf16, #tpu.memory_space<vmem_shared>>)
        } else {
        }
        %add3A_193 = arith.constant 5 : i32
        %add3A_194 = arith.addi %add3A_176, %add3A_193 : i32
        %sub3A = arith.constant 1 : i32
        %sub3A_195 = arith.subi %add3A_194, %sub3A : i32
        %dma_start3A_196 = arith.constant 0 : i32
        %dma_start3A_197 = tpu.memref_slice %arg12[%sub3A_195, %dma_start3A_196] : memref<80x128xi32, #tpu.memory_space<vmem>> -> memref<1x128xi32, #tpu.memory_space<vmem>>
        %dma_start3A_198 = tpu.memref_squeeze %dma_start3A_197 : memref<1x128xi32, #tpu.memory_space<vmem>> -> memref<128xi32, #tpu.memory_space<vmem>>
        %dma_start3A_199 = arith.constant 0 : i32
        %dma_start3A_200 = arith.constant 0 : i32
        %dma_start3A_201 = tpu.memref_slice %arg5[%dma_start3A_199, %dma_start3A_200] : memref<10000x128xbf16, #tpu.memory_space<hbm>> -> memref<10000x128xbf16, #tpu.memory_space<hbm>>
        tpu.enqueue_indirect_dma source(%dma_start3A_201 : memref<10000x128xbf16, #tpu.memory_space<hbm>>) target(%arg18 : memref<128x128xbf16, #tpu.memory_space<vmem>>) offsets(%dma_start3A_198 : memref<128xi32, #tpu.memory_space<vmem>>) semaphore(%arg25 : memref<!tpu.dma_semaphore, #tpu.memory_space<semaphore_mem>>)
        %mul3A_202 = arith.constant 5 : i32
        %mul3A_203 = arith.muli %add3A_172, %mul3A_202 : i32
        %add3A_204 = arith.constant 1 : i32
        %add3A_205 = arith.addi %mul3A_203, %add3A_204 : i32
        %dma_wait3A_206 = arith.constant 0 : i32
        %dma_wait3A_207 = tpu.memref_slice %arg12[%add3A_205, %dma_wait3A_206] : memref<80x128xi32, #tpu.memory_space<vmem>> -> memref<1x128xi32, #tpu.memory_space<vmem>>
        %dma_wait3A_208 = tpu.memref_squeeze %dma_wait3A_207 : memref<1x128xi32, #tpu.memory_space<vmem>> -> memref<128xi32, #tpu.memory_space<vmem>>
        %dma_wait3A_209 = arith.constant 0 : i32
        %dma_wait3A_210 = arith.constant 0 : i32
        %dma_wait3A_211 = tpu.memref_slice %arg5[%dma_wait3A_209, %dma_wait3A_210] : memref<10000x128xbf16, #tpu.memory_space<hbm>> -> memref<10000x128xbf16, #tpu.memory_space<hbm>>
        tpu.wait_indirect_dma semaphore(%arg22 : memref<!tpu.dma_semaphore, #tpu.memory_space<semaphore_mem>>) src(%dma_wait3A_211 : memref<10000x128xbf16, #tpu.memory_space<hbm>>) dst(%arg15 : memref<128x128xbf16, #tpu.memory_space<vmem>>)
        %dma_start3A_212 = arith.constant 0 : i32
        %dma_start3A_213 = tpu.memref_slice %arg13[%add3A_205, %dma_start3A_212] : memref<80x128xi32, #tpu.memory_space<vmem>> -> memref<1x128xi32, #tpu.memory_space<vmem>>
        %dma_start3A_214 = tpu.memref_squeeze %dma_start3A_213 : memref<1x128xi32, #tpu.memory_space<vmem>> -> memref<128xi32, #tpu.memory_space<vmem>>
        %dma_start3A_215 = arith.constant 0 : i32
        %dma_start3A_216 = arith.constant 0 : i32
        %dma_start3A_217 = tpu.memref_slice %arg20[%dma_start3A_215, %dma_start3A_216] : memref<10016x128xbf16, #tpu.memory_space<vmem_shared>> -> memref<10016x128xbf16, #tpu.memory_space<vmem_shared>>
        tpu.enqueue_indirect_dma source(%arg15 : memref<128x128xbf16, #tpu.memory_space<vmem>>) target(%dma_start3A_217 : memref<10016x128xbf16, #tpu.memory_space<vmem_shared>>) offsets(%dma_start3A_214 : memref<128xi32, #tpu.memory_space<vmem>>) semaphore(%arg27 : memref<!tpu.dma_semaphore, #tpu.memory_space<semaphore_mem>>) {add = true}
        %le3A = arith.constant 14 : i32
        %le3A_218 = arith.cmpi sle, %add3A_172, %le3A : i32
        %convert_element_type3A_219 = arith.extui %le3A_218 : i1 to i32
        %cond3A_220 = arith.constant 0 : i32
        %cond3A_221 = arith.cmpi ne, %convert_element_type3A_219, %cond3A_220 : i32
        scf.if %cond3A_221 {
          %dma_wait3A_285 = arith.constant 0 : i32
          %dma_wait3A_286 = tpu.memref_slice %arg13[%add3A_205, %dma_wait3A_285] : memref<80x128xi32, #tpu.memory_space<vmem>> -> memref<1x128xi32, #tpu.memory_space<vmem>>
          %dma_wait3A_287 = tpu.memref_squeeze %dma_wait3A_286 : memref<1x128xi32, #tpu.memory_space<vmem>> -> memref<128xi32, #tpu.memory_space<vmem>>
          %dma_wait3A_288 = arith.constant 0 : i32
          %dma_wait3A_289 = arith.constant 0 : i32
          %dma_wait3A_290 = tpu.memref_slice %arg20[%dma_wait3A_288, %dma_wait3A_289] : memref<10016x128xbf16, #tpu.memory_space<vmem_shared>> -> memref<10016x128xbf16, #tpu.memory_space<vmem_shared>>
          tpu.wait_indirect_dma semaphore(%arg26 : memref<!tpu.dma_semaphore, #tpu.memory_space<semaphore_mem>>) src(%arg14 : memref<128x128xbf16, #tpu.memory_space<vmem>>) dst(%dma_wait3A_290 : memref<10016x128xbf16, #tpu.memory_space<vmem_shared>>)
          %add3A_291 = arith.constant 5 : i32
          %add3A_292 = arith.addi %add3A_205, %add3A_291 : i32
          %sub3A_293 = arith.constant 1 : i32
          %sub3A_294 = arith.subi %add3A_292, %sub3A_293 : i32
          %dma_start3A_295 = arith.constant 0 : i32
          %dma_start3A_296 = tpu.memref_slice %arg12[%sub3A_294, %dma_start3A_295] : memref<80x128xi32, #tpu.memory_space<vmem>> -> memref<1x128xi32, #tpu.memory_space<vmem>>
          %dma_start3A_297 = tpu.memref_squeeze %dma_start3A_296 : memref<1x128xi32, #tpu.memory_space<vmem>> -> memref<128xi32, #tpu.memory_space<vmem>>
          %dma_start3A_298 = arith.constant 0 : i32
          %dma_start3A_299 = arith.constant 0 : i32
          %dma_start3A_300 = tpu.memref_slice %arg5[%dma_start3A_298, %dma_start3A_299] : memref<10000x128xbf16, #tpu.memory_space<hbm>> -> memref<10000x128xbf16, #tpu.memory_space<hbm>>
          tpu.enqueue_indirect_dma source(%dma_start3A_300 : memref<10000x128xbf16, #tpu.memory_space<hbm>>) target(%arg14 : memref<128x128xbf16, #tpu.memory_space<vmem>>) offsets(%dma_start3A_297 : memref<128xi32, #tpu.memory_space<vmem>>) semaphore(%arg21 : memref<!tpu.dma_semaphore, #tpu.memory_space<semaphore_mem>>)
        } else {
        }
        %mul3A_222 = arith.constant 5 : i32
        %mul3A_223 = arith.muli %add3A_172, %mul3A_222 : i32
        %add3A_224 = arith.constant 2 : i32
        %add3A_225 = arith.addi %mul3A_223, %add3A_224 : i32
        %dma_wait3A_226 = arith.constant 0 : i32
        %dma_wait3A_227 = tpu.memref_slice %arg12[%add3A_225, %dma_wait3A_226] : memref<80x128xi32, #tpu.memory_space<vmem>> -> memref<1x128xi32, #tpu.memory_space<vmem>>
        %dma_wait3A_228 = tpu.memref_squeeze %dma_wait3A_227 : memref<1x128xi32, #tpu.memory_space<vmem>> -> memref<128xi32, #tpu.memory_space<vmem>>
        %dma_wait3A_229 = arith.constant 0 : i32
        %dma_wait3A_230 = arith.constant 0 : i32
        %dma_wait3A_231 = tpu.memref_slice %arg5[%dma_wait3A_229, %dma_wait3A_230] : memref<10000x128xbf16, #tpu.memory_space<hbm>> -> memref<10000x128xbf16, #tpu.memory_space<hbm>>
        tpu.wait_indirect_dma semaphore(%arg23 : memref<!tpu.dma_semaphore, #tpu.memory_space<semaphore_mem>>) src(%dma_wait3A_231 : memref<10000x128xbf16, #tpu.memory_space<hbm>>) dst(%arg16 : memref<128x128xbf16, #tpu.memory_space<vmem>>)
        %dma_start3A_232 = arith.constant 0 : i32
        %dma_start3A_233 = tpu.memref_slice %arg13[%add3A_225, %dma_start3A_232] : memref<80x128xi32, #tpu.memory_space<vmem>> -> memref<1x128xi32, #tpu.memory_space<vmem>>
        %dma_start3A_234 = tpu.memref_squeeze %dma_start3A_233 : memref<1x128xi32, #tpu.memory_space<vmem>> -> memref<128xi32, #tpu.memory_space<vmem>>
        %dma_start3A_235 = arith.constant 0 : i32
        %dma_start3A_236 = arith.constant 0 : i32
        %dma_start3A_237 = tpu.memref_slice %arg20[%dma_start3A_235, %dma_start3A_236] : memref<10016x128xbf16, #tpu.memory_space<vmem_shared>> -> memref<10016x128xbf16, #tpu.memory_space<vmem_shared>>
        tpu.enqueue_indirect_dma source(%arg16 : memref<128x128xbf16, #tpu.memory_space<vmem>>) target(%dma_start3A_237 : memref<10016x128xbf16, #tpu.memory_space<vmem_shared>>) offsets(%dma_start3A_234 : memref<128xi32, #tpu.memory_space<vmem>>) semaphore(%arg28 : memref<!tpu.dma_semaphore, #tpu.memory_space<semaphore_mem>>) {add = true}
        %le3A_238 = arith.constant 14 : i32
        %le3A_239 = arith.cmpi sle, %add3A_172, %le3A_238 : i32
        %convert_element_type3A_240 = arith.extui %le3A_239 : i1 to i32
        %cond3A_241 = arith.constant 0 : i32
        %cond3A_242 = arith.cmpi ne, %convert_element_type3A_240, %cond3A_241 : i32
        scf.if %cond3A_242 {
          %dma_wait3A_285 = arith.constant 0 : i32
          %dma_wait3A_286 = tpu.memref_slice %arg13[%add3A_225, %dma_wait3A_285] : memref<80x128xi32, #tpu.memory_space<vmem>> -> memref<1x128xi32, #tpu.memory_space<vmem>>
          %dma_wait3A_287 = tpu.memref_squeeze %dma_wait3A_286 : memref<1x128xi32, #tpu.memory_space<vmem>> -> memref<128xi32, #tpu.memory_space<vmem>>
          %dma_wait3A_288 = arith.constant 0 : i32
          %dma_wait3A_289 = arith.constant 0 : i32
          %dma_wait3A_290 = tpu.memref_slice %arg20[%dma_wait3A_288, %dma_wait3A_289] : memref<10016x128xbf16, #tpu.memory_space<vmem_shared>> -> memref<10016x128xbf16, #tpu.memory_space<vmem_shared>>
          tpu.wait_indirect_dma semaphore(%arg27 : memref<!tpu.dma_semaphore, #tpu.memory_space<semaphore_mem>>) src(%arg15 : memref<128x128xbf16, #tpu.memory_space<vmem>>) dst(%dma_wait3A_290 : memref<10016x128xbf16, #tpu.memory_space<vmem_shared>>)
          %add3A_291 = arith.constant 5 : i32
          %add3A_292 = arith.addi %add3A_225, %add3A_291 : i32
          %sub3A_293 = arith.constant 1 : i32
          %sub3A_294 = arith.subi %add3A_292, %sub3A_293 : i32
          %dma_start3A_295 = arith.constant 0 : i32
          %dma_start3A_296 = tpu.memref_slice %arg12[%sub3A_294, %dma_start3A_295] : memref<80x128xi32, #tpu.memory_space<vmem>> -> memref<1x128xi32, #tpu.memory_space<vmem>>
          %dma_start3A_297 = tpu.memref_squeeze %dma_start3A_296 : memref<1x128xi32, #tpu.memory_space<vmem>> -> memref<128xi32, #tpu.memory_space<vmem>>
          %dma_start3A_298 = arith.constant 0 : i32
          %dma_start3A_299 = arith.constant 0 : i32
          %dma_start3A_300 = tpu.memref_slice %arg5[%dma_start3A_298, %dma_start3A_299] : memref<10000x128xbf16, #tpu.memory_space<hbm>> -> memref<10000x128xbf16, #tpu.memory_space<hbm>>
          tpu.enqueue_indirect_dma source(%dma_start3A_300 : memref<10000x128xbf16, #tpu.memory_space<hbm>>) target(%arg15 : memref<128x128xbf16, #tpu.memory_space<vmem>>) offsets(%dma_start3A_297 : memref<128xi32, #tpu.memory_space<vmem>>) semaphore(%arg22 : memref<!tpu.dma_semaphore, #tpu.memory_space<semaphore_mem>>)
        } else {
        }
        %mul3A_243 = arith.constant 5 : i32
        %mul3A_244 = arith.muli %add3A_172, %mul3A_243 : i32
        %add3A_245 = arith.constant 3 : i32
        %add3A_246 = arith.addi %mul3A_244, %add3A_245 : i32
        %dma_wait3A_247 = arith.constant 0 : i32
        %dma_wait3A_248 = tpu.memref_slice %arg12[%add3A_246, %dma_wait3A_247] : memref<80x128xi32, #tpu.memory_space<vmem>> -> memref<1x128xi32, #tpu.memory_space<vmem>>
        %dma_wait3A_249 = tpu.memref_squeeze %dma_wait3A_248 : memref<1x128xi32, #tpu.memory_space<vmem>> -> memref<128xi32, #tpu.memory_space<vmem>>
        %dma_wait3A_250 = arith.constant 0 : i32
        %dma_wait3A_251 = arith.constant 0 : i32
        %dma_wait3A_252 = tpu.memref_slice %arg5[%dma_wait3A_250, %dma_wait3A_251] : memref<10000x128xbf16, #tpu.memory_space<hbm>> -> memref<10000x128xbf16, #tpu.memory_space<hbm>>
        tpu.wait_indirect_dma semaphore(%arg24 : memref<!tpu.dma_semaphore, #tpu.memory_space<semaphore_mem>>) src(%dma_wait3A_252 : memref<10000x128xbf16, #tpu.memory_space<hbm>>) dst(%arg17 : memref<128x128xbf16, #tpu.memory_space<vmem>>)
        %dma_start3A_253 = arith.constant 0 : i32
        %dma_start3A_254 = tpu.memref_slice %arg13[%add3A_246, %dma_start3A_253] : memref<80x128xi32, #tpu.memory_space<vmem>> -> memref<1x128xi32, #tpu.memory_space<vmem>>
        %dma_start3A_255 = tpu.memref_squeeze %dma_start3A_254 : memref<1x128xi32, #tpu.memory_space<vmem>> -> memref<128xi32, #tpu.memory_space<vmem>>
        %dma_start3A_256 = arith.constant 0 : i32
        %dma_start3A_257 = arith.constant 0 : i32
        %dma_start3A_258 = tpu.memref_slice %arg20[%dma_start3A_256, %dma_start3A_257] : memref<10016x128xbf16, #tpu.memory_space<vmem_shared>> -> memref<10016x128xbf16, #tpu.memory_space<vmem_shared>>
        tpu.enqueue_indirect_dma source(%arg17 : memref<128x128xbf16, #tpu.memory_space<vmem>>) target(%dma_start3A_258 : memref<10016x128xbf16, #tpu.memory_space<vmem_shared>>) offsets(%dma_start3A_255 : memref<128xi32, #tpu.memory_space<vmem>>) semaphore(%arg29 : memref<!tpu.dma_semaphore, #tpu.memory_space<semaphore_mem>>) {add = true}
        %le3A_259 = arith.constant 14 : i32
        %le3A_260 = arith.cmpi sle, %add3A_172, %le3A_259 : i32
        %convert_element_type3A_261 = arith.extui %le3A_260 : i1 to i32
        %cond3A_262 = arith.constant 0 : i32
        %cond3A_263 = arith.cmpi ne, %convert_element_type3A_261, %cond3A_262 : i32
        scf.if %cond3A_263 {
          %dma_wait3A_285 = arith.constant 0 : i32
          %dma_wait3A_286 = tpu.memref_slice %arg13[%add3A_246, %dma_wait3A_285] : memref<80x128xi32, #tpu.memory_space<vmem>> -> memref<1x128xi32, #tpu.memory_space<vmem>>
          %dma_wait3A_287 = tpu.memref_squeeze %dma_wait3A_286 : memref<1x128xi32, #tpu.memory_space<vmem>> -> memref<128xi32, #tpu.memory_space<vmem>>
          %dma_wait3A_288 = arith.constant 0 : i32
          %dma_wait3A_289 = arith.constant 0 : i32
          %dma_wait3A_290 = tpu.memref_slice %arg20[%dma_wait3A_288, %dma_wait3A_289] : memref<10016x128xbf16, #tpu.memory_space<vmem_shared>> -> memref<10016x128xbf16, #tpu.memory_space<vmem_shared>>
          tpu.wait_indirect_dma semaphore(%arg28 : memref<!tpu.dma_semaphore, #tpu.memory_space<semaphore_mem>>) src(%arg16 : memref<128x128xbf16, #tpu.memory_space<vmem>>) dst(%dma_wait3A_290 : memref<10016x128xbf16, #tpu.memory_space<vmem_shared>>)
          %add3A_291 = arith.constant 5 : i32
          %add3A_292 = arith.addi %add3A_246, %add3A_291 : i32
          %sub3A_293 = arith.constant 1 : i32
          %sub3A_294 = arith.subi %add3A_292, %sub3A_293 : i32
          %dma_start3A_295 = arith.constant 0 : i32
          %dma_start3A_296 = tpu.memref_slice %arg12[%sub3A_294, %dma_start3A_295] : memref<80x128xi32, #tpu.memory_space<vmem>> -> memref<1x128xi32, #tpu.memory_space<vmem>>
          %dma_start3A_297 = tpu.memref_squeeze %dma_start3A_296 : memref<1x128xi32, #tpu.memory_space<vmem>> -> memref<128xi32, #tpu.memory_space<vmem>>
          %dma_start3A_298 = arith.constant 0 : i32
          %dma_start3A_299 = arith.constant 0 : i32
          %dma_start3A_300 = tpu.memref_slice %arg5[%dma_start3A_298, %dma_start3A_299] : memref<10000x128xbf16, #tpu.memory_space<hbm>> -> memref<10000x128xbf16, #tpu.memory_space<hbm>>
          tpu.enqueue_indirect_dma source(%dma_start3A_300 : memref<10000x128xbf16, #tpu.memory_space<hbm>>) target(%arg16 : memref<128x128xbf16, #tpu.memory_space<vmem>>) offsets(%dma_start3A_297 : memref<128xi32, #tpu.memory_space<vmem>>) semaphore(%arg23 : memref<!tpu.dma_semaphore, #tpu.memory_space<semaphore_mem>>)
        } else {
        }
        %mul3A_264 = arith.constant 5 : i32
        %mul3A_265 = arith.muli %add3A_172, %mul3A_264 : i32
        %add3A_266 = arith.constant 4 : i32
        %add3A_267 = arith.addi %mul3A_265, %add3A_266 : i32
        %dma_wait3A_268 = arith.constant 0 : i32
        %dma_wait3A_269 = tpu.memref_slice %arg12[%add3A_267, %dma_wait3A_268] : memref<80x128xi32, #tpu.memory_space<vmem>> -> memref<1x128xi32, #tpu.memory_space<vmem>>
        %dma_wait3A_270 = tpu.memref_squeeze %dma_wait3A_269 : memref<1x128xi32, #tpu.memory_space<vmem>> -> memref<128xi32, #tpu.memory_space<vmem>>
        %dma_wait3A_271 = arith.constant 0 : i32
        %dma_wait3A_272 = arith.constant 0 : i32
        %dma_wait3A_273 = tpu.memref_slice %arg5[%dma_wait3A_271, %dma_wait3A_272] : memref<10000x128xbf16, #tpu.memory_space<hbm>> -> memref<10000x128xbf16, #tpu.memory_space<hbm>>
        tpu.wait_indirect_dma semaphore(%arg25 : memref<!tpu.dma_semaphore, #tpu.memory_space<semaphore_mem>>) src(%dma_wait3A_273 : memref<10000x128xbf16, #tpu.memory_space<hbm>>) dst(%arg18 : memref<128x128xbf16, #tpu.memory_space<vmem>>)
        %dma_start3A_274 = arith.constant 0 : i32
        %dma_start3A_275 = tpu.memref_slice %arg13[%add3A_267, %dma_start3A_274] : memref<80x128xi32, #tpu.memory_space<vmem>> -> memref<1x128xi32, #tpu.memory_space<vmem>>
        %dma_start3A_276 = tpu.memref_squeeze %dma_start3A_275 : memref<1x128xi32, #tpu.memory_space<vmem>> -> memref<128xi32, #tpu.memory_space<vmem>>
        %dma_start3A_277 = arith.constant 0 : i32
        %dma_start3A_278 = arith.constant 0 : i32
        %dma_start3A_279 = tpu.memref_slice %arg20[%dma_start3A_277, %dma_start3A_278] : memref<10016x128xbf16, #tpu.memory_space<vmem_shared>> -> memref<10016x128xbf16, #tpu.memory_space<vmem_shared>>
        tpu.enqueue_indirect_dma source(%arg18 : memref<128x128xbf16, #tpu.memory_space<vmem>>) target(%dma_start3A_279 : memref<10016x128xbf16, #tpu.memory_space<vmem_shared>>) offsets(%dma_start3A_276 : memref<128xi32, #tpu.memory_space<vmem>>) semaphore(%arg30 : memref<!tpu.dma_semaphore, #tpu.memory_space<semaphore_mem>>) {add = true}
        %le3A_280 = arith.constant 14 : i32
        %le3A_281 = arith.cmpi sle, %add3A_172, %le3A_280 : i32
        %convert_element_type3A_282 = arith.extui %le3A_281 : i1 to i32
        %cond3A_283 = arith.constant 0 : i32
        %cond3A_284 = arith.cmpi ne, %convert_element_type3A_282, %cond3A_283 : i32
        scf.if %cond3A_284 {
          %dma_wait3A_285 = arith.constant 0 : i32
          %dma_wait3A_286 = tpu.memref_slice %arg13[%add3A_267, %dma_wait3A_285] : memref<80x128xi32, #tpu.memory_space<vmem>> -> memref<1x128xi32, #tpu.memory_space<vmem>>
          %dma_wait3A_287 = tpu.memref_squeeze %dma_wait3A_286 : memref<1x128xi32, #tpu.memory_space<vmem>> -> memref<128xi32, #tpu.memory_space<vmem>>
          %dma_wait3A_288 = arith.constant 0 : i32
          %dma_wait3A_289 = arith.constant 0 : i32
          %dma_wait3A_290 = tpu.memref_slice %arg20[%dma_wait3A_288, %dma_wait3A_289] : memref<10016x128xbf16, #tpu.memory_space<vmem_shared>> -> memref<10016x128xbf16, #tpu.memory_space<vmem_shared>>
          tpu.wait_indirect_dma semaphore(%arg29 : memref<!tpu.dma_semaphore, #tpu.memory_space<semaphore_mem>>) src(%arg17 : memref<128x128xbf16, #tpu.memory_space<vmem>>) dst(%dma_wait3A_290 : memref<10016x128xbf16, #tpu.memory_space<vmem_shared>>)
          %add3A_291 = arith.constant 5 : i32
          %add3A_292 = arith.addi %add3A_267, %add3A_291 : i32
          %sub3A_293 = arith.constant 1 : i32
          %sub3A_294 = arith.subi %add3A_292, %sub3A_293 : i32
          %dma_start3A_295 = arith.constant 0 : i32
          %dma_start3A_296 = tpu.memref_slice %arg12[%sub3A_294, %dma_start3A_295] : memref<80x128xi32, #tpu.memory_space<vmem>> -> memref<1x128xi32, #tpu.memory_space<vmem>>
          %dma_start3A_297 = tpu.memref_squeeze %dma_start3A_296 : memref<1x128xi32, #tpu.memory_space<vmem>> -> memref<128xi32, #tpu.memory_space<vmem>>
          %dma_start3A_298 = arith.constant 0 : i32
          %dma_start3A_299 = arith.constant 0 : i32
          %dma_start3A_300 = tpu.memref_slice %arg5[%dma_start3A_298, %dma_start3A_299] : memref<10000x128xbf16, #tpu.memory_space<hbm>> -> memref<10000x128xbf16, #tpu.memory_space<hbm>>
          tpu.enqueue_indirect_dma source(%dma_start3A_300 : memref<10000x128xbf16, #tpu.memory_space<hbm>>) target(%arg17 : memref<128x128xbf16, #tpu.memory_space<vmem>>) offsets(%dma_start3A_297 : memref<128xi32, #tpu.memory_space<vmem>>) semaphore(%arg24 : memref<!tpu.dma_semaphore, #tpu.memory_space<semaphore_mem>>)
        } else {
        }
      }
      %scan3A_127 = arith.constant 16 : i32
      %dma_wait3A_128 = arith.constant 0 : i32
      %dma_wait3A_129 = arith.constant 0 : i32
      %dma_wait3A_130 = tpu.memref_slice %arg13[%dma_wait3A_128, %dma_wait3A_129] : memref<80x128xi32, #tpu.memory_space<vmem>> -> memref<1x128xi32, #tpu.memory_space<vmem>>
      %dma_wait3A_131 = tpu.memref_squeeze %dma_wait3A_130 : memref<1x128xi32, #tpu.memory_space<vmem>> -> memref<128xi32, #tpu.memory_space<vmem>>
      %dma_wait3A_132 = arith.constant 0 : i32
      %dma_wait3A_133 = arith.constant 0 : i32
      %dma_wait3A_134 = tpu.memref_slice %arg20[%dma_wait3A_132, %dma_wait3A_133] : memref<10016x128xbf16, #tpu.memory_space<vmem_shared>> -> memref<10016x128xbf16, #tpu.memory_space<vmem_shared>>
      tpu.wait_indirect_dma semaphore(%arg26 : memref<!tpu.dma_semaphore, #tpu.memory_space<semaphore_mem>>) src(%arg14 : memref<128x128xbf16, #tpu.memory_space<vmem>>) dst(%dma_wait3A_134 : memref<10016x128xbf16, #tpu.memory_space<vmem_shared>>)
      %dma_wait3A_135 = arith.constant 0 : i32
      %dma_wait3A_136 = arith.constant 0 : i32
      %dma_wait3A_137 = tpu.memref_slice %arg13[%dma_wait3A_135, %dma_wait3A_136] : memref<80x128xi32, #tpu.memory_space<vmem>> -> memref<1x128xi32, #tpu.memory_space<vmem>>
      %dma_wait3A_138 = tpu.memref_squeeze %dma_wait3A_137 : memref<1x128xi32, #tpu.memory_space<vmem>> -> memref<128xi32, #tpu.memory_space<vmem>>
      %dma_wait3A_139 = arith.constant 0 : i32
      %dma_wait3A_140 = arith.constant 0 : i32
      %dma_wait3A_141 = tpu.memref_slice %arg20[%dma_wait3A_139, %dma_wait3A_140] : memref<10016x128xbf16, #tpu.memory_space<vmem_shared>> -> memref<10016x128xbf16, #tpu.memory_space<vmem_shared>>
      tpu.wait_indirect_dma semaphore(%arg27 : memref<!tpu.dma_semaphore, #tpu.memory_space<semaphore_mem>>) src(%arg15 : memref<128x128xbf16, #tpu.memory_space<vmem>>) dst(%dma_wait3A_141 : memref<10016x128xbf16, #tpu.memory_space<vmem_shared>>)
      %dma_wait3A_142 = arith.constant 0 : i32
      %dma_wait3A_143 = arith.constant 0 : i32
      %dma_wait3A_144 = tpu.memref_slice %arg13[%dma_wait3A_142, %dma_wait3A_143] : memref<80x128xi32, #tpu.memory_space<vmem>> -> memref<1x128xi32, #tpu.memory_space<vmem>>
      %dma_wait3A_145 = tpu.memref_squeeze %dma_wait3A_144 : memref<1x128xi32, #tpu.memory_space<vmem>> -> memref<128xi32, #tpu.memory_space<vmem>>
      %dma_wait3A_146 = arith.constant 0 : i32
      %dma_wait3A_147 = arith.constant 0 : i32
      %dma_wait3A_148 = tpu.memref_slice %arg20[%dma_wait3A_146, %dma_wait3A_147] : memref<10016x128xbf16, #tpu.memory_space<vmem_shared>> -> memref<10016x128xbf16, #tpu.memory_space<vmem_shared>>
      tpu.wait_indirect_dma semaphore(%arg28 : memref<!tpu.dma_semaphore, #tpu.memory_space<semaphore_mem>>) src(%arg16 : memref<128x128xbf16, #tpu.memory_space<vmem>>) dst(%dma_wait3A_148 : memref<10016x128xbf16, #tpu.memory_space<vmem_shared>>)
      %dma_wait3A_149 = arith.constant 0 : i32
      %dma_wait3A_150 = arith.constant 0 : i32
      %dma_wait3A_151 = tpu.memref_slice %arg13[%dma_wait3A_149, %dma_wait3A_150] : memref<80x128xi32, #tpu.memory_space<vmem>> -> memref<1x128xi32, #tpu.memory_space<vmem>>
      %dma_wait3A_152 = tpu.memref_squeeze %dma_wait3A_151 : memref<1x128xi32, #tpu.memory_space<vmem>> -> memref<128xi32, #tpu.memory_space<vmem>>
      %dma_wait3A_153 = arith.constant 0 : i32
      %dma_wait3A_154 = arith.constant 0 : i32
      %dma_wait3A_155 = tpu.memref_slice %arg20[%dma_wait3A_153, %dma_wait3A_154] : memref<10016x128xbf16, #tpu.memory_space<vmem_shared>> -> memref<10016x128xbf16, #tpu.memory_space<vmem_shared>>
      tpu.wait_indirect_dma semaphore(%arg29 : memref<!tpu.dma_semaphore, #tpu.memory_space<semaphore_mem>>) src(%arg17 : memref<128x128xbf16, #tpu.memory_space<vmem>>) dst(%dma_wait3A_155 : memref<10016x128xbf16, #tpu.memory_space<vmem_shared>>)
      %dma_wait3A_156 = arith.constant 0 : i32
      %dma_wait3A_157 = arith.constant 0 : i32
      %dma_wait3A_158 = tpu.memref_slice %arg13[%dma_wait3A_156, %dma_wait3A_157] : memref<80x128xi32, #tpu.memory_space<vmem>> -> memref<1x128xi32, #tpu.memory_space<vmem>>
      %dma_wait3A_159 = tpu.memref_squeeze %dma_wait3A_158 : memref<1x128xi32, #tpu.memory_space<vmem>> -> memref<128xi32, #tpu.memory_space<vmem>>
      %dma_wait3A_160 = arith.constant 0 : i32
      %dma_wait3A_161 = arith.constant 0 : i32
      %dma_wait3A_162 = tpu.memref_slice %arg20[%dma_wait3A_160, %dma_wait3A_161] : memref<10016x128xbf16, #tpu.memory_space<vmem_shared>> -> memref<10016x128xbf16, #tpu.memory_space<vmem_shared>>
      tpu.wait_indirect_dma semaphore(%arg30 : memref<!tpu.dma_semaphore, #tpu.memory_space<semaphore_mem>>) src(%arg18 : memref<128x128xbf16, #tpu.memory_space<vmem>>) dst(%dma_wait3A_162 : memref<10016x128xbf16, #tpu.memory_space<vmem_shared>>)
      %barrier3A_163 = arith.constant 0 : index
      tpu.barrier barrier_id(%barrier3A_163)
      %lt3A_164 = arith.constant 10 : i32
      %lt3A_165 = arith.cmpi slt, %arg1, %lt3A_164 : i32
      %convert_element_type3A_166 = arith.extui %lt3A_165 : i1 to i32
      %cond3A_167 = arith.constant 0 : i32
      %cond3A_168 = arith.cmpi ne, %convert_element_type3A_166, %cond3A_167 : i32
      scf.if %cond3A_168 {
        %mul3A = arith.constant 1000 : i32
        %mul3A_170 = arith.muli %arg1, %mul3A : i32
        %mul3A_171 = arith.constant 1000 : i32
        %mul3A_172 = arith.muli %arg1, %mul3A_171 : i32
        "tpu.region"() ({
          %run_scoped3A = tpu.sem_alloc : memref<!tpu.dma_semaphore, #tpu.memory_space<semaphore_mem>>
          %dma_start3A_173 = arith.constant 0 : i32
          %dma_start3A_174 = tpu.memref_slice %arg9[%mul3A_172, %dma_start3A_173] : memref<10000x128xbf16, #tpu.memory_space<hbm>> -> memref<1000x128xbf16, #tpu.memory_space<hbm>>
          %dma_start3A_175 = arith.constant 0 : i32
          %dma_start3A_176 = tpu.memref_slice %arg20[%mul3A_170, %dma_start3A_175] : memref<10016x128xbf16, #tpu.memory_space<vmem_shared>> -> memref<1000x128xbf16, #tpu.memory_space<vmem_shared>>
          tpu.enqueue_dma source(%dma_start3A_176 : memref<1000x128xbf16, #tpu.memory_space<vmem_shared>>) target(%dma_start3A_174 : memref<1000x128xbf16, #tpu.memory_space<hbm>>) target_semaphore(%run_scoped3A : memref<!tpu.dma_semaphore, #tpu.memory_space<semaphore_mem>>)
          %dma_wait3A_177 = arith.constant 0 : i32
          %dma_wait3A_178 = tpu.memref_slice %arg9[%mul3A_172, %dma_wait3A_177] : memref<10000x128xbf16, #tpu.memory_space<hbm>> -> memref<1000x128xbf16, #tpu.memory_space<hbm>>
          %dma_wait3A_179 = arith.constant 0 : i32
          %dma_wait3A_180 = tpu.memref_slice %arg20[%mul3A_170, %dma_wait3A_179] : memref<10016x128xbf16, #tpu.memory_space<vmem_shared>> -> memref<1000x128xbf16, #tpu.memory_space<vmem_shared>>
          tpu.wait_dma2 semaphore(%run_scoped3A : memref<!tpu.dma_semaphore, #tpu.memory_space<semaphore_mem>>) src(%dma_wait3A_180 : memref<1000x128xbf16, #tpu.memory_space<vmem_shared>>) dst(%dma_wait3A_178 : memref<1000x128xbf16, #tpu.memory_space<hbm>>)
          tpu.yield
        }) : () -> ()
      } else {
      }
      %barrier3A_169 = arith.constant 0 : index
      tpu.barrier barrier_id(%barrier3A_169)
    } else {
    }
    %eq3A_7 = arith.constant 1 : i32
    %eq3A_8 = arith.cmpi eq, %arg0, %eq3A_7 : i32
    %convert_element_type3A_9 = arith.extui %eq3A_8 : i1 to i32
    %cond3A_10 = arith.constant 0 : i32
    %cond3A_11 = arith.cmpi ne, %convert_element_type3A_9, %cond3A_10 : i32
    scf.if %cond3A_11 {
      %dma_start3A = arith.constant 0 : i32
      %dma_start3A_12 = arith.constant 0 : i32
      %dma_start3A_13 = tpu.memref_slice %arg12[%dma_start3A, %dma_start3A_12] : memref<80x128xi32, #tpu.memory_space<vmem>> -> memref<1x128xi32, #tpu.memory_space<vmem>>
      %dma_start3A_14 = tpu.memref_squeeze %dma_start3A_13 : memref<1x128xi32, #tpu.memory_space<vmem>> -> memref<128xi32, #tpu.memory_space<vmem>>
      %dma_start3A_15 = arith.constant 0 : i32
      %dma_start3A_16 = arith.constant 0 : i32
      %dma_start3A_17 = tpu.memref_slice %arg6[%dma_start3A_15, %dma_start3A_16] : memref<10000x128xbf16, #tpu.memory_space<hbm>> -> memref<10000x128xbf16, #tpu.memory_space<hbm>>
      tpu.enqueue_indirect_dma source(%dma_start3A_17 : memref<10000x128xbf16, #tpu.memory_space<hbm>>) target(%arg14 : memref<128x128xbf16, #tpu.memory_space<vmem>>) offsets(%dma_start3A_14 : memref<128xi32, #tpu.memory_space<vmem>>) semaphore(%arg21 : memref<!tpu.dma_semaphore, #tpu.memory_space<semaphore_mem>>)
      %dma_start3A_18 = arith.constant 1 : i32
      %dma_start3A_19 = arith.constant 0 : i32
      %dma_start3A_20 = tpu.memref_slice %arg12[%dma_start3A_18, %dma_start3A_19] : memref<80x128xi32, #tpu.memory_space<vmem>> -> memref<1x128xi32, #tpu.memory_space<vmem>>
      %dma_start3A_21 = tpu.memref_squeeze %dma_start3A_20 : memref<1x128xi32, #tpu.memory_space<vmem>> -> memref<128xi32, #tpu.memory_space<vmem>>
      %dma_start3A_22 = arith.constant 0 : i32
      %dma_start3A_23 = arith.constant 0 : i32
      %dma_start3A_24 = tpu.memref_slice %arg6[%dma_start3A_22, %dma_start3A_23] : memref<10000x128xbf16, #tpu.memory_space<hbm>> -> memref<10000x128xbf16, #tpu.memory_space<hbm>>
      tpu.enqueue_indirect_dma source(%dma_start3A_24 : memref<10000x128xbf16, #tpu.memory_space<hbm>>) target(%arg15 : memref<128x128xbf16, #tpu.memory_space<vmem>>) offsets(%dma_start3A_21 : memref<128xi32, #tpu.memory_space<vmem>>) semaphore(%arg22 : memref<!tpu.dma_semaphore, #tpu.memory_space<semaphore_mem>>)
      %dma_start3A_25 = arith.constant 2 : i32
      %dma_start3A_26 = arith.constant 0 : i32
      %dma_start3A_27 = tpu.memref_slice %arg12[%dma_start3A_25, %dma_start3A_26] : memref<80x128xi32, #tpu.memory_space<vmem>> -> memref<1x128xi32, #tpu.memory_space<vmem>>
      %dma_start3A_28 = tpu.memref_squeeze %dma_start3A_27 : memref<1x128xi32, #tpu.memory_space<vmem>> -> memref<128xi32, #tpu.memory_space<vmem>>
      %dma_start3A_29 = arith.constant 0 : i32
      %dma_start3A_30 = arith.constant 0 : i32
      %dma_start3A_31 = tpu.memref_slice %arg6[%dma_start3A_29, %dma_start3A_30] : memref<10000x128xbf16, #tpu.memory_space<hbm>> -> memref<10000x128xbf16, #tpu.memory_space<hbm>>
      tpu.enqueue_indirect_dma source(%dma_start3A_31 : memref<10000x128xbf16, #tpu.memory_space<hbm>>) target(%arg16 : memref<128x128xbf16, #tpu.memory_space<vmem>>) offsets(%dma_start3A_28 : memref<128xi32, #tpu.memory_space<vmem>>) semaphore(%arg23 : memref<!tpu.dma_semaphore, #tpu.memory_space<semaphore_mem>>)
      %dma_start3A_32 = arith.constant 3 : i32
      %dma_start3A_33 = arith.constant 0 : i32
      %dma_start3A_34 = tpu.memref_slice %arg12[%dma_start3A_32, %dma_start3A_33] : memref<80x128xi32, #tpu.memory_space<vmem>> -> memref<1x128xi32, #tpu.memory_space<vmem>>
      %dma_start3A_35 = tpu.memref_squeeze %dma_start3A_34 : memref<1x128xi32, #tpu.memory_space<vmem>> -> memref<128xi32, #tpu.memory_space<vmem>>
      %dma_start3A_36 = arith.constant 0 : i32
      %dma_start3A_37 = arith.constant 0 : i32
      %dma_start3A_38 = tpu.memref_slice %arg6[%dma_start3A_36, %dma_start3A_37] : memref<10000x128xbf16, #tpu.memory_space<hbm>> -> memref<10000x128xbf16, #tpu.memory_space<hbm>>
      tpu.enqueue_indirect_dma source(%dma_start3A_38 : memref<10000x128xbf16, #tpu.memory_space<hbm>>) target(%arg17 : memref<128x128xbf16, #tpu.memory_space<vmem>>) offsets(%dma_start3A_35 : memref<128xi32, #tpu.memory_space<vmem>>) semaphore(%arg24 : memref<!tpu.dma_semaphore, #tpu.memory_space<semaphore_mem>>)
      %lt3A = arith.constant 10 : i32
      %lt3A_39 = arith.cmpi slt, %arg1, %lt3A : i32
      %convert_element_type3A_40 = arith.extui %lt3A_39 : i1 to i32
      %cond3A_41 = arith.constant 0 : i32
      %cond3A_42 = arith.cmpi ne, %convert_element_type3A_40, %cond3A_41 : i32
      scf.if %cond3A_42 {
        %scan3A_170 = arith.constant 0 : i32
        %scan3A_171 = arith.constant 5 : i32
        %scan3A_172 = arith.addi %scan3A_170, %scan3A_171 : i32
        %scan3A_173 = arith.constant 1 : i32
        scf.for %scan3A_175 = %scan3A_170 to %scan3A_172 step %scan3A_173  : i32 {
          %mul3A = arith.constant 1 : i32
          %mul3A_176 = arith.muli %scan3A_175, %mul3A : i32
          %add3A = arith.constant 0 : i32
          %add3A_177 = arith.addi %add3A, %mul3A_176 : i32
          %mul3A_178 = arith.constant 1000 : i32
          %mul3A_179 = arith.muli %arg1, %mul3A_178 : i32
          %mul3A_180 = arith.constant 200 : i32
          %mul3A_181 = arith.muli %add3A_177, %mul3A_180 : i32
          %add3A_182 = arith.addi %mul3A_179, %mul3A_181 : i32
          "tpu.region"() ({
            %run_scoped3A = tpu.sem_alloc : memref<!tpu.dma_semaphore, #tpu.memory_space<semaphore_mem>>
            %dma_start3A_183 = arith.constant 0 : i32
            %dma_start3A_184 = tpu.memref_slice %arg20[%add3A_182, %dma_start3A_183] : memref<10016x128xbf16, #tpu.memory_space<vmem_shared>> -> memref<200x128xbf16, #tpu.memory_space<vmem_shared>>
            %dma_start3A_185 = arith.constant 0 : i32
            %dma_start3A_186 = tpu.memref_slice %arg20[%add3A_182, %dma_start3A_185] : memref<10016x128xbf16, #tpu.memory_space<vmem_shared>> -> memref<200x128xbf16, #tpu.memory_space<vmem_shared>>
            tpu.enqueue_dma source(%arg19 : memref<200x128xbf16, #tpu.memory_space<vmem>>) target(%dma_start3A_186 : memref<200x128xbf16, #tpu.memory_space<vmem_shared>>) target_semaphore(%run_scoped3A : memref<!tpu.dma_semaphore, #tpu.memory_space<semaphore_mem>>)
            %dma_wait3A_187 = arith.constant 0 : i32
            %dma_wait3A_188 = tpu.memref_slice %arg20[%add3A_182, %dma_wait3A_187] : memref<10016x128xbf16, #tpu.memory_space<vmem_shared>> -> memref<200x128xbf16, #tpu.memory_space<vmem_shared>>
            %dma_wait3A_189 = arith.constant 0 : i32
            %dma_wait3A_190 = tpu.memref_slice %arg20[%add3A_182, %dma_wait3A_189] : memref<10016x128xbf16, #tpu.memory_space<vmem_shared>> -> memref<200x128xbf16, #tpu.memory_space<vmem_shared>>
            tpu.wait_dma2 semaphore(%run_scoped3A : memref<!tpu.dma_semaphore, #tpu.memory_space<semaphore_mem>>) src(%arg19 : memref<200x128xbf16, #tpu.memory_space<vmem>>) dst(%dma_wait3A_190 : memref<200x128xbf16, #tpu.memory_space<vmem_shared>>)
            tpu.yield
          }) : () -> ()
        }
        %scan3A_174 = arith.constant 5 : i32
      } else {
      }
      %barrier3A = arith.constant 0 : index
      tpu.barrier barrier_id(%barrier3A)
      %scan3A_43 = arith.constant 0 : i32
      %scan3A_44 = arith.constant 16 : i32
      %scan3A_45 = arith.addi %scan3A_43, %scan3A_44 : i32
      %scan3A_46 = arith.constant 1 : i32
      scf.for %scan3A_170 = %scan3A_43 to %scan3A_45 step %scan3A_46  : i32 {
        %mul3A = arith.constant 1 : i32
        %mul3A_171 = arith.muli %scan3A_170, %mul3A : i32
        %add3A = arith.constant 0 : i32
        %add3A_172 = arith.addi %add3A, %mul3A_171 : i32
        %mul3A_173 = arith.constant 5 : i32
        %mul3A_174 = arith.muli %add3A_172, %mul3A_173 : i32
        %add3A_175 = arith.constant 0 : i32
        %add3A_176 = arith.addi %mul3A_174, %add3A_175 : i32
        %dma_wait3A_177 = arith.constant 0 : i32
        %dma_wait3A_178 = tpu.memref_slice %arg12[%add3A_176, %dma_wait3A_177] : memref<80x128xi32, #tpu.memory_space<vmem>> -> memref<1x128xi32, #tpu.memory_space<vmem>>
        %dma_wait3A_179 = tpu.memref_squeeze %dma_wait3A_178 : memref<1x128xi32, #tpu.memory_space<vmem>> -> memref<128xi32, #tpu.memory_space<vmem>>
        %dma_wait3A_180 = arith.constant 0 : i32
        %dma_wait3A_181 = arith.constant 0 : i32
        %dma_wait3A_182 = tpu.memref_slice %arg6[%dma_wait3A_180, %dma_wait3A_181] : memref<10000x128xbf16, #tpu.memory_space<hbm>> -> memref<10000x128xbf16, #tpu.memory_space<hbm>>
        tpu.wait_indirect_dma semaphore(%arg21 : memref<!tpu.dma_semaphore, #tpu.memory_space<semaphore_mem>>) src(%dma_wait3A_182 : memref<10000x128xbf16, #tpu.memory_space<hbm>>) dst(%arg14 : memref<128x128xbf16, #tpu.memory_space<vmem>>)
        %dma_start3A_183 = arith.constant 0 : i32
        %dma_start3A_184 = tpu.memref_slice %arg13[%add3A_176, %dma_start3A_183] : memref<80x128xi32, #tpu.memory_space<vmem>> -> memref<1x128xi32, #tpu.memory_space<vmem>>
        %dma_start3A_185 = tpu.memref_squeeze %dma_start3A_184 : memref<1x128xi32, #tpu.memory_space<vmem>> -> memref<128xi32, #tpu.memory_space<vmem>>
        %dma_start3A_186 = arith.constant 0 : i32
        %dma_start3A_187 = arith.constant 0 : i32
        %dma_start3A_188 = tpu.memref_slice %arg20[%dma_start3A_186, %dma_start3A_187] : memref<10016x128xbf16, #tpu.memory_space<vmem_shared>> -> memref<10016x128xbf16, #tpu.memory_space<vmem_shared>>
        tpu.enqueue_indirect_dma source(%arg14 : memref<128x128xbf16, #tpu.memory_space<vmem>>) target(%dma_start3A_188 : memref<10016x128xbf16, #tpu.memory_space<vmem_shared>>) offsets(%dma_start3A_185 : memref<128xi32, #tpu.memory_space<vmem>>) semaphore(%arg26 : memref<!tpu.dma_semaphore, #tpu.memory_space<semaphore_mem>>) {add = true}
        %ge3A = arith.constant 1 : i32
        %ge3A_189 = arith.cmpi sge, %add3A_172, %ge3A : i32
        %convert_element_type3A_190 = arith.extui %ge3A_189 : i1 to i32
        %cond3A_191 = arith.constant 0 : i32
        %cond3A_192 = arith.cmpi ne, %convert_element_type3A_190, %cond3A_191 : i32
        scf.if %cond3A_192 {
          %dma_wait3A_285 = arith.constant 0 : i32
          %dma_wait3A_286 = tpu.memref_slice %arg13[%add3A_176, %dma_wait3A_285] : memref<80x128xi32, #tpu.memory_space<vmem>> -> memref<1x128xi32, #tpu.memory_space<vmem>>
          %dma_wait3A_287 = tpu.memref_squeeze %dma_wait3A_286 : memref<1x128xi32, #tpu.memory_space<vmem>> -> memref<128xi32, #tpu.memory_space<vmem>>
          %dma_wait3A_288 = arith.constant 0 : i32
          %dma_wait3A_289 = arith.constant 0 : i32
          %dma_wait3A_290 = tpu.memref_slice %arg20[%dma_wait3A_288, %dma_wait3A_289] : memref<10016x128xbf16, #tpu.memory_space<vmem_shared>> -> memref<10016x128xbf16, #tpu.memory_space<vmem_shared>>
          tpu.wait_indirect_dma semaphore(%arg30 : memref<!tpu.dma_semaphore, #tpu.memory_space<semaphore_mem>>) src(%arg18 : memref<128x128xbf16, #tpu.memory_space<vmem>>) dst(%dma_wait3A_290 : memref<10016x128xbf16, #tpu.memory_space<vmem_shared>>)
        } else {
        }
        %add3A_193 = arith.constant 5 : i32
        %add3A_194 = arith.addi %add3A_176, %add3A_193 : i32
        %sub3A = arith.constant 1 : i32
        %sub3A_195 = arith.subi %add3A_194, %sub3A : i32
        %dma_start3A_196 = arith.constant 0 : i32
        %dma_start3A_197 = tpu.memref_slice %arg12[%sub3A_195, %dma_start3A_196] : memref<80x128xi32, #tpu.memory_space<vmem>> -> memref<1x128xi32, #tpu.memory_space<vmem>>
        %dma_start3A_198 = tpu.memref_squeeze %dma_start3A_197 : memref<1x128xi32, #tpu.memory_space<vmem>> -> memref<128xi32, #tpu.memory_space<vmem>>
        %dma_start3A_199 = arith.constant 0 : i32
        %dma_start3A_200 = arith.constant 0 : i32
        %dma_start3A_201 = tpu.memref_slice %arg6[%dma_start3A_199, %dma_start3A_200] : memref<10000x128xbf16, #tpu.memory_space<hbm>> -> memref<10000x128xbf16, #tpu.memory_space<hbm>>
        tpu.enqueue_indirect_dma source(%dma_start3A_201 : memref<10000x128xbf16, #tpu.memory_space<hbm>>) target(%arg18 : memref<128x128xbf16, #tpu.memory_space<vmem>>) offsets(%dma_start3A_198 : memref<128xi32, #tpu.memory_space<vmem>>) semaphore(%arg25 : memref<!tpu.dma_semaphore, #tpu.memory_space<semaphore_mem>>)
        %mul3A_202 = arith.constant 5 : i32
        %mul3A_203 = arith.muli %add3A_172, %mul3A_202 : i32
        %add3A_204 = arith.constant 1 : i32
        %add3A_205 = arith.addi %mul3A_203, %add3A_204 : i32
        %dma_wait3A_206 = arith.constant 0 : i32
        %dma_wait3A_207 = tpu.memref_slice %arg12[%add3A_205, %dma_wait3A_206] : memref<80x128xi32, #tpu.memory_space<vmem>> -> memref<1x128xi32, #tpu.memory_space<vmem>>
        %dma_wait3A_208 = tpu.memref_squeeze %dma_wait3A_207 : memref<1x128xi32, #tpu.memory_space<vmem>> -> memref<128xi32, #tpu.memory_space<vmem>>
        %dma_wait3A_209 = arith.constant 0 : i32
        %dma_wait3A_210 = arith.constant 0 : i32
        %dma_wait3A_211 = tpu.memref_slice %arg6[%dma_wait3A_209, %dma_wait3A_210] : memref<10000x128xbf16, #tpu.memory_space<hbm>> -> memref<10000x128xbf16, #tpu.memory_space<hbm>>
        tpu.wait_indirect_dma semaphore(%arg22 : memref<!tpu.dma_semaphore, #tpu.memory_space<semaphore_mem>>) src(%dma_wait3A_211 : memref<10000x128xbf16, #tpu.memory_space<hbm>>) dst(%arg15 : memref<128x128xbf16, #tpu.memory_space<vmem>>)
        %dma_start3A_212 = arith.constant 0 : i32
        %dma_start3A_213 = tpu.memref_slice %arg13[%add3A_205, %dma_start3A_212] : memref<80x128xi32, #tpu.memory_space<vmem>> -> memref<1x128xi32, #tpu.memory_space<vmem>>
        %dma_start3A_214 = tpu.memref_squeeze %dma_start3A_213 : memref<1x128xi32, #tpu.memory_space<vmem>> -> memref<128xi32, #tpu.memory_space<vmem>>
        %dma_start3A_215 = arith.constant 0 : i32
        %dma_start3A_216 = arith.constant 0 : i32
        %dma_start3A_217 = tpu.memref_slice %arg20[%dma_start3A_215, %dma_start3A_216] : memref<10016x128xbf16, #tpu.memory_space<vmem_shared>> -> memref<10016x128xbf16, #tpu.memory_space<vmem_shared>>
        tpu.enqueue_indirect_dma source(%arg15 : memref<128x128xbf16, #tpu.memory_space<vmem>>) target(%dma_start3A_217 : memref<10016x128xbf16, #tpu.memory_space<vmem_shared>>) offsets(%dma_start3A_214 : memref<128xi32, #tpu.memory_space<vmem>>) semaphore(%arg27 : memref<!tpu.dma_semaphore, #tpu.memory_space<semaphore_mem>>) {add = true}
        %le3A = arith.constant 14 : i32
        %le3A_218 = arith.cmpi sle, %add3A_172, %le3A : i32
        %convert_element_type3A_219 = arith.extui %le3A_218 : i1 to i32
        %cond3A_220 = arith.constant 0 : i32
        %cond3A_221 = arith.cmpi ne, %convert_element_type3A_219, %cond3A_220 : i32
        scf.if %cond3A_221 {
          %dma_wait3A_285 = arith.constant 0 : i32
          %dma_wait3A_286 = tpu.memref_slice %arg13[%add3A_205, %dma_wait3A_285] : memref<80x128xi32, #tpu.memory_space<vmem>> -> memref<1x128xi32, #tpu.memory_space<vmem>>
          %dma_wait3A_287 = tpu.memref_squeeze %dma_wait3A_286 : memref<1x128xi32, #tpu.memory_space<vmem>> -> memref<128xi32, #tpu.memory_space<vmem>>
          %dma_wait3A_288 = arith.constant 0 : i32
          %dma_wait3A_289 = arith.constant 0 : i32
          %dma_wait3A_290 = tpu.memref_slice %arg20[%dma_wait3A_288, %dma_wait3A_289] : memref<10016x128xbf16, #tpu.memory_space<vmem_shared>> -> memref<10016x128xbf16, #tpu.memory_space<vmem_shared>>
          tpu.wait_indirect_dma semaphore(%arg26 : memref<!tpu.dma_semaphore, #tpu.memory_space<semaphore_mem>>) src(%arg14 : memref<128x128xbf16, #tpu.memory_space<vmem>>) dst(%dma_wait3A_290 : memref<10016x128xbf16, #tpu.memory_space<vmem_shared>>)
          %add3A_291 = arith.constant 5 : i32
          %add3A_292 = arith.addi %add3A_205, %add3A_291 : i32
          %sub3A_293 = arith.constant 1 : i32
          %sub3A_294 = arith.subi %add3A_292, %sub3A_293 : i32
          %dma_start3A_295 = arith.constant 0 : i32
          %dma_start3A_296 = tpu.memref_slice %arg12[%sub3A_294, %dma_start3A_295] : memref<80x128xi32, #tpu.memory_space<vmem>> -> memref<1x128xi32, #tpu.memory_space<vmem>>
          %dma_start3A_297 = tpu.memref_squeeze %dma_start3A_296 : memref<1x128xi32, #tpu.memory_space<vmem>> -> memref<128xi32, #tpu.memory_space<vmem>>
          %dma_start3A_298 = arith.constant 0 : i32
          %dma_start3A_299 = arith.constant 0 : i32
          %dma_start3A_300 = tpu.memref_slice %arg6[%dma_start3A_298, %dma_start3A_299] : memref<10000x128xbf16, #tpu.memory_space<hbm>> -> memref<10000x128xbf16, #tpu.memory_space<hbm>>
          tpu.enqueue_indirect_dma source(%dma_start3A_300 : memref<10000x128xbf16, #tpu.memory_space<hbm>>) target(%arg14 : memref<128x128xbf16, #tpu.memory_space<vmem>>) offsets(%dma_start3A_297 : memref<128xi32, #tpu.memory_space<vmem>>) semaphore(%arg21 : memref<!tpu.dma_semaphore, #tpu.memory_space<semaphore_mem>>)
        } else {
        }
        %mul3A_222 = arith.constant 5 : i32
        %mul3A_223 = arith.muli %add3A_172, %mul3A_222 : i32
        %add3A_224 = arith.constant 2 : i32
        %add3A_225 = arith.addi %mul3A_223, %add3A_224 : i32
        %dma_wait3A_226 = arith.constant 0 : i32
        %dma_wait3A_227 = tpu.memref_slice %arg12[%add3A_225, %dma_wait3A_226] : memref<80x128xi32, #tpu.memory_space<vmem>> -> memref<1x128xi32, #tpu.memory_space<vmem>>
        %dma_wait3A_228 = tpu.memref_squeeze %dma_wait3A_227 : memref<1x128xi32, #tpu.memory_space<vmem>> -> memref<128xi32, #tpu.memory_space<vmem>>
        %dma_wait3A_229 = arith.constant 0 : i32
        %dma_wait3A_230 = arith.constant 0 : i32
        %dma_wait3A_231 = tpu.memref_slice %arg6[%dma_wait3A_229, %dma_wait3A_230] : memref<10000x128xbf16, #tpu.memory_space<hbm>> -> memref<10000x128xbf16, #tpu.memory_space<hbm>>
        tpu.wait_indirect_dma semaphore(%arg23 : memref<!tpu.dma_semaphore, #tpu.memory_space<semaphore_mem>>) src(%dma_wait3A_231 : memref<10000x128xbf16, #tpu.memory_space<hbm>>) dst(%arg16 : memref<128x128xbf16, #tpu.memory_space<vmem>>)
        %dma_start3A_232 = arith.constant 0 : i32
        %dma_start3A_233 = tpu.memref_slice %arg13[%add3A_225, %dma_start3A_232] : memref<80x128xi32, #tpu.memory_space<vmem>> -> memref<1x128xi32, #tpu.memory_space<vmem>>
        %dma_start3A_234 = tpu.memref_squeeze %dma_start3A_233 : memref<1x128xi32, #tpu.memory_space<vmem>> -> memref<128xi32, #tpu.memory_space<vmem>>
        %dma_start3A_235 = arith.constant 0 : i32
        %dma_start3A_236 = arith.constant 0 : i32
        %dma_start3A_237 = tpu.memref_slice %arg20[%dma_start3A_235, %dma_start3A_236] : memref<10016x128xbf16, #tpu.memory_space<vmem_shared>> -> memref<10016x128xbf16, #tpu.memory_space<vmem_shared>>
        tpu.enqueue_indirect_dma source(%arg16 : memref<128x128xbf16, #tpu.memory_space<vmem>>) target(%dma_start3A_237 : memref<10016x128xbf16, #tpu.memory_space<vmem_shared>>) offsets(%dma_start3A_234 : memref<128xi32, #tpu.memory_space<vmem>>) semaphore(%arg28 : memref<!tpu.dma_semaphore, #tpu.memory_space<semaphore_mem>>) {add = true}
        %le3A_238 = arith.constant 14 : i32
        %le3A_239 = arith.cmpi sle, %add3A_172, %le3A_238 : i32
        %convert_element_type3A_240 = arith.extui %le3A_239 : i1 to i32
        %cond3A_241 = arith.constant 0 : i32
        %cond3A_242 = arith.cmpi ne, %convert_element_type3A_240, %cond3A_241 : i32
        scf.if %cond3A_242 {
          %dma_wait3A_285 = arith.constant 0 : i32
          %dma_wait3A_286 = tpu.memref_slice %arg13[%add3A_225, %dma_wait3A_285] : memref<80x128xi32, #tpu.memory_space<vmem>> -> memref<1x128xi32, #tpu.memory_space<vmem>>
          %dma_wait3A_287 = tpu.memref_squeeze %dma_wait3A_286 : memref<1x128xi32, #tpu.memory_space<vmem>> -> memref<128xi32, #tpu.memory_space<vmem>>
          %dma_wait3A_288 = arith.constant 0 : i32
          %dma_wait3A_289 = arith.constant 0 : i32
          %dma_wait3A_290 = tpu.memref_slice %arg20[%dma_wait3A_288, %dma_wait3A_289] : memref<10016x128xbf16, #tpu.memory_space<vmem_shared>> -> memref<10016x128xbf16, #tpu.memory_space<vmem_shared>>
          tpu.wait_indirect_dma semaphore(%arg27 : memref<!tpu.dma_semaphore, #tpu.memory_space<semaphore_mem>>) src(%arg15 : memref<128x128xbf16, #tpu.memory_space<vmem>>) dst(%dma_wait3A_290 : memref<10016x128xbf16, #tpu.memory_space<vmem_shared>>)
          %add3A_291 = arith.constant 5 : i32
          %add3A_292 = arith.addi %add3A_225, %add3A_291 : i32
          %sub3A_293 = arith.constant 1 : i32
          %sub3A_294 = arith.subi %add3A_292, %sub3A_293 : i32
          %dma_start3A_295 = arith.constant 0 : i32
          %dma_start3A_296 = tpu.memref_slice %arg12[%sub3A_294, %dma_start3A_295] : memref<80x128xi32, #tpu.memory_space<vmem>> -> memref<1x128xi32, #tpu.memory_space<vmem>>
          %dma_start3A_297 = tpu.memref_squeeze %dma_start3A_296 : memref<1x128xi32, #tpu.memory_space<vmem>> -> memref<128xi32, #tpu.memory_space<vmem>>
          %dma_start3A_298 = arith.constant 0 : i32
          %dma_start3A_299 = arith.constant 0 : i32
          %dma_start3A_300 = tpu.memref_slice %arg6[%dma_start3A_298, %dma_start3A_299] : memref<10000x128xbf16, #tpu.memory_space<hbm>> -> memref<10000x128xbf16, #tpu.memory_space<hbm>>
          tpu.enqueue_indirect_dma source(%dma_start3A_300 : memref<10000x128xbf16, #tpu.memory_space<hbm>>) target(%arg15 : memref<128x128xbf16, #tpu.memory_space<vmem>>) offsets(%dma_start3A_297 : memref<128xi32, #tpu.memory_space<vmem>>) semaphore(%arg22 : memref<!tpu.dma_semaphore, #tpu.memory_space<semaphore_mem>>)
        } else {
        }
        %mul3A_243 = arith.constant 5 : i32
        %mul3A_244 = arith.muli %add3A_172, %mul3A_243 : i32
        %add3A_245 = arith.constant 3 : i32
        %add3A_246 = arith.addi %mul3A_244, %add3A_245 : i32
        %dma_wait3A_247 = arith.constant 0 : i32
        %dma_wait3A_248 = tpu.memref_slice %arg12[%add3A_246, %dma_wait3A_247] : memref<80x128xi32, #tpu.memory_space<vmem>> -> memref<1x128xi32, #tpu.memory_space<vmem>>
        %dma_wait3A_249 = tpu.memref_squeeze %dma_wait3A_248 : memref<1x128xi32, #tpu.memory_space<vmem>> -> memref<128xi32, #tpu.memory_space<vmem>>
        %dma_wait3A_250 = arith.constant 0 : i32
        %dma_wait3A_251 = arith.constant 0 : i32
        %dma_wait3A_252 = tpu.memref_slice %arg6[%dma_wait3A_250, %dma_wait3A_251] : memref<10000x128xbf16, #tpu.memory_space<hbm>> -> memref<10000x128xbf16, #tpu.memory_space<hbm>>
        tpu.wait_indirect_dma semaphore(%arg24 : memref<!tpu.dma_semaphore, #tpu.memory_space<semaphore_mem>>) src(%dma_wait3A_252 : memref<10000x128xbf16, #tpu.memory_space<hbm>>) dst(%arg17 : memref<128x128xbf16, #tpu.memory_space<vmem>>)
        %dma_start3A_253 = arith.constant 0 : i32
        %dma_start3A_254 = tpu.memref_slice %arg13[%add3A_246, %dma_start3A_253] : memref<80x128xi32, #tpu.memory_space<vmem>> -> memref<1x128xi32, #tpu.memory_space<vmem>>
        %dma_start3A_255 = tpu.memref_squeeze %dma_start3A_254 : memref<1x128xi32, #tpu.memory_space<vmem>> -> memref<128xi32, #tpu.memory_space<vmem>>
        %dma_start3A_256 = arith.constant 0 : i32
        %dma_start3A_257 = arith.constant 0 : i32
        %dma_start3A_258 = tpu.memref_slice %arg20[%dma_start3A_256, %dma_start3A_257] : memref<10016x128xbf16, #tpu.memory_space<vmem_shared>> -> memref<10016x128xbf16, #tpu.memory_space<vmem_shared>>
        tpu.enqueue_indirect_dma source(%arg17 : memref<128x128xbf16, #tpu.memory_space<vmem>>) target(%dma_start3A_258 : memref<10016x128xbf16, #tpu.memory_space<vmem_shared>>) offsets(%dma_start3A_255 : memref<128xi32, #tpu.memory_space<vmem>>) semaphore(%arg29 : memref<!tpu.dma_semaphore, #tpu.memory_space<semaphore_mem>>) {add = true}
        %le3A_259 = arith.constant 14 : i32
        %le3A_260 = arith.cmpi sle, %add3A_172, %le3A_259 : i32
        %convert_element_type3A_261 = arith.extui %le3A_260 : i1 to i32
        %cond3A_262 = arith.constant 0 : i32
        %cond3A_263 = arith.cmpi ne, %convert_element_type3A_261, %cond3A_262 : i32
        scf.if %cond3A_263 {
          %dma_wait3A_285 = arith.constant 0 : i32
          %dma_wait3A_286 = tpu.memref_slice %arg13[%add3A_246, %dma_wait3A_285] : memref<80x128xi32, #tpu.memory_space<vmem>> -> memref<1x128xi32, #tpu.memory_space<vmem>>
          %dma_wait3A_287 = tpu.memref_squeeze %dma_wait3A_286 : memref<1x128xi32, #tpu.memory_space<vmem>> -> memref<128xi32, #tpu.memory_space<vmem>>
          %dma_wait3A_288 = arith.constant 0 : i32
          %dma_wait3A_289 = arith.constant 0 : i32
          %dma_wait3A_290 = tpu.memref_slice %arg20[%dma_wait3A_288, %dma_wait3A_289] : memref<10016x128xbf16, #tpu.memory_space<vmem_shared>> -> memref<10016x128xbf16, #tpu.memory_space<vmem_shared>>
          tpu.wait_indirect_dma semaphore(%arg28 : memref<!tpu.dma_semaphore, #tpu.memory_space<semaphore_mem>>) src(%arg16 : memref<128x128xbf16, #tpu.memory_space<vmem>>) dst(%dma_wait3A_290 : memref<10016x128xbf16, #tpu.memory_space<vmem_shared>>)
          %add3A_291 = arith.constant 5 : i32
          %add3A_292 = arith.addi %add3A_246, %add3A_291 : i32
          %sub3A_293 = arith.constant 1 : i32
          %sub3A_294 = arith.subi %add3A_292, %sub3A_293 : i32
          %dma_start3A_295 = arith.constant 0 : i32
          %dma_start3A_296 = tpu.memref_slice %arg12[%sub3A_294, %dma_start3A_295] : memref<80x128xi32, #tpu.memory_space<vmem>> -> memref<1x128xi32, #tpu.memory_space<vmem>>
          %dma_start3A_297 = tpu.memref_squeeze %dma_start3A_296 : memref<1x128xi32, #tpu.memory_space<vmem>> -> memref<128xi32, #tpu.memory_space<vmem>>
          %dma_start3A_298 = arith.constant 0 : i32
          %dma_start3A_299 = arith.constant 0 : i32
          %dma_start3A_300 = tpu.memref_slice %arg6[%dma_start3A_298, %dma_start3A_299] : memref<10000x128xbf16, #tpu.memory_space<hbm>> -> memref<10000x128xbf16, #tpu.memory_space<hbm>>
          tpu.enqueue_indirect_dma source(%dma_start3A_300 : memref<10000x128xbf16, #tpu.memory_space<hbm>>) target(%arg16 : memref<128x128xbf16, #tpu.memory_space<vmem>>) offsets(%dma_start3A_297 : memref<128xi32, #tpu.memory_space<vmem>>) semaphore(%arg23 : memref<!tpu.dma_semaphore, #tpu.memory_space<semaphore_mem>>)
        } else {
        }
        %mul3A_264 = arith.constant 5 : i32
        %mul3A_265 = arith.muli %add3A_172, %mul3A_264 : i32
        %add3A_266 = arith.constant 4 : i32
        %add3A_267 = arith.addi %mul3A_265, %add3A_266 : i32
        %dma_wait3A_268 = arith.constant 0 : i32
        %dma_wait3A_269 = tpu.memref_slice %arg12[%add3A_267, %dma_wait3A_268] : memref<80x128xi32, #tpu.memory_space<vmem>> -> memref<1x128xi32, #tpu.memory_space<vmem>>
        %dma_wait3A_270 = tpu.memref_squeeze %dma_wait3A_269 : memref<1x128xi32, #tpu.memory_space<vmem>> -> memref<128xi32, #tpu.memory_space<vmem>>
        %dma_wait3A_271 = arith.constant 0 : i32
        %dma_wait3A_272 = arith.constant 0 : i32
        %dma_wait3A_273 = tpu.memref_slice %arg6[%dma_wait3A_271, %dma_wait3A_272] : memref<10000x128xbf16, #tpu.memory_space<hbm>> -> memref<10000x128xbf16, #tpu.memory_space<hbm>>
        tpu.wait_indirect_dma semaphore(%arg25 : memref<!tpu.dma_semaphore, #tpu.memory_space<semaphore_mem>>) src(%dma_wait3A_273 : memref<10000x128xbf16, #tpu.memory_space<hbm>>) dst(%arg18 : memref<128x128xbf16, #tpu.memory_space<vmem>>)
        %dma_start3A_274 = arith.constant 0 : i32
        %dma_start3A_275 = tpu.memref_slice %arg13[%add3A_267, %dma_start3A_274] : memref<80x128xi32, #tpu.memory_space<vmem>> -> memref<1x128xi32, #tpu.memory_space<vmem>>
        %dma_start3A_276 = tpu.memref_squeeze %dma_start3A_275 : memref<1x128xi32, #tpu.memory_space<vmem>> -> memref<128xi32, #tpu.memory_space<vmem>>
        %dma_start3A_277 = arith.constant 0 : i32
        %dma_start3A_278 = arith.constant 0 : i32
        %dma_start3A_279 = tpu.memref_slice %arg20[%dma_start3A_277, %dma_start3A_278] : memref<10016x128xbf16, #tpu.memory_space<vmem_shared>> -> memref<10016x128xbf16, #tpu.memory_space<vmem_shared>>
        tpu.enqueue_indirect_dma source(%arg18 : memref<128x128xbf16, #tpu.memory_space<vmem>>) target(%dma_start3A_279 : memref<10016x128xbf16, #tpu.memory_space<vmem_shared>>) offsets(%dma_start3A_276 : memref<128xi32, #tpu.memory_space<vmem>>) semaphore(%arg30 : memref<!tpu.dma_semaphore, #tpu.memory_space<semaphore_mem>>) {add = true}
        %le3A_280 = arith.constant 14 : i32
        %le3A_281 = arith.cmpi sle, %add3A_172, %le3A_280 : i32
        %convert_element_type3A_282 = arith.extui %le3A_281 : i1 to i32
        %cond3A_283 = arith.constant 0 : i32
        %cond3A_284 = arith.cmpi ne, %convert_element_type3A_282, %cond3A_283 : i32
        scf.if %cond3A_284 {
          %dma_wait3A_285 = arith.constant 0 : i32
          %dma_wait3A_286 = tpu.memref_slice %arg13[%add3A_267, %dma_wait3A_285] : memref<80x128xi32, #tpu.memory_space<vmem>> -> memref<1x128xi32, #tpu.memory_space<vmem>>
          %dma_wait3A_287 = tpu.memref_squeeze %dma_wait3A_286 : memref<1x128xi32, #tpu.memory_space<vmem>> -> memref<128xi32, #tpu.memory_space<vmem>>
          %dma_wait3A_288 = arith.constant 0 : i32
          %dma_wait3A_289 = arith.constant 0 : i32
          %dma_wait3A_290 = tpu.memref_slice %arg20[%dma_wait3A_288, %dma_wait3A_289] : memref<10016x128xbf16, #tpu.memory_space<vmem_shared>> -> memref<10016x128xbf16, #tpu.memory_space<vmem_shared>>
          tpu.wait_indirect_dma semaphore(%arg29 : memref<!tpu.dma_semaphore, #tpu.memory_space<semaphore_mem>>) src(%arg17 : memref<128x128xbf16, #tpu.memory_space<vmem>>) dst(%dma_wait3A_290 : memref<10016x128xbf16, #tpu.memory_space<vmem_shared>>)
          %add3A_291 = arith.constant 5 : i32
          %add3A_292 = arith.addi %add3A_267, %add3A_291 : i32
          %sub3A_293 = arith.constant 1 : i32
          %sub3A_294 = arith.subi %add3A_292, %sub3A_293 : i32
          %dma_start3A_295 = arith.constant 0 : i32
          %dma_start3A_296 = tpu.memref_slice %arg12[%sub3A_294, %dma_start3A_295] : memref<80x128xi32, #tpu.memory_space<vmem>> -> memref<1x128xi32, #tpu.memory_space<vmem>>
          %dma_start3A_297 = tpu.memref_squeeze %dma_start3A_296 : memref<1x128xi32, #tpu.memory_space<vmem>> -> memref<128xi32, #tpu.memory_space<vmem>>
          %dma_start3A_298 = arith.constant 0 : i32
          %dma_start3A_299 = arith.constant 0 : i32
          %dma_start3A_300 = tpu.memref_slice %arg6[%dma_start3A_298, %dma_start3A_299] : memref<10000x128xbf16, #tpu.memory_space<hbm>> -> memref<10000x128xbf16, #tpu.memory_space<hbm>>
          tpu.enqueue_indirect_dma source(%dma_start3A_300 : memref<10000x128xbf16, #tpu.memory_space<hbm>>) target(%arg17 : memref<128x128xbf16, #tpu.memory_space<vmem>>) offsets(%dma_start3A_297 : memref<128xi32, #tpu.memory_space<vmem>>) semaphore(%arg24 : memref<!tpu.dma_semaphore, #tpu.memory_space<semaphore_mem>>)
        } else {
        }
      }
      %scan3A_47 = arith.constant 16 : i32
      %dma_wait3A = arith.constant 0 : i32
      %dma_wait3A_48 = arith.constant 0 : i32
      %dma_wait3A_49 = tpu.memref_slice %arg13[%dma_wait3A, %dma_wait3A_48] : memref<80x128xi32, #tpu.memory_space<vmem>> -> memref<1x128xi32, #tpu.memory_space<vmem>>
      %dma_wait3A_50 = tpu.memref_squeeze %dma_wait3A_49 : memref<1x128xi32, #tpu.memory_space<vmem>> -> memref<128xi32, #tpu.memory_space<vmem>>
      %dma_wait3A_51 = arith.constant 0 : i32
      %dma_wait3A_52 = arith.constant 0 : i32
      %dma_wait3A_53 = tpu.memref_slice %arg20[%dma_wait3A_51, %dma_wait3A_52] : memref<10016x128xbf16, #tpu.memory_space<vmem_shared>> -> memref<10016x128xbf16, #tpu.memory_space<vmem_shared>>
      tpu.wait_indirect_dma semaphore(%arg26 : memref<!tpu.dma_semaphore, #tpu.memory_space<semaphore_mem>>) src(%arg14 : memref<128x128xbf16, #tpu.memory_space<vmem>>) dst(%dma_wait3A_53 : memref<10016x128xbf16, #tpu.memory_space<vmem_shared>>)
      %dma_wait3A_54 = arith.constant 0 : i32
      %dma_wait3A_55 = arith.constant 0 : i32
      %dma_wait3A_56 = tpu.memref_slice %arg13[%dma_wait3A_54, %dma_wait3A_55] : memref<80x128xi32, #tpu.memory_space<vmem>> -> memref<1x128xi32, #tpu.memory_space<vmem>>
      %dma_wait3A_57 = tpu.memref_squeeze %dma_wait3A_56 : memref<1x128xi32, #tpu.memory_space<vmem>> -> memref<128xi32, #tpu.memory_space<vmem>>
      %dma_wait3A_58 = arith.constant 0 : i32
      %dma_wait3A_59 = arith.constant 0 : i32
      %dma_wait3A_60 = tpu.memref_slice %arg20[%dma_wait3A_58, %dma_wait3A_59] : memref<10016x128xbf16, #tpu.memory_space<vmem_shared>> -> memref<10016x128xbf16, #tpu.memory_space<vmem_shared>>
      tpu.wait_indirect_dma semaphore(%arg27 : memref<!tpu.dma_semaphore, #tpu.memory_space<semaphore_mem>>) src(%arg15 : memref<128x128xbf16, #tpu.memory_space<vmem>>) dst(%dma_wait3A_60 : memref<10016x128xbf16, #tpu.memory_space<vmem_shared>>)
      %dma_wait3A_61 = arith.constant 0 : i32
      %dma_wait3A_62 = arith.constant 0 : i32
      %dma_wait3A_63 = tpu.memref_slice %arg13[%dma_wait3A_61, %dma_wait3A_62] : memref<80x128xi32, #tpu.memory_space<vmem>> -> memref<1x128xi32, #tpu.memory_space<vmem>>
      %dma_wait3A_64 = tpu.memref_squeeze %dma_wait3A_63 : memref<1x128xi32, #tpu.memory_space<vmem>> -> memref<128xi32, #tpu.memory_space<vmem>>
      %dma_wait3A_65 = arith.constant 0 : i32
      %dma_wait3A_66 = arith.constant 0 : i32
      %dma_wait3A_67 = tpu.memref_slice %arg20[%dma_wait3A_65, %dma_wait3A_66] : memref<10016x128xbf16, #tpu.memory_space<vmem_shared>> -> memref<10016x128xbf16, #tpu.memory_space<vmem_shared>>
      tpu.wait_indirect_dma semaphore(%arg28 : memref<!tpu.dma_semaphore, #tpu.memory_space<semaphore_mem>>) src(%arg16 : memref<128x128xbf16, #tpu.memory_space<vmem>>) dst(%dma_wait3A_67 : memref<10016x128xbf16, #tpu.memory_space<vmem_shared>>)
      %dma_wait3A_68 = arith.constant 0 : i32
      %dma_wait3A_69 = arith.constant 0 : i32
      %dma_wait3A_70 = tpu.memref_slice %arg13[%dma_wait3A_68, %dma_wait3A_69] : memref<80x128xi32, #tpu.memory_space<vmem>> -> memref<1x128xi32, #tpu.memory_space<vmem>>
      %dma_wait3A_71 = tpu.memref_squeeze %dma_wait3A_70 : memref<1x128xi32, #tpu.memory_space<vmem>> -> memref<128xi32, #tpu.memory_space<vmem>>
      %dma_wait3A_72 = arith.constant 0 : i32
      %dma_wait3A_73 = arith.constant 0 : i32
      %dma_wait3A_74 = tpu.memref_slice %arg20[%dma_wait3A_72, %dma_wait3A_73] : memref<10016x128xbf16, #tpu.memory_space<vmem_shared>> -> memref<10016x128xbf16, #tpu.memory_space<vmem_shared>>
      tpu.wait_indirect_dma semaphore(%arg29 : memref<!tpu.dma_semaphore, #tpu.memory_space<semaphore_mem>>) src(%arg17 : memref<128x128xbf16, #tpu.memory_space<vmem>>) dst(%dma_wait3A_74 : memref<10016x128xbf16, #tpu.memory_space<vmem_shared>>)
      %dma_wait3A_75 = arith.constant 0 : i32
      %dma_wait3A_76 = arith.constant 0 : i32
      %dma_wait3A_77 = tpu.memref_slice %arg13[%dma_wait3A_75, %dma_wait3A_76] : memref<80x128xi32, #tpu.memory_space<vmem>> -> memref<1x128xi32, #tpu.memory_space<vmem>>
      %dma_wait3A_78 = tpu.memref_squeeze %dma_wait3A_77 : memref<1x128xi32, #tpu.memory_space<vmem>> -> memref<128xi32, #tpu.memory_space<vmem>>
      %dma_wait3A_79 = arith.constant 0 : i32
      %dma_wait3A_80 = arith.constant 0 : i32
      %dma_wait3A_81 = tpu.memref_slice %arg20[%dma_wait3A_79, %dma_wait3A_80] : memref<10016x128xbf16, #tpu.memory_space<vmem_shared>> -> memref<10016x128xbf16, #tpu.memory_space<vmem_shared>>
      tpu.wait_indirect_dma semaphore(%arg30 : memref<!tpu.dma_semaphore, #tpu.memory_space<semaphore_mem>>) src(%arg18 : memref<128x128xbf16, #tpu.memory_space<vmem>>) dst(%dma_wait3A_81 : memref<10016x128xbf16, #tpu.memory_space<vmem_shared>>)
      %barrier3A_82 = arith.constant 0 : index
      tpu.barrier barrier_id(%barrier3A_82)
      %lt3A_83 = arith.constant 10 : i32
      %lt3A_84 = arith.cmpi slt, %arg1, %lt3A_83 : i32
      %convert_element_type3A_85 = arith.extui %lt3A_84 : i1 to i32
      %cond3A_86 = arith.constant 0 : i32
      %cond3A_87 = arith.cmpi ne, %convert_element_type3A_85, %cond3A_86 : i32
      scf.if %cond3A_87 {
        %mul3A = arith.constant 1000 : i32
        %mul3A_170 = arith.muli %arg1, %mul3A : i32
        %mul3A_171 = arith.constant 1000 : i32
        %mul3A_172 = arith.muli %arg1, %mul3A_171 : i32
        "tpu.region"() ({
          %run_scoped3A = tpu.sem_alloc : memref<!tpu.dma_semaphore, #tpu.memory_space<semaphore_mem>>
          %dma_start3A_173 = arith.constant 0 : i32
          %dma_start3A_174 = tpu.memref_slice %arg10[%mul3A_172, %dma_start3A_173] : memref<10000x128xbf16, #tpu.memory_space<hbm>> -> memref<1000x128xbf16, #tpu.memory_space<hbm>>
          %dma_start3A_175 = arith.constant 0 : i32
          %dma_start3A_176 = tpu.memref_slice %arg20[%mul3A_170, %dma_start3A_175] : memref<10016x128xbf16, #tpu.memory_space<vmem_shared>> -> memref<1000x128xbf16, #tpu.memory_space<vmem_shared>>
          tpu.enqueue_dma source(%dma_start3A_176 : memref<1000x128xbf16, #tpu.memory_space<vmem_shared>>) target(%dma_start3A_174 : memref<1000x128xbf16, #tpu.memory_space<hbm>>) target_semaphore(%run_scoped3A : memref<!tpu.dma_semaphore, #tpu.memory_space<semaphore_mem>>)
          %dma_wait3A_177 = arith.constant 0 : i32
          %dma_wait3A_178 = tpu.memref_slice %arg10[%mul3A_172, %dma_wait3A_177] : memref<10000x128xbf16, #tpu.memory_space<hbm>> -> memref<1000x128xbf16, #tpu.memory_space<hbm>>
          %dma_wait3A_179 = arith.constant 0 : i32
          %dma_wait3A_180 = tpu.memref_slice %arg20[%mul3A_170, %dma_wait3A_179] : memref<10016x128xbf16, #tpu.memory_space<vmem_shared>> -> memref<1000x128xbf16, #tpu.memory_space<vmem_shared>>
          tpu.wait_dma2 semaphore(%run_scoped3A : memref<!tpu.dma_semaphore, #tpu.memory_space<semaphore_mem>>) src(%dma_wait3A_180 : memref<1000x128xbf16, #tpu.memory_space<vmem_shared>>) dst(%dma_wait3A_178 : memref<1000x128xbf16, #tpu.memory_space<hbm>>)
          tpu.yield
        }) : () -> ()
      } else {
      }
      %barrier3A_88 = arith.constant 0 : index
      tpu.barrier barrier_id(%barrier3A_88)
      %dma_start3A_89 = arith.constant 0 : i32
      %dma_start3A_90 = arith.constant 0 : i32
      %dma_start3A_91 = tpu.memref_slice %arg12[%dma_start3A_89, %dma_start3A_90] : memref<80x128xi32, #tpu.memory_space<vmem>> -> memref<1x128xi32, #tpu.memory_space<vmem>>
      %dma_start3A_92 = tpu.memref_squeeze %dma_start3A_91 : memref<1x128xi32, #tpu.memory_space<vmem>> -> memref<128xi32, #tpu.memory_space<vmem>>
      %dma_start3A_93 = arith.constant 0 : i32
      %dma_start3A_94 = arith.constant 0 : i32
      %dma_start3A_95 = tpu.memref_slice %arg7[%dma_start3A_93, %dma_start3A_94] : memref<10000x128xbf16, #tpu.memory_space<hbm>> -> memref<10000x128xbf16, #tpu.memory_space<hbm>>
      tpu.enqueue_indirect_dma source(%dma_start3A_95 : memref<10000x128xbf16, #tpu.memory_space<hbm>>) target(%arg14 : memref<128x128xbf16, #tpu.memory_space<vmem>>) offsets(%dma_start3A_92 : memref<128xi32, #tpu.memory_space<vmem>>) semaphore(%arg21 : memref<!tpu.dma_semaphore, #tpu.memory_space<semaphore_mem>>)
      %dma_start3A_96 = arith.constant 1 : i32
      %dma_start3A_97 = arith.constant 0 : i32
      %dma_start3A_98 = tpu.memref_slice %arg12[%dma_start3A_96, %dma_start3A_97] : memref<80x128xi32, #tpu.memory_space<vmem>> -> memref<1x128xi32, #tpu.memory_space<vmem>>
      %dma_start3A_99 = tpu.memref_squeeze %dma_start3A_98 : memref<1x128xi32, #tpu.memory_space<vmem>> -> memref<128xi32, #tpu.memory_space<vmem>>
      %dma_start3A_100 = arith.constant 0 : i32
      %dma_start3A_101 = arith.constant 0 : i32
      %dma_start3A_102 = tpu.memref_slice %arg7[%dma_start3A_100, %dma_start3A_101] : memref<10000x128xbf16, #tpu.memory_space<hbm>> -> memref<10000x128xbf16, #tpu.memory_space<hbm>>
      tpu.enqueue_indirect_dma source(%dma_start3A_102 : memref<10000x128xbf16, #tpu.memory_space<hbm>>) target(%arg15 : memref<128x128xbf16, #tpu.memory_space<vmem>>) offsets(%dma_start3A_99 : memref<128xi32, #tpu.memory_space<vmem>>) semaphore(%arg22 : memref<!tpu.dma_semaphore, #tpu.memory_space<semaphore_mem>>)
      %dma_start3A_103 = arith.constant 2 : i32
      %dma_start3A_104 = arith.constant 0 : i32
      %dma_start3A_105 = tpu.memref_slice %arg12[%dma_start3A_103, %dma_start3A_104] : memref<80x128xi32, #tpu.memory_space<vmem>> -> memref<1x128xi32, #tpu.memory_space<vmem>>
      %dma_start3A_106 = tpu.memref_squeeze %dma_start3A_105 : memref<1x128xi32, #tpu.memory_space<vmem>> -> memref<128xi32, #tpu.memory_space<vmem>>
      %dma_start3A_107 = arith.constant 0 : i32
      %dma_start3A_108 = arith.constant 0 : i32
      %dma_start3A_109 = tpu.memref_slice %arg7[%dma_start3A_107, %dma_start3A_108] : memref<10000x128xbf16, #tpu.memory_space<hbm>> -> memref<10000x128xbf16, #tpu.memory_space<hbm>>
      tpu.enqueue_indirect_dma source(%dma_start3A_109 : memref<10000x128xbf16, #tpu.memory_space<hbm>>) target(%arg16 : memref<128x128xbf16, #tpu.memory_space<vmem>>) offsets(%dma_start3A_106 : memref<128xi32, #tpu.memory_space<vmem>>) semaphore(%arg23 : memref<!tpu.dma_semaphore, #tpu.memory_space<semaphore_mem>>)
      %dma_start3A_110 = arith.constant 3 : i32
      %dma_start3A_111 = arith.constant 0 : i32
      %dma_start3A_112 = tpu.memref_slice %arg12[%dma_start3A_110, %dma_start3A_111] : memref<80x128xi32, #tpu.memory_space<vmem>> -> memref<1x128xi32, #tpu.memory_space<vmem>>
      %dma_start3A_113 = tpu.memref_squeeze %dma_start3A_112 : memref<1x128xi32, #tpu.memory_space<vmem>> -> memref<128xi32, #tpu.memory_space<vmem>>
      %dma_start3A_114 = arith.constant 0 : i32
      %dma_start3A_115 = arith.constant 0 : i32
      %dma_start3A_116 = tpu.memref_slice %arg7[%dma_start3A_114, %dma_start3A_115] : memref<10000x128xbf16, #tpu.memory_space<hbm>> -> memref<10000x128xbf16, #tpu.memory_space<hbm>>
      tpu.enqueue_indirect_dma source(%dma_start3A_116 : memref<10000x128xbf16, #tpu.memory_space<hbm>>) target(%arg17 : memref<128x128xbf16, #tpu.memory_space<vmem>>) offsets(%dma_start3A_113 : memref<128xi32, #tpu.memory_space<vmem>>) semaphore(%arg24 : memref<!tpu.dma_semaphore, #tpu.memory_space<semaphore_mem>>)
      %lt3A_117 = arith.constant 10 : i32
      %lt3A_118 = arith.cmpi slt, %arg1, %lt3A_117 : i32
      %convert_element_type3A_119 = arith.extui %lt3A_118 : i1 to i32
      %cond3A_120 = arith.constant 0 : i32
      %cond3A_121 = arith.cmpi ne, %convert_element_type3A_119, %cond3A_120 : i32
      scf.if %cond3A_121 {
        %scan3A_170 = arith.constant 0 : i32
        %scan3A_171 = arith.constant 5 : i32
        %scan3A_172 = arith.addi %scan3A_170, %scan3A_171 : i32
        %scan3A_173 = arith.constant 1 : i32
        scf.for %scan3A_175 = %scan3A_170 to %scan3A_172 step %scan3A_173  : i32 {
          %mul3A = arith.constant 1 : i32
          %mul3A_176 = arith.muli %scan3A_175, %mul3A : i32
          %add3A = arith.constant 0 : i32
          %add3A_177 = arith.addi %add3A, %mul3A_176 : i32
          %mul3A_178 = arith.constant 1000 : i32
          %mul3A_179 = arith.muli %arg1, %mul3A_178 : i32
          %mul3A_180 = arith.constant 200 : i32
          %mul3A_181 = arith.muli %add3A_177, %mul3A_180 : i32
          %add3A_182 = arith.addi %mul3A_179, %mul3A_181 : i32
          "tpu.region"() ({
            %run_scoped3A = tpu.sem_alloc : memref<!tpu.dma_semaphore, #tpu.memory_space<semaphore_mem>>
            %dma_start3A_183 = arith.constant 0 : i32
            %dma_start3A_184 = tpu.memref_slice %arg20[%add3A_182, %dma_start3A_183] : memref<10016x128xbf16, #tpu.memory_space<vmem_shared>> -> memref<200x128xbf16, #tpu.memory_space<vmem_shared>>
            %dma_start3A_185 = arith.constant 0 : i32
            %dma_start3A_186 = tpu.memref_slice %arg20[%add3A_182, %dma_start3A_185] : memref<10016x128xbf16, #tpu.memory_space<vmem_shared>> -> memref<200x128xbf16, #tpu.memory_space<vmem_shared>>
            tpu.enqueue_dma source(%arg19 : memref<200x128xbf16, #tpu.memory_space<vmem>>) target(%dma_start3A_186 : memref<200x128xbf16, #tpu.memory_space<vmem_shared>>) target_semaphore(%run_scoped3A : memref<!tpu.dma_semaphore, #tpu.memory_space<semaphore_mem>>)
            %dma_wait3A_187 = arith.constant 0 : i32
            %dma_wait3A_188 = tpu.memref_slice %arg20[%add3A_182, %dma_wait3A_187] : memref<10016x128xbf16, #tpu.memory_space<vmem_shared>> -> memref<200x128xbf16, #tpu.memory_space<vmem_shared>>
            %dma_wait3A_189 = arith.constant 0 : i32
            %dma_wait3A_190 = tpu.memref_slice %arg20[%add3A_182, %dma_wait3A_189] : memref<10016x128xbf16, #tpu.memory_space<vmem_shared>> -> memref<200x128xbf16, #tpu.memory_space<vmem_shared>>
            tpu.wait_dma2 semaphore(%run_scoped3A : memref<!tpu.dma_semaphore, #tpu.memory_space<semaphore_mem>>) src(%arg19 : memref<200x128xbf16, #tpu.memory_space<vmem>>) dst(%dma_wait3A_190 : memref<200x128xbf16, #tpu.memory_space<vmem_shared>>)
            tpu.yield
          }) : () -> ()
        }
        %scan3A_174 = arith.constant 5 : i32
      } else {
      }
      %barrier3A_122 = arith.constant 0 : index
      tpu.barrier barrier_id(%barrier3A_122)
      %scan3A_123 = arith.constant 0 : i32
      %scan3A_124 = arith.constant 16 : i32
      %scan3A_125 = arith.addi %scan3A_123, %scan3A_124 : i32
      %scan3A_126 = arith.constant 1 : i32
      scf.for %scan3A_170 = %scan3A_123 to %scan3A_125 step %scan3A_126  : i32 {
        %mul3A = arith.constant 1 : i32
        %mul3A_171 = arith.muli %scan3A_170, %mul3A : i32
        %add3A = arith.constant 0 : i32
        %add3A_172 = arith.addi %add3A, %mul3A_171 : i32
        %mul3A_173 = arith.constant 5 : i32
        %mul3A_174 = arith.muli %add3A_172, %mul3A_173 : i32
        %add3A_175 = arith.constant 0 : i32
        %add3A_176 = arith.addi %mul3A_174, %add3A_175 : i32
        %dma_wait3A_177 = arith.constant 0 : i32
        %dma_wait3A_178 = tpu.memref_slice %arg12[%add3A_176, %dma_wait3A_177] : memref<80x128xi32, #tpu.memory_space<vmem>> -> memref<1x128xi32, #tpu.memory_space<vmem>>
        %dma_wait3A_179 = tpu.memref_squeeze %dma_wait3A_178 : memref<1x128xi32, #tpu.memory_space<vmem>> -> memref<128xi32, #tpu.memory_space<vmem>>
        %dma_wait3A_180 = arith.constant 0 : i32
        %dma_wait3A_181 = arith.constant 0 : i32
        %dma_wait3A_182 = tpu.memref_slice %arg7[%dma_wait3A_180, %dma_wait3A_181] : memref<10000x128xbf16, #tpu.memory_space<hbm>> -> memref<10000x128xbf16, #tpu.memory_space<hbm>>
        tpu.wait_indirect_dma semaphore(%arg21 : memref<!tpu.dma_semaphore, #tpu.memory_space<semaphore_mem>>) src(%dma_wait3A_182 : memref<10000x128xbf16, #tpu.memory_space<hbm>>) dst(%arg14 : memref<128x128xbf16, #tpu.memory_space<vmem>>)
        %dma_start3A_183 = arith.constant 0 : i32
        %dma_start3A_184 = tpu.memref_slice %arg13[%add3A_176, %dma_start3A_183] : memref<80x128xi32, #tpu.memory_space<vmem>> -> memref<1x128xi32, #tpu.memory_space<vmem>>
        %dma_start3A_185 = tpu.memref_squeeze %dma_start3A_184 : memref<1x128xi32, #tpu.memory_space<vmem>> -> memref<128xi32, #tpu.memory_space<vmem>>
        %dma_start3A_186 = arith.constant 0 : i32
        %dma_start3A_187 = arith.constant 0 : i32
        %dma_start3A_188 = tpu.memref_slice %arg20[%dma_start3A_186, %dma_start3A_187] : memref<10016x128xbf16, #tpu.memory_space<vmem_shared>> -> memref<10016x128xbf16, #tpu.memory_space<vmem_shared>>
        tpu.enqueue_indirect_dma source(%arg14 : memref<128x128xbf16, #tpu.memory_space<vmem>>) target(%dma_start3A_188 : memref<10016x128xbf16, #tpu.memory_space<vmem_shared>>) offsets(%dma_start3A_185 : memref<128xi32, #tpu.memory_space<vmem>>) semaphore(%arg26 : memref<!tpu.dma_semaphore, #tpu.memory_space<semaphore_mem>>) {add = true}
        %ge3A = arith.constant 1 : i32
        %ge3A_189 = arith.cmpi sge, %add3A_172, %ge3A : i32
        %convert_element_type3A_190 = arith.extui %ge3A_189 : i1 to i32
        %cond3A_191 = arith.constant 0 : i32
        %cond3A_192 = arith.cmpi ne, %convert_element_type3A_190, %cond3A_191 : i32
        scf.if %cond3A_192 {
          %dma_wait3A_285 = arith.constant 0 : i32
          %dma_wait3A_286 = tpu.memref_slice %arg13[%add3A_176, %dma_wait3A_285] : memref<80x128xi32, #tpu.memory_space<vmem>> -> memref<1x128xi32, #tpu.memory_space<vmem>>
          %dma_wait3A_287 = tpu.memref_squeeze %dma_wait3A_286 : memref<1x128xi32, #tpu.memory_space<vmem>> -> memref<128xi32, #tpu.memory_space<vmem>>
          %dma_wait3A_288 = arith.constant 0 : i32
          %dma_wait3A_289 = arith.constant 0 : i32
          %dma_wait3A_290 = tpu.memref_slice %arg20[%dma_wait3A_288, %dma_wait3A_289] : memref<10016x128xbf16, #tpu.memory_space<vmem_shared>> -> memref<10016x128xbf16, #tpu.memory_space<vmem_shared>>
          tpu.wait_indirect_dma semaphore(%arg30 : memref<!tpu.dma_semaphore, #tpu.memory_space<semaphore_mem>>) src(%arg18 : memref<128x128xbf16, #tpu.memory_space<vmem>>) dst(%dma_wait3A_290 : memref<10016x128xbf16, #tpu.memory_space<vmem_shared>>)
        } else {
        }
        %add3A_193 = arith.constant 5 : i32
        %add3A_194 = arith.addi %add3A_176, %add3A_193 : i32
        %sub3A = arith.constant 1 : i32
        %sub3A_195 = arith.subi %add3A_194, %sub3A : i32
        %dma_start3A_196 = arith.constant 0 : i32
        %dma_start3A_197 = tpu.memref_slice %arg12[%sub3A_195, %dma_start3A_196] : memref<80x128xi32, #tpu.memory_space<vmem>> -> memref<1x128xi32, #tpu.memory_space<vmem>>
        %dma_start3A_198 = tpu.memref_squeeze %dma_start3A_197 : memref<1x128xi32, #tpu.memory_space<vmem>> -> memref<128xi32, #tpu.memory_space<vmem>>
        %dma_start3A_199 = arith.constant 0 : i32
        %dma_start3A_200 = arith.constant 0 : i32
        %dma_start3A_201 = tpu.memref_slice %arg7[%dma_start3A_199, %dma_start3A_200] : memref<10000x128xbf16, #tpu.memory_space<hbm>> -> memref<10000x128xbf16, #tpu.memory_space<hbm>>
        tpu.enqueue_indirect_dma source(%dma_start3A_201 : memref<10000x128xbf16, #tpu.memory_space<hbm>>) target(%arg18 : memref<128x128xbf16, #tpu.memory_space<vmem>>) offsets(%dma_start3A_198 : memref<128xi32, #tpu.memory_space<vmem>>) semaphore(%arg25 : memref<!tpu.dma_semaphore, #tpu.memory_space<semaphore_mem>>)
        %mul3A_202 = arith.constant 5 : i32
        %mul3A_203 = arith.muli %add3A_172, %mul3A_202 : i32
        %add3A_204 = arith.constant 1 : i32
        %add3A_205 = arith.addi %mul3A_203, %add3A_204 : i32
        %dma_wait3A_206 = arith.constant 0 : i32
        %dma_wait3A_207 = tpu.memref_slice %arg12[%add3A_205, %dma_wait3A_206] : memref<80x128xi32, #tpu.memory_space<vmem>> -> memref<1x128xi32, #tpu.memory_space<vmem>>
        %dma_wait3A_208 = tpu.memref_squeeze %dma_wait3A_207 : memref<1x128xi32, #tpu.memory_space<vmem>> -> memref<128xi32, #tpu.memory_space<vmem>>
        %dma_wait3A_209 = arith.constant 0 : i32
        %dma_wait3A_210 = arith.constant 0 : i32
        %dma_wait3A_211 = tpu.memref_slice %arg7[%dma_wait3A_209, %dma_wait3A_210] : memref<10000x128xbf16, #tpu.memory_space<hbm>> -> memref<10000x128xbf16, #tpu.memory_space<hbm>>
        tpu.wait_indirect_dma semaphore(%arg22 : memref<!tpu.dma_semaphore, #tpu.memory_space<semaphore_mem>>) src(%dma_wait3A_211 : memref<10000x128xbf16, #tpu.memory_space<hbm>>) dst(%arg15 : memref<128x128xbf16, #tpu.memory_space<vmem>>)
        %dma_start3A_212 = arith.constant 0 : i32
        %dma_start3A_213 = tpu.memref_slice %arg13[%add3A_205, %dma_start3A_212] : memref<80x128xi32, #tpu.memory_space<vmem>> -> memref<1x128xi32, #tpu.memory_space<vmem>>
        %dma_start3A_214 = tpu.memref_squeeze %dma_start3A_213 : memref<1x128xi32, #tpu.memory_space<vmem>> -> memref<128xi32, #tpu.memory_space<vmem>>
        %dma_start3A_215 = arith.constant 0 : i32
        %dma_start3A_216 = arith.constant 0 : i32
        %dma_start3A_217 = tpu.memref_slice %arg20[%dma_start3A_215, %dma_start3A_216] : memref<10016x128xbf16, #tpu.memory_space<vmem_shared>> -> memref<10016x128xbf16, #tpu.memory_space<vmem_shared>>
        tpu.enqueue_indirect_dma source(%arg15 : memref<128x128xbf16, #tpu.memory_space<vmem>>) target(%dma_start3A_217 : memref<10016x128xbf16, #tpu.memory_space<vmem_shared>>) offsets(%dma_start3A_214 : memref<128xi32, #tpu.memory_space<vmem>>) semaphore(%arg27 : memref<!tpu.dma_semaphore, #tpu.memory_space<semaphore_mem>>) {add = true}
        %le3A = arith.constant 14 : i32
        %le3A_218 = arith.cmpi sle, %add3A_172, %le3A : i32
        %convert_element_type3A_219 = arith.extui %le3A_218 : i1 to i32
        %cond3A_220 = arith.constant 0 : i32
        %cond3A_221 = arith.cmpi ne, %convert_element_type3A_219, %cond3A_220 : i32
        scf.if %cond3A_221 {
          %dma_wait3A_285 = arith.constant 0 : i32
          %dma_wait3A_286 = tpu.memref_slice %arg13[%add3A_205, %dma_wait3A_285] : memref<80x128xi32, #tpu.memory_space<vmem>> -> memref<1x128xi32, #tpu.memory_space<vmem>>
          %dma_wait3A_287 = tpu.memref_squeeze %dma_wait3A_286 : memref<1x128xi32, #tpu.memory_space<vmem>> -> memref<128xi32, #tpu.memory_space<vmem>>
          %dma_wait3A_288 = arith.constant 0 : i32
          %dma_wait3A_289 = arith.constant 0 : i32
          %dma_wait3A_290 = tpu.memref_slice %arg20[%dma_wait3A_288, %dma_wait3A_289] : memref<10016x128xbf16, #tpu.memory_space<vmem_shared>> -> memref<10016x128xbf16, #tpu.memory_space<vmem_shared>>
          tpu.wait_indirect_dma semaphore(%arg26 : memref<!tpu.dma_semaphore, #tpu.memory_space<semaphore_mem>>) src(%arg14 : memref<128x128xbf16, #tpu.memory_space<vmem>>) dst(%dma_wait3A_290 : memref<10016x128xbf16, #tpu.memory_space<vmem_shared>>)
          %add3A_291 = arith.constant 5 : i32
          %add3A_292 = arith.addi %add3A_205, %add3A_291 : i32
          %sub3A_293 = arith.constant 1 : i32
          %sub3A_294 = arith.subi %add3A_292, %sub3A_293 : i32
          %dma_start3A_295 = arith.constant 0 : i32
          %dma_start3A_296 = tpu.memref_slice %arg12[%sub3A_294, %dma_start3A_295] : memref<80x128xi32, #tpu.memory_space<vmem>> -> memref<1x128xi32, #tpu.memory_space<vmem>>
          %dma_start3A_297 = tpu.memref_squeeze %dma_start3A_296 : memref<1x128xi32, #tpu.memory_space<vmem>> -> memref<128xi32, #tpu.memory_space<vmem>>
          %dma_start3A_298 = arith.constant 0 : i32
          %dma_start3A_299 = arith.constant 0 : i32
          %dma_start3A_300 = tpu.memref_slice %arg7[%dma_start3A_298, %dma_start3A_299] : memref<10000x128xbf16, #tpu.memory_space<hbm>> -> memref<10000x128xbf16, #tpu.memory_space<hbm>>
          tpu.enqueue_indirect_dma source(%dma_start3A_300 : memref<10000x128xbf16, #tpu.memory_space<hbm>>) target(%arg14 : memref<128x128xbf16, #tpu.memory_space<vmem>>) offsets(%dma_start3A_297 : memref<128xi32, #tpu.memory_space<vmem>>) semaphore(%arg21 : memref<!tpu.dma_semaphore, #tpu.memory_space<semaphore_mem>>)
        } else {
        }
        %mul3A_222 = arith.constant 5 : i32
        %mul3A_223 = arith.muli %add3A_172, %mul3A_222 : i32
        %add3A_224 = arith.constant 2 : i32
        %add3A_225 = arith.addi %mul3A_223, %add3A_224 : i32
        %dma_wait3A_226 = arith.constant 0 : i32
        %dma_wait3A_227 = tpu.memref_slice %arg12[%add3A_225, %dma_wait3A_226] : memref<80x128xi32, #tpu.memory_space<vmem>> -> memref<1x128xi32, #tpu.memory_space<vmem>>
        %dma_wait3A_228 = tpu.memref_squeeze %dma_wait3A_227 : memref<1x128xi32, #tpu.memory_space<vmem>> -> memref<128xi32, #tpu.memory_space<vmem>>
        %dma_wait3A_229 = arith.constant 0 : i32
        %dma_wait3A_230 = arith.constant 0 : i32
        %dma_wait3A_231 = tpu.memref_slice %arg7[%dma_wait3A_229, %dma_wait3A_230] : memref<10000x128xbf16, #tpu.memory_space<hbm>> -> memref<10000x128xbf16, #tpu.memory_space<hbm>>
        tpu.wait_indirect_dma semaphore(%arg23 : memref<!tpu.dma_semaphore, #tpu.memory_space<semaphore_mem>>) src(%dma_wait3A_231 : memref<10000x128xbf16, #tpu.memory_space<hbm>>) dst(%arg16 : memref<128x128xbf16, #tpu.memory_space<vmem>>)
        %dma_start3A_232 = arith.constant 0 : i32
        %dma_start3A_233 = tpu.memref_slice %arg13[%add3A_225, %dma_start3A_232] : memref<80x128xi32, #tpu.memory_space<vmem>> -> memref<1x128xi32, #tpu.memory_space<vmem>>
        %dma_start3A_234 = tpu.memref_squeeze %dma_start3A_233 : memref<1x128xi32, #tpu.memory_space<vmem>> -> memref<128xi32, #tpu.memory_space<vmem>>
        %dma_start3A_235 = arith.constant 0 : i32
        %dma_start3A_236 = arith.constant 0 : i32
        %dma_start3A_237 = tpu.memref_slice %arg20[%dma_start3A_235, %dma_start3A_236] : memref<10016x128xbf16, #tpu.memory_space<vmem_shared>> -> memref<10016x128xbf16, #tpu.memory_space<vmem_shared>>
        tpu.enqueue_indirect_dma source(%arg16 : memref<128x128xbf16, #tpu.memory_space<vmem>>) target(%dma_start3A_237 : memref<10016x128xbf16, #tpu.memory_space<vmem_shared>>) offsets(%dma_start3A_234 : memref<128xi32, #tpu.memory_space<vmem>>) semaphore(%arg28 : memref<!tpu.dma_semaphore, #tpu.memory_space<semaphore_mem>>) {add = true}
        %le3A_238 = arith.constant 14 : i32
        %le3A_239 = arith.cmpi sle, %add3A_172, %le3A_238 : i32
        %convert_element_type3A_240 = arith.extui %le3A_239 : i1 to i32
        %cond3A_241 = arith.constant 0 : i32
        %cond3A_242 = arith.cmpi ne, %convert_element_type3A_240, %cond3A_241 : i32
        scf.if %cond3A_242 {
          %dma_wait3A_285 = arith.constant 0 : i32
          %dma_wait3A_286 = tpu.memref_slice %arg13[%add3A_225, %dma_wait3A_285] : memref<80x128xi32, #tpu.memory_space<vmem>> -> memref<1x128xi32, #tpu.memory_space<vmem>>
          %dma_wait3A_287 = tpu.memref_squeeze %dma_wait3A_286 : memref<1x128xi32, #tpu.memory_space<vmem>> -> memref<128xi32, #tpu.memory_space<vmem>>
          %dma_wait3A_288 = arith.constant 0 : i32
          %dma_wait3A_289 = arith.constant 0 : i32
          %dma_wait3A_290 = tpu.memref_slice %arg20[%dma_wait3A_288, %dma_wait3A_289] : memref<10016x128xbf16, #tpu.memory_space<vmem_shared>> -> memref<10016x128xbf16, #tpu.memory_space<vmem_shared>>
          tpu.wait_indirect_dma semaphore(%arg27 : memref<!tpu.dma_semaphore, #tpu.memory_space<semaphore_mem>>) src(%arg15 : memref<128x128xbf16, #tpu.memory_space<vmem>>) dst(%dma_wait3A_290 : memref<10016x128xbf16, #tpu.memory_space<vmem_shared>>)
          %add3A_291 = arith.constant 5 : i32
          %add3A_292 = arith.addi %add3A_225, %add3A_291 : i32
          %sub3A_293 = arith.constant 1 : i32
          %sub3A_294 = arith.subi %add3A_292, %sub3A_293 : i32
          %dma_start3A_295 = arith.constant 0 : i32
          %dma_start3A_296 = tpu.memref_slice %arg12[%sub3A_294, %dma_start3A_295] : memref<80x128xi32, #tpu.memory_space<vmem>> -> memref<1x128xi32, #tpu.memory_space<vmem>>
          %dma_start3A_297 = tpu.memref_squeeze %dma_start3A_296 : memref<1x128xi32, #tpu.memory_space<vmem>> -> memref<128xi32, #tpu.memory_space<vmem>>
          %dma_start3A_298 = arith.constant 0 : i32
          %dma_start3A_299 = arith.constant 0 : i32
          %dma_start3A_300 = tpu.memref_slice %arg7[%dma_start3A_298, %dma_start3A_299] : memref<10000x128xbf16, #tpu.memory_space<hbm>> -> memref<10000x128xbf16, #tpu.memory_space<hbm>>
          tpu.enqueue_indirect_dma source(%dma_start3A_300 : memref<10000x128xbf16, #tpu.memory_space<hbm>>) target(%arg15 : memref<128x128xbf16, #tpu.memory_space<vmem>>) offsets(%dma_start3A_297 : memref<128xi32, #tpu.memory_space<vmem>>) semaphore(%arg22 : memref<!tpu.dma_semaphore, #tpu.memory_space<semaphore_mem>>)
        } else {
        }
        %mul3A_243 = arith.constant 5 : i32
        %mul3A_244 = arith.muli %add3A_172, %mul3A_243 : i32
        %add3A_245 = arith.constant 3 : i32
        %add3A_246 = arith.addi %mul3A_244, %add3A_245 : i32
        %dma_wait3A_247 = arith.constant 0 : i32
        %dma_wait3A_248 = tpu.memref_slice %arg12[%add3A_246, %dma_wait3A_247] : memref<80x128xi32, #tpu.memory_space<vmem>> -> memref<1x128xi32, #tpu.memory_space<vmem>>
        %dma_wait3A_249 = tpu.memref_squeeze %dma_wait3A_248 : memref<1x128xi32, #tpu.memory_space<vmem>> -> memref<128xi32, #tpu.memory_space<vmem>>
        %dma_wait3A_250 = arith.constant 0 : i32
        %dma_wait3A_251 = arith.constant 0 : i32
        %dma_wait3A_252 = tpu.memref_slice %arg7[%dma_wait3A_250, %dma_wait3A_251] : memref<10000x128xbf16, #tpu.memory_space<hbm>> -> memref<10000x128xbf16, #tpu.memory_space<hbm>>
        tpu.wait_indirect_dma semaphore(%arg24 : memref<!tpu.dma_semaphore, #tpu.memory_space<semaphore_mem>>) src(%dma_wait3A_252 : memref<10000x128xbf16, #tpu.memory_space<hbm>>) dst(%arg17 : memref<128x128xbf16, #tpu.memory_space<vmem>>)
        %dma_start3A_253 = arith.constant 0 : i32
        %dma_start3A_254 = tpu.memref_slice %arg13[%add3A_246, %dma_start3A_253] : memref<80x128xi32, #tpu.memory_space<vmem>> -> memref<1x128xi32, #tpu.memory_space<vmem>>
        %dma_start3A_255 = tpu.memref_squeeze %dma_start3A_254 : memref<1x128xi32, #tpu.memory_space<vmem>> -> memref<128xi32, #tpu.memory_space<vmem>>
        %dma_start3A_256 = arith.constant 0 : i32
        %dma_start3A_257 = arith.constant 0 : i32
        %dma_start3A_258 = tpu.memref_slice %arg20[%dma_start3A_256, %dma_start3A_257] : memref<10016x128xbf16, #tpu.memory_space<vmem_shared>> -> memref<10016x128xbf16, #tpu.memory_space<vmem_shared>>
        tpu.enqueue_indirect_dma source(%arg17 : memref<128x128xbf16, #tpu.memory_space<vmem>>) target(%dma_start3A_258 : memref<10016x128xbf16, #tpu.memory_space<vmem_shared>>) offsets(%dma_start3A_255 : memref<128xi32, #tpu.memory_space<vmem>>) semaphore(%arg29 : memref<!tpu.dma_semaphore, #tpu.memory_space<semaphore_mem>>) {add = true}
        %le3A_259 = arith.constant 14 : i32
        %le3A_260 = arith.cmpi sle, %add3A_172, %le3A_259 : i32
        %convert_element_type3A_261 = arith.extui %le3A_260 : i1 to i32
        %cond3A_262 = arith.constant 0 : i32
        %cond3A_263 = arith.cmpi ne, %convert_element_type3A_261, %cond3A_262 : i32
        scf.if %cond3A_263 {
          %dma_wait3A_285 = arith.constant 0 : i32
          %dma_wait3A_286 = tpu.memref_slice %arg13[%add3A_246, %dma_wait3A_285] : memref<80x128xi32, #tpu.memory_space<vmem>> -> memref<1x128xi32, #tpu.memory_space<vmem>>
          %dma_wait3A_287 = tpu.memref_squeeze %dma_wait3A_286 : memref<1x128xi32, #tpu.memory_space<vmem>> -> memref<128xi32, #tpu.memory_space<vmem>>
          %dma_wait3A_288 = arith.constant 0 : i32
          %dma_wait3A_289 = arith.constant 0 : i32
          %dma_wait3A_290 = tpu.memref_slice %arg20[%dma_wait3A_288, %dma_wait3A_289] : memref<10016x128xbf16, #tpu.memory_space<vmem_shared>> -> memref<10016x128xbf16, #tpu.memory_space<vmem_shared>>
          tpu.wait_indirect_dma semaphore(%arg28 : memref<!tpu.dma_semaphore, #tpu.memory_space<semaphore_mem>>) src(%arg16 : memref<128x128xbf16, #tpu.memory_space<vmem>>) dst(%dma_wait3A_290 : memref<10016x128xbf16, #tpu.memory_space<vmem_shared>>)
          %add3A_291 = arith.constant 5 : i32
          %add3A_292 = arith.addi %add3A_246, %add3A_291 : i32
          %sub3A_293 = arith.constant 1 : i32
          %sub3A_294 = arith.subi %add3A_292, %sub3A_293 : i32
          %dma_start3A_295 = arith.constant 0 : i32
          %dma_start3A_296 = tpu.memref_slice %arg12[%sub3A_294, %dma_start3A_295] : memref<80x128xi32, #tpu.memory_space<vmem>> -> memref<1x128xi32, #tpu.memory_space<vmem>>
          %dma_start3A_297 = tpu.memref_squeeze %dma_start3A_296 : memref<1x128xi32, #tpu.memory_space<vmem>> -> memref<128xi32, #tpu.memory_space<vmem>>
          %dma_start3A_298 = arith.constant 0 : i32
          %dma_start3A_299 = arith.constant 0 : i32
          %dma_start3A_300 = tpu.memref_slice %arg7[%dma_start3A_298, %dma_start3A_299] : memref<10000x128xbf16, #tpu.memory_space<hbm>> -> memref<10000x128xbf16, #tpu.memory_space<hbm>>
          tpu.enqueue_indirect_dma source(%dma_start3A_300 : memref<10000x128xbf16, #tpu.memory_space<hbm>>) target(%arg16 : memref<128x128xbf16, #tpu.memory_space<vmem>>) offsets(%dma_start3A_297 : memref<128xi32, #tpu.memory_space<vmem>>) semaphore(%arg23 : memref<!tpu.dma_semaphore, #tpu.memory_space<semaphore_mem>>)
        } else {
        }
        %mul3A_264 = arith.constant 5 : i32
        %mul3A_265 = arith.muli %add3A_172, %mul3A_264 : i32
        %add3A_266 = arith.constant 4 : i32
        %add3A_267 = arith.addi %mul3A_265, %add3A_266 : i32
        %dma_wait3A_268 = arith.constant 0 : i32
        %dma_wait3A_269 = tpu.memref_slice %arg12[%add3A_267, %dma_wait3A_268] : memref<80x128xi32, #tpu.memory_space<vmem>> -> memref<1x128xi32, #tpu.memory_space<vmem>>
        %dma_wait3A_270 = tpu.memref_squeeze %dma_wait3A_269 : memref<1x128xi32, #tpu.memory_space<vmem>> -> memref<128xi32, #tpu.memory_space<vmem>>
        %dma_wait3A_271 = arith.constant 0 : i32
        %dma_wait3A_272 = arith.constant 0 : i32
        %dma_wait3A_273 = tpu.memref_slice %arg7[%dma_wait3A_271, %dma_wait3A_272] : memref<10000x128xbf16, #tpu.memory_space<hbm>> -> memref<10000x128xbf16, #tpu.memory_space<hbm>>
        tpu.wait_indirect_dma semaphore(%arg25 : memref<!tpu.dma_semaphore, #tpu.memory_space<semaphore_mem>>) src(%dma_wait3A_273 : memref<10000x128xbf16, #tpu.memory_space<hbm>>) dst(%arg18 : memref<128x128xbf16, #tpu.memory_space<vmem>>)
        %dma_start3A_274 = arith.constant 0 : i32
        %dma_start3A_275 = tpu.memref_slice %arg13[%add3A_267, %dma_start3A_274] : memref<80x128xi32, #tpu.memory_space<vmem>> -> memref<1x128xi32, #tpu.memory_space<vmem>>
        %dma_start3A_276 = tpu.memref_squeeze %dma_start3A_275 : memref<1x128xi32, #tpu.memory_space<vmem>> -> memref<128xi32, #tpu.memory_space<vmem>>
        %dma_start3A_277 = arith.constant 0 : i32
        %dma_start3A_278 = arith.constant 0 : i32
        %dma_start3A_279 = tpu.memref_slice %arg20[%dma_start3A_277, %dma_start3A_278] : memref<10016x128xbf16, #tpu.memory_space<vmem_shared>> -> memref<10016x128xbf16, #tpu.memory_space<vmem_shared>>
        tpu.enqueue_indirect_dma source(%arg18 : memref<128x128xbf16, #tpu.memory_space<vmem>>) target(%dma_start3A_279 : memref<10016x128xbf16, #tpu.memory_space<vmem_shared>>) offsets(%dma_start3A_276 : memref<128xi32, #tpu.memory_space<vmem>>) semaphore(%arg30 : memref<!tpu.dma_semaphore, #tpu.memory_space<semaphore_mem>>) {add = true}
        %le3A_280 = arith.constant 14 : i32
        %le3A_281 = arith.cmpi sle, %add3A_172, %le3A_280 : i32
        %convert_element_type3A_282 = arith.extui %le3A_281 : i1 to i32
        %cond3A_283 = arith.constant 0 : i32
        %cond3A_284 = arith.cmpi ne, %convert_element_type3A_282, %cond3A_283 : i32
        scf.if %cond3A_284 {
          %dma_wait3A_285 = arith.constant 0 : i32
          %dma_wait3A_286 = tpu.memref_slice %arg13[%add3A_267, %dma_wait3A_285] : memref<80x128xi32, #tpu.memory_space<vmem>> -> memref<1x128xi32, #tpu.memory_space<vmem>>
          %dma_wait3A_287 = tpu.memref_squeeze %dma_wait3A_286 : memref<1x128xi32, #tpu.memory_space<vmem>> -> memref<128xi32, #tpu.memory_space<vmem>>
          %dma_wait3A_288 = arith.constant 0 : i32
          %dma_wait3A_289 = arith.constant 0 : i32
          %dma_wait3A_290 = tpu.memref_slice %arg20[%dma_wait3A_288, %dma_wait3A_289] : memref<10016x128xbf16, #tpu.memory_space<vmem_shared>> -> memref<10016x128xbf16, #tpu.memory_space<vmem_shared>>
          tpu.wait_indirect_dma semaphore(%arg29 : memref<!tpu.dma_semaphore, #tpu.memory_space<semaphore_mem>>) src(%arg17 : memref<128x128xbf16, #tpu.memory_space<vmem>>) dst(%dma_wait3A_290 : memref<10016x128xbf16, #tpu.memory_space<vmem_shared>>)
          %add3A_291 = arith.constant 5 : i32
          %add3A_292 = arith.addi %add3A_267, %add3A_291 : i32
          %sub3A_293 = arith.constant 1 : i32
          %sub3A_294 = arith.subi %add3A_292, %sub3A_293 : i32
          %dma_start3A_295 = arith.constant 0 : i32
          %dma_start3A_296 = tpu.memref_slice %arg12[%sub3A_294, %dma_start3A_295] : memref<80x128xi32, #tpu.memory_space<vmem>> -> memref<1x128xi32, #tpu.memory_space<vmem>>
          %dma_start3A_297 = tpu.memref_squeeze %dma_start3A_296 : memref<1x128xi32, #tpu.memory_space<vmem>> -> memref<128xi32, #tpu.memory_space<vmem>>
          %dma_start3A_298 = arith.constant 0 : i32
          %dma_start3A_299 = arith.constant 0 : i32
          %dma_start3A_300 = tpu.memref_slice %arg7[%dma_start3A_298, %dma_start3A_299] : memref<10000x128xbf16, #tpu.memory_space<hbm>> -> memref<10000x128xbf16, #tpu.memory_space<hbm>>
          tpu.enqueue_indirect_dma source(%dma_start3A_300 : memref<10000x128xbf16, #tpu.memory_space<hbm>>) target(%arg17 : memref<128x128xbf16, #tpu.memory_space<vmem>>) offsets(%dma_start3A_297 : memref<128xi32, #tpu.memory_space<vmem>>) semaphore(%arg24 : memref<!tpu.dma_semaphore, #tpu.memory_space<semaphore_mem>>)
        } else {
        }
      }
      %scan3A_127 = arith.constant 16 : i32
      %dma_wait3A_128 = arith.constant 0 : i32
      %dma_wait3A_129 = arith.constant 0 : i32
      %dma_wait3A_130 = tpu.memref_slice %arg13[%dma_wait3A_128, %dma_wait3A_129] : memref<80x128xi32, #tpu.memory_space<vmem>> -> memref<1x128xi32, #tpu.memory_space<vmem>>
      %dma_wait3A_131 = tpu.memref_squeeze %dma_wait3A_130 : memref<1x128xi32, #tpu.memory_space<vmem>> -> memref<128xi32, #tpu.memory_space<vmem>>
      %dma_wait3A_132 = arith.constant 0 : i32
      %dma_wait3A_133 = arith.constant 0 : i32
      %dma_wait3A_134 = tpu.memref_slice %arg20[%dma_wait3A_132, %dma_wait3A_133] : memref<10016x128xbf16, #tpu.memory_space<vmem_shared>> -> memref<10016x128xbf16, #tpu.memory_space<vmem_shared>>
      tpu.wait_indirect_dma semaphore(%arg26 : memref<!tpu.dma_semaphore, #tpu.memory_space<semaphore_mem>>) src(%arg14 : memref<128x128xbf16, #tpu.memory_space<vmem>>) dst(%dma_wait3A_134 : memref<10016x128xbf16, #tpu.memory_space<vmem_shared>>)
      %dma_wait3A_135 = arith.constant 0 : i32
      %dma_wait3A_136 = arith.constant 0 : i32
      %dma_wait3A_137 = tpu.memref_slice %arg13[%dma_wait3A_135, %dma_wait3A_136] : memref<80x128xi32, #tpu.memory_space<vmem>> -> memref<1x128xi32, #tpu.memory_space<vmem>>
      %dma_wait3A_138 = tpu.memref_squeeze %dma_wait3A_137 : memref<1x128xi32, #tpu.memory_space<vmem>> -> memref<128xi32, #tpu.memory_space<vmem>>
      %dma_wait3A_139 = arith.constant 0 : i32
      %dma_wait3A_140 = arith.constant 0 : i32
      %dma_wait3A_141 = tpu.memref_slice %arg20[%dma_wait3A_139, %dma_wait3A_140] : memref<10016x128xbf16, #tpu.memory_space<vmem_shared>> -> memref<10016x128xbf16, #tpu.memory_space<vmem_shared>>
      tpu.wait_indirect_dma semaphore(%arg27 : memref<!tpu.dma_semaphore, #tpu.memory_space<semaphore_mem>>) src(%arg15 : memref<128x128xbf16, #tpu.memory_space<vmem>>) dst(%dma_wait3A_141 : memref<10016x128xbf16, #tpu.memory_space<vmem_shared>>)
      %dma_wait3A_142 = arith.constant 0 : i32
      %dma_wait3A_143 = arith.constant 0 : i32
      %dma_wait3A_144 = tpu.memref_slice %arg13[%dma_wait3A_142, %dma_wait3A_143] : memref<80x128xi32, #tpu.memory_space<vmem>> -> memref<1x128xi32, #tpu.memory_space<vmem>>
      %dma_wait3A_145 = tpu.memref_squeeze %dma_wait3A_144 : memref<1x128xi32, #tpu.memory_space<vmem>> -> memref<128xi32, #tpu.memory_space<vmem>>
      %dma_wait3A_146 = arith.constant 0 : i32
      %dma_wait3A_147 = arith.constant 0 : i32
      %dma_wait3A_148 = tpu.memref_slice %arg20[%dma_wait3A_146, %dma_wait3A_147] : memref<10016x128xbf16, #tpu.memory_space<vmem_shared>> -> memref<10016x128xbf16, #tpu.memory_space<vmem_shared>>
      tpu.wait_indirect_dma semaphore(%arg28 : memref<!tpu.dma_semaphore, #tpu.memory_space<semaphore_mem>>) src(%arg16 : memref<128x128xbf16, #tpu.memory_space<vmem>>) dst(%dma_wait3A_148 : memref<10016x128xbf16, #tpu.memory_space<vmem_shared>>)
      %dma_wait3A_149 = arith.constant 0 : i32
      %dma_wait3A_150 = arith.constant 0 : i32
      %dma_wait3A_151 = tpu.memref_slice %arg13[%dma_wait3A_149, %dma_wait3A_150] : memref<80x128xi32, #tpu.memory_space<vmem>> -> memref<1x128xi32, #tpu.memory_space<vmem>>
      %dma_wait3A_152 = tpu.memref_squeeze %dma_wait3A_151 : memref<1x128xi32, #tpu.memory_space<vmem>> -> memref<128xi32, #tpu.memory_space<vmem>>
      %dma_wait3A_153 = arith.constant 0 : i32
      %dma_wait3A_154 = arith.constant 0 : i32
      %dma_wait3A_155 = tpu.memref_slice %arg20[%dma_wait3A_153, %dma_wait3A_154] : memref<10016x128xbf16, #tpu.memory_space<vmem_shared>> -> memref<10016x128xbf16, #tpu.memory_space<vmem_shared>>
      tpu.wait_indirect_dma semaphore(%arg29 : memref<!tpu.dma_semaphore, #tpu.memory_space<semaphore_mem>>) src(%arg17 : memref<128x128xbf16, #tpu.memory_space<vmem>>) dst(%dma_wait3A_155 : memref<10016x128xbf16, #tpu.memory_space<vmem_shared>>)
      %dma_wait3A_156 = arith.constant 0 : i32
      %dma_wait3A_157 = arith.constant 0 : i32
      %dma_wait3A_158 = tpu.memref_slice %arg13[%dma_wait3A_156, %dma_wait3A_157] : memref<80x128xi32, #tpu.memory_space<vmem>> -> memref<1x128xi32, #tpu.memory_space<vmem>>
      %dma_wait3A_159 = tpu.memref_squeeze %dma_wait3A_158 : memref<1x128xi32, #tpu.memory_space<vmem>> -> memref<128xi32, #tpu.memory_space<vmem>>
      %dma_wait3A_160 = arith.constant 0 : i32
      %dma_wait3A_161 = arith.constant 0 : i32
      %dma_wait3A_162 = tpu.memref_slice %arg20[%dma_wait3A_160, %dma_wait3A_161] : memref<10016x128xbf16, #tpu.memory_space<vmem_shared>> -> memref<10016x128xbf16, #tpu.memory_space<vmem_shared>>
      tpu.wait_indirect_dma semaphore(%arg30 : memref<!tpu.dma_semaphore, #tpu.memory_space<semaphore_mem>>) src(%arg18 : memref<128x128xbf16, #tpu.memory_space<vmem>>) dst(%dma_wait3A_162 : memref<10016x128xbf16, #tpu.memory_space<vmem_shared>>)
      %barrier3A_163 = arith.constant 0 : index
      tpu.barrier barrier_id(%barrier3A_163)
      %lt3A_164 = arith.constant 10 : i32
      %lt3A_165 = arith.cmpi slt, %arg1, %lt3A_164 : i32
      %convert_element_type3A_166 = arith.extui %lt3A_165 : i1 to i32
      %cond3A_167 = arith.constant 0 : i32
      %cond3A_168 = arith.cmpi ne, %convert_element_type3A_166, %cond3A_167 : i32
      scf.if %cond3A_168 {
        %mul3A = arith.constant 1000 : i32
        %mul3A_170 = arith.muli %arg1, %mul3A : i32
        %mul3A_171 = arith.constant 1000 : i32
        %mul3A_172 = arith.muli %arg1, %mul3A_171 : i32
        "tpu.region"() ({
          %run_scoped3A = tpu.sem_alloc : memref<!tpu.dma_semaphore, #tpu.memory_space<semaphore_mem>>
          %dma_start3A_173 = arith.constant 0 : i32
          %dma_start3A_174 = tpu.memref_slice %arg11[%mul3A_172, %dma_start3A_173] : memref<10000x128xbf16, #tpu.memory_space<hbm>> -> memref<1000x128xbf16, #tpu.memory_space<hbm>>
          %dma_start3A_175 = arith.constant 0 : i32
          %dma_start3A_176 = tpu.memref_slice %arg20[%mul3A_170, %dma_start3A_175] : memref<10016x128xbf16, #tpu.memory_space<vmem_shared>> -> memref<1000x128xbf16, #tpu.memory_space<vmem_shared>>
          tpu.enqueue_dma source(%dma_start3A_176 : memref<1000x128xbf16, #tpu.memory_space<vmem_shared>>) target(%dma_start3A_174 : memref<1000x128xbf16, #tpu.memory_space<hbm>>) target_semaphore(%run_scoped3A : memref<!tpu.dma_semaphore, #tpu.memory_space<semaphore_mem>>)
          %dma_wait3A_177 = arith.constant 0 : i32
          %dma_wait3A_178 = tpu.memref_slice %arg11[%mul3A_172, %dma_wait3A_177] : memref<10000x128xbf16, #tpu.memory_space<hbm>> -> memref<1000x128xbf16, #tpu.memory_space<hbm>>
          %dma_wait3A_179 = arith.constant 0 : i32
          %dma_wait3A_180 = tpu.memref_slice %arg20[%mul3A_170, %dma_wait3A_179] : memref<10016x128xbf16, #tpu.memory_space<vmem_shared>> -> memref<1000x128xbf16, #tpu.memory_space<vmem_shared>>
          tpu.wait_dma2 semaphore(%run_scoped3A : memref<!tpu.dma_semaphore, #tpu.memory_space<semaphore_mem>>) src(%dma_wait3A_180 : memref<1000x128xbf16, #tpu.memory_space<vmem_shared>>) dst(%dma_wait3A_178 : memref<1000x128xbf16, #tpu.memory_space<hbm>>)
          tpu.yield
        }) : () -> ()
      } else {
      }
      %barrier3A_169 = arith.constant 0 : index
      tpu.barrier barrier_id(%barrier3A_169)
    } else {
    }
    return
  }
}

module attributes {stable_mosaic.version = 14 : i64} {
  func.func @_pre_body(%arg0: i32, %arg1: memref<2000x256xf32, #tpu.memory_space<vmem>>, %arg2: memref<256x512xf32, #tpu.memory_space<vmem>>, %arg3: memref<1x512xf32, #tpu.memory_space<vmem>>, %arg4: memref<2000x128xbf16, #tpu.memory_space<vmem>>, %arg5: memref<2000x128xbf16, #tpu.memory_space<vmem>>, %arg6: memref<2000x128xbf16, #tpu.memory_space<vmem>>, %arg7: memref<2000x128xbf16, #tpu.memory_space<vmem>>) attributes {dimension_semantics = [#tpu.dimension_semantics<arbitrary>], iteration_bounds = array<i64: 5>, scalar_prefetch = 0 : i64, scratch_operands = 0 : i64, tpu.core_type = #tpu.core_type<tc>, window_params = [{transform_indices = @transform_0, window_bounds = array<i64: 2000, 256>}, {pipeline_mode = #tpu.pipeline_mode<synchronous>, transform_indices = @transform_1, window_bounds = array<i64: 256, 512>}, {pipeline_mode = #tpu.pipeline_mode<synchronous>, transform_indices = @transform_2, window_bounds = array<i64: 1, 512>}, {transform_indices = @transform_3, window_bounds = array<i64: 2000, 128>}, {transform_indices = @transform_4, window_bounds = array<i64: 2000, 128>}, {transform_indices = @transform_5, window_bounds = array<i64: 2000, 128>}, {transform_indices = @transform_6, window_bounds = array<i64: 2000, 128>}]} {
    %get3A = arith.constant 0 : index
    %get3A_0 = arith.constant 0 : index
    %get3A_1 = vector.load %arg1[%get3A, %get3A_0] : memref<2000x256xf32, #tpu.memory_space<vmem>>, vector<2000x256xf32>
    %get3A_2 = arith.constant 0 : index
    %get3A_3 = arith.constant 0 : index
    %get3A_4 = vector.load %arg2[%get3A_2, %get3A_3] : memref<256x512xf32, #tpu.memory_space<vmem>>, vector<256x512xf32>
    %dot_general3A = arith.constant dense<0.000000e+00> : vector<2000x512xf32>
    %dot_general3A_5 = tpu.matmul %get3A_1, %get3A_4, %dot_general3A {dimension_numbers = #tpu.dot_dimension_numbers<[1], [0], [0], [1], [0, 0, 1, 1], [], []>, transpose_lhs_hint = false} : vector<2000x256xf32>, vector<256x512xf32>, vector<2000x512xf32> -> vector<2000x512xf32>
    %get3A_6 = arith.constant 0 : index
    %get3A_7 = arith.constant 0 : index
    %get3A_8 = vector.load %arg3[%get3A_6, %get3A_7] : memref<1x512xf32, #tpu.memory_space<vmem>>, vector<1x512xf32>
    %add3A = vector.broadcast %get3A_8 : vector<1x512xf32> to vector<2000x512xf32>
    %add3A_9 = arith.addf %dot_general3A_5, %add3A : vector<2000x512xf32>
    %slice3A = vector.extract_strided_slice %add3A_9 {offsets = [0, 0], sizes = [2000, 128], strides = [1, 1]} : vector<2000x512xf32> to vector<2000x128xf32>
    %convert_element_type3A = arith.truncf %slice3A : vector<2000x128xf32> to vector<2000x128xbf16>
    %swap3A = arith.constant 0 : index
    %swap3A_10 = arith.constant 0 : index
    %swap3A_11 = vector.load %arg4[%swap3A, %swap3A_10] : memref<2000x128xbf16, #tpu.memory_space<vmem>>, vector<2000x128xbf16>
    tpu.vector_store %arg4[%swap3A, %swap3A_10], %convert_element_type3A {strides = array<i32>} : memref<2000x128xbf16, #tpu.memory_space<vmem>>, vector<2000x128xbf16>,
    %slice3A_12 = vector.extract_strided_slice %add3A_9 {offsets = [0, 128], sizes = [2000, 128], strides = [1, 1]} : vector<2000x512xf32> to vector<2000x128xf32>
    %convert_element_type3A_13 = arith.truncf %slice3A_12 : vector<2000x128xf32> to vector<2000x128xbf16>
    %swap3A_14 = arith.constant 0 : index
    %swap3A_15 = arith.constant 0 : index
    %swap3A_16 = vector.load %arg5[%swap3A_14, %swap3A_15] : memref<2000x128xbf16, #tpu.memory_space<vmem>>, vector<2000x128xbf16>
    tpu.vector_store %arg5[%swap3A_14, %swap3A_15], %convert_element_type3A_13 {strides = array<i32>} : memref<2000x128xbf16, #tpu.memory_space<vmem>>, vector<2000x128xbf16>,
    %slice3A_17 = vector.extract_strided_slice %add3A_9 {offsets = [0, 256], sizes = [2000, 128], strides = [1, 1]} : vector<2000x512xf32> to vector<2000x128xf32>
    %convert_element_type3A_18 = arith.truncf %slice3A_17 : vector<2000x128xf32> to vector<2000x128xbf16>
    %swap3A_19 = arith.constant 0 : index
    %swap3A_20 = arith.constant 0 : index
    %swap3A_21 = vector.load %arg6[%swap3A_19, %swap3A_20] : memref<2000x128xbf16, #tpu.memory_space<vmem>>, vector<2000x128xbf16>
    tpu.vector_store %arg6[%swap3A_19, %swap3A_20], %convert_element_type3A_18 {strides = array<i32>} : memref<2000x128xbf16, #tpu.memory_space<vmem>>, vector<2000x128xbf16>,
    %slice3A_22 = vector.extract_strided_slice %add3A_9 {offsets = [0, 384], sizes = [2000, 128], strides = [1, 1]} : vector<2000x512xf32> to vector<2000x128xf32>
    %convert_element_type3A_23 = arith.truncf %slice3A_22 : vector<2000x128xf32> to vector<2000x128xbf16>
    %swap3A_24 = arith.constant 0 : index
    %swap3A_25 = arith.constant 0 : index
    %swap3A_26 = vector.load %arg7[%swap3A_24, %swap3A_25] : memref<2000x128xbf16, #tpu.memory_space<vmem>>, vector<2000x128xbf16>
    tpu.vector_store %arg7[%swap3A_24, %swap3A_25], %convert_element_type3A_23 {strides = array<i32>} : memref<2000x128xbf16, #tpu.memory_space<vmem>>, vector<2000x128xbf16>,
    return
  }
  func.func @transform_0(%arg0: i32) -> (i32, i32) {
    %c0_i32 = arith.constant 0 : i32
    %c0_i32_0 = arith.constant 0 : i32
    return %arg0, %c0_i32 : i32, i32
  }
  func.func @transform_1(%arg0: i32) -> (i32, i32) {
    %c0_i32 = arith.constant 0 : i32
    %c0_i32_0 = arith.constant 0 : i32
    %c0_i32_1 = arith.constant 0 : i32
    return %c0_i32, %c0_i32_0 : i32, i32
  }
  func.func @transform_2(%arg0: i32) -> (i32, i32) {
    %c0_i32 = arith.constant 0 : i32
    %c0_i32_0 = arith.constant 0 : i32
    %c0_i32_1 = arith.constant 0 : i32
    return %c0_i32, %c0_i32_0 : i32, i32
  }
  func.func @transform_3(%arg0: i32) -> (i32, i32) {
    %c0_i32 = arith.constant 0 : i32
    %c0_i32_0 = arith.constant 0 : i32
    return %arg0, %c0_i32 : i32, i32
  }
  func.func @transform_4(%arg0: i32) -> (i32, i32) {
    %c0_i32 = arith.constant 0 : i32
    %c0_i32_0 = arith.constant 0 : i32
    return %arg0, %c0_i32 : i32, i32
  }
  func.func @transform_5(%arg0: i32) -> (i32, i32) {
    %c0_i32 = arith.constant 0 : i32
    %c0_i32_0 = arith.constant 0 : i32
    return %arg0, %c0_i32 : i32, i32
  }
  func.func @transform_6(%arg0: i32) -> (i32, i32) {
    %c0_i32 = arith.constant 0 : i32
    %c0_i32_0 = arith.constant 0 : i32
    return %arg0, %c0_i32 : i32, i32
  }
}

module attributes {stable_mosaic.version = 14 : i64} {
  func.func @_mlp_body(%arg0: i32, %arg1: memref<2000x128xbf16, #tpu.memory_space<vmem>>, %arg2: memref<2000x128xbf16, #tpu.memory_space<vmem>>, %arg3: memref<2000x128xbf16, #tpu.memory_space<vmem>>, %arg4: memref<2000x128xbf16, #tpu.memory_space<vmem>>, %arg5: memref<2000x128xbf16, #tpu.memory_space<vmem>>, %arg6: memref<2000x128xbf16, #tpu.memory_space<vmem>>, %arg7: memref<2000x128xbf16, #tpu.memory_space<vmem>>, %arg8: memref<2000x128xbf16, #tpu.memory_space<vmem>>, %arg9: memref<512x512xf32, #tpu.memory_space<vmem>>, %arg10: memref<1x512xf32, #tpu.memory_space<vmem>>, %arg11: memref<512x512xf32, #tpu.memory_space<vmem>>, %arg12: memref<1x512xf32, #tpu.memory_space<vmem>>, %arg13: memref<2000x128xbf16, #tpu.memory_space<vmem>>, %arg14: memref<2000x128xbf16, #tpu.memory_space<vmem>>, %arg15: memref<2000x128xbf16, #tpu.memory_space<vmem>>, %arg16: memref<2000x128xbf16, #tpu.memory_space<vmem>>) attributes {dimension_semantics = [#tpu.dimension_semantics<arbitrary>], iteration_bounds = array<i64: 5>, scalar_prefetch = 0 : i64, scratch_operands = 0 : i64, tpu.core_type = #tpu.core_type<tc>, window_params = [{transform_indices = @transform_0, window_bounds = array<i64: 2000, 128>}, {transform_indices = @transform_1, window_bounds = array<i64: 2000, 128>}, {transform_indices = @transform_2, window_bounds = array<i64: 2000, 128>}, {transform_indices = @transform_3, window_bounds = array<i64: 2000, 128>}, {transform_indices = @transform_4, window_bounds = array<i64: 2000, 128>}, {transform_indices = @transform_5, window_bounds = array<i64: 2000, 128>}, {transform_indices = @transform_6, window_bounds = array<i64: 2000, 128>}, {transform_indices = @transform_7, window_bounds = array<i64: 2000, 128>}, {pipeline_mode = #tpu.pipeline_mode<synchronous>, transform_indices = @transform_8, window_bounds = array<i64: 512, 512>}, {pipeline_mode = #tpu.pipeline_mode<synchronous>, transform_indices = @transform_9, window_bounds = array<i64: 1, 512>}, {pipeline_mode = #tpu.pipeline_mode<synchronous>, transform_indices = @transform_10, window_bounds = array<i64: 512, 512>}, {pipeline_mode = #tpu.pipeline_mode<synchronous>, transform_indices = @transform_11, window_bounds = array<i64: 1, 512>}, {transform_indices = @transform_12, window_bounds = array<i64: 2000, 128>}, {transform_indices = @transform_13, window_bounds = array<i64: 2000, 128>}, {transform_indices = @transform_14, window_bounds = array<i64: 2000, 128>}, {transform_indices = @transform_15, window_bounds = array<i64: 2000, 128>}]} {
    %get3A = arith.constant 0 : index
    %get3A_0 = arith.constant 0 : index
    %get3A_1 = vector.load %arg1[%get3A, %get3A_0] : memref<2000x128xbf16, #tpu.memory_space<vmem>>, vector<2000x128xbf16>
    %convert_element_type3A = arith.extf %get3A_1 : vector<2000x128xbf16> to vector<2000x128xf32>
    %get3A_2 = arith.constant 0 : index
    %get3A_3 = arith.constant 0 : index
    %get3A_4 = vector.load %arg5[%get3A_2, %get3A_3] : memref<2000x128xbf16, #tpu.memory_space<vmem>>, vector<2000x128xbf16>
    %convert_element_type3A_5 = arith.extf %get3A_4 : vector<2000x128xbf16> to vector<2000x128xf32>
    %add3A = arith.addf %convert_element_type3A, %convert_element_type3A_5 : vector<2000x128xf32>
    %get3A_6 = arith.constant 0 : index
    %get3A_7 = arith.constant 0 : index
    %get3A_8 = vector.load %arg2[%get3A_6, %get3A_7] : memref<2000x128xbf16, #tpu.memory_space<vmem>>, vector<2000x128xbf16>
    %convert_element_type3A_9 = arith.extf %get3A_8 : vector<2000x128xbf16> to vector<2000x128xf32>
    %get3A_10 = arith.constant 0 : index
    %get3A_11 = arith.constant 0 : index
    %get3A_12 = vector.load %arg6[%get3A_10, %get3A_11] : memref<2000x128xbf16, #tpu.memory_space<vmem>>, vector<2000x128xbf16>
    %convert_element_type3A_13 = arith.extf %get3A_12 : vector<2000x128xbf16> to vector<2000x128xf32>
    %add3A_14 = arith.addf %convert_element_type3A_9, %convert_element_type3A_13 : vector<2000x128xf32>
    %get3A_15 = arith.constant 0 : index
    %get3A_16 = arith.constant 0 : index
    %get3A_17 = vector.load %arg3[%get3A_15, %get3A_16] : memref<2000x128xbf16, #tpu.memory_space<vmem>>, vector<2000x128xbf16>
    %convert_element_type3A_18 = arith.extf %get3A_17 : vector<2000x128xbf16> to vector<2000x128xf32>
    %get3A_19 = arith.constant 0 : index
    %get3A_20 = arith.constant 0 : index
    %get3A_21 = vector.load %arg7[%get3A_19, %get3A_20] : memref<2000x128xbf16, #tpu.memory_space<vmem>>, vector<2000x128xbf16>
    %convert_element_type3A_22 = arith.extf %get3A_21 : vector<2000x128xbf16> to vector<2000x128xf32>
    %add3A_23 = arith.addf %convert_element_type3A_18, %convert_element_type3A_22 : vector<2000x128xf32>
    %get3A_24 = arith.constant 0 : index
    %get3A_25 = arith.constant 0 : index
    %get3A_26 = vector.load %arg4[%get3A_24, %get3A_25] : memref<2000x128xbf16, #tpu.memory_space<vmem>>, vector<2000x128xbf16>
    %convert_element_type3A_27 = arith.extf %get3A_26 : vector<2000x128xbf16> to vector<2000x128xf32>
    %get3A_28 = arith.constant 0 : index
    %get3A_29 = arith.constant 0 : index
    %get3A_30 = vector.load %arg8[%get3A_28, %get3A_29] : memref<2000x128xbf16, #tpu.memory_space<vmem>>, vector<2000x128xbf16>
    %convert_element_type3A_31 = arith.extf %get3A_30 : vector<2000x128xbf16> to vector<2000x128xf32>
    %add3A_32 = arith.addf %convert_element_type3A_27, %convert_element_type3A_31 : vector<2000x128xf32>
    %concatenate3A = tpu.concatenate %add3A, %add3A_14, %add3A_23, %add3A_32 in 1 : vector<2000x128xf32>, vector<2000x128xf32>, vector<2000x128xf32>, vector<2000x128xf32> -> vector<2000x512xf32>
    %get3A_33 = arith.constant 0 : index
    %get3A_34 = arith.constant 0 : index
    %get3A_35 = vector.load %arg9[%get3A_33, %get3A_34] : memref<512x512xf32, #tpu.memory_space<vmem>>, vector<512x512xf32>
    %dot_general3A = arith.constant dense<0.000000e+00> : vector<2000x512xf32>
    %dot_general3A_36 = tpu.matmul %concatenate3A, %get3A_35, %dot_general3A {dimension_numbers = #tpu.dot_dimension_numbers<[1], [0], [0], [1], [0, 0, 1, 1], [], []>, transpose_lhs_hint = false} : vector<2000x512xf32>, vector<512x512xf32>, vector<2000x512xf32> -> vector<2000x512xf32>
    %get3A_37 = arith.constant 0 : index
    %get3A_38 = arith.constant 0 : index
    %get3A_39 = vector.load %arg10[%get3A_37, %get3A_38] : memref<1x512xf32, #tpu.memory_space<vmem>>, vector<1x512xf32>
    %add3A_40 = vector.broadcast %get3A_39 : vector<1x512xf32> to vector<2000x512xf32>
    %add3A_41 = arith.addf %dot_general3A_36, %add3A_40 : vector<2000x512xf32>
    %max3A = arith.constant 0.000000e+00 : f32
    %max3A_42 = vector.broadcast %max3A : f32 to vector<2000x512xf32>
    %max3A_43 = arith.maximumf %add3A_41, %max3A_42 : vector<2000x512xf32>
    %get3A_44 = arith.constant 0 : index
    %get3A_45 = arith.constant 0 : index
    %get3A_46 = vector.load %arg11[%get3A_44, %get3A_45] : memref<512x512xf32, #tpu.memory_space<vmem>>, vector<512x512xf32>
    %dot_general3A_47 = arith.constant dense<0.000000e+00> : vector<2000x512xf32>
    %dot_general3A_48 = tpu.matmul %max3A_43, %get3A_46, %dot_general3A_47 {dimension_numbers = #tpu.dot_dimension_numbers<[1], [0], [0], [1], [0, 0, 1, 1], [], []>, transpose_lhs_hint = false} : vector<2000x512xf32>, vector<512x512xf32>, vector<2000x512xf32> -> vector<2000x512xf32>
    %get3A_49 = arith.constant 0 : index
    %get3A_50 = arith.constant 0 : index
    %get3A_51 = vector.load %arg12[%get3A_49, %get3A_50] : memref<1x512xf32, #tpu.memory_space<vmem>>, vector<1x512xf32>
    %add3A_52 = vector.broadcast %get3A_51 : vector<1x512xf32> to vector<2000x512xf32>
    %add3A_53 = arith.addf %dot_general3A_48, %add3A_52 : vector<2000x512xf32>
    %max3A_54 = arith.constant 0.000000e+00 : f32
    %max3A_55 = vector.broadcast %max3A_54 : f32 to vector<2000x512xf32>
    %max3A_56 = arith.maximumf %add3A_53, %max3A_55 : vector<2000x512xf32>
    %slice3A = vector.extract_strided_slice %max3A_56 {offsets = [0, 0], sizes = [2000, 128], strides = [1, 1]} : vector<2000x512xf32> to vector<2000x128xf32>
    %convert_element_type3A_57 = arith.truncf %slice3A : vector<2000x128xf32> to vector<2000x128xbf16>
    %swap3A = arith.constant 0 : index
    %swap3A_58 = arith.constant 0 : index
    %swap3A_59 = vector.load %arg13[%swap3A, %swap3A_58] : memref<2000x128xbf16, #tpu.memory_space<vmem>>, vector<2000x128xbf16>
    tpu.vector_store %arg13[%swap3A, %swap3A_58], %convert_element_type3A_57 {strides = array<i32>} : memref<2000x128xbf16, #tpu.memory_space<vmem>>, vector<2000x128xbf16>,
    %slice3A_60 = vector.extract_strided_slice %max3A_56 {offsets = [0, 128], sizes = [2000, 128], strides = [1, 1]} : vector<2000x512xf32> to vector<2000x128xf32>
    %convert_element_type3A_61 = arith.truncf %slice3A_60 : vector<2000x128xf32> to vector<2000x128xbf16>
    %swap3A_62 = arith.constant 0 : index
    %swap3A_63 = arith.constant 0 : index
    %swap3A_64 = vector.load %arg14[%swap3A_62, %swap3A_63] : memref<2000x128xbf16, #tpu.memory_space<vmem>>, vector<2000x128xbf16>
    tpu.vector_store %arg14[%swap3A_62, %swap3A_63], %convert_element_type3A_61 {strides = array<i32>} : memref<2000x128xbf16, #tpu.memory_space<vmem>>, vector<2000x128xbf16>,
    %slice3A_65 = vector.extract_strided_slice %max3A_56 {offsets = [0, 256], sizes = [2000, 128], strides = [1, 1]} : vector<2000x512xf32> to vector<2000x128xf32>
    %convert_element_type3A_66 = arith.truncf %slice3A_65 : vector<2000x128xf32> to vector<2000x128xbf16>
    %swap3A_67 = arith.constant 0 : index
    %swap3A_68 = arith.constant 0 : index
    %swap3A_69 = vector.load %arg15[%swap3A_67, %swap3A_68] : memref<2000x128xbf16, #tpu.memory_space<vmem>>, vector<2000x128xbf16>
    tpu.vector_store %arg15[%swap3A_67, %swap3A_68], %convert_element_type3A_66 {strides = array<i32>} : memref<2000x128xbf16, #tpu.memory_space<vmem>>, vector<2000x128xbf16>,
    %slice3A_70 = vector.extract_strided_slice %max3A_56 {offsets = [0, 384], sizes = [2000, 128], strides = [1, 1]} : vector<2000x512xf32> to vector<2000x128xf32>
    %convert_element_type3A_71 = arith.truncf %slice3A_70 : vector<2000x128xf32> to vector<2000x128xbf16>
    %swap3A_72 = arith.constant 0 : index
    %swap3A_73 = arith.constant 0 : index
    %swap3A_74 = vector.load %arg16[%swap3A_72, %swap3A_73] : memref<2000x128xbf16, #tpu.memory_space<vmem>>, vector<2000x128xbf16>
    tpu.vector_store %arg16[%swap3A_72, %swap3A_73], %convert_element_type3A_71 {strides = array<i32>} : memref<2000x128xbf16, #tpu.memory_space<vmem>>, vector<2000x128xbf16>,
    return
  }
  func.func @transform_0(%arg0: i32) -> (i32, i32) {
    %c0_i32 = arith.constant 0 : i32
    %c0_i32_0 = arith.constant 0 : i32
    return %arg0, %c0_i32 : i32, i32
  }
  func.func @transform_1(%arg0: i32) -> (i32, i32) {
    %c0_i32 = arith.constant 0 : i32
    %c0_i32_0 = arith.constant 0 : i32
    return %arg0, %c0_i32 : i32, i32
  }
  func.func @transform_2(%arg0: i32) -> (i32, i32) {
    %c0_i32 = arith.constant 0 : i32
    %c0_i32_0 = arith.constant 0 : i32
    return %arg0, %c0_i32 : i32, i32
  }
  func.func @transform_3(%arg0: i32) -> (i32, i32) {
    %c0_i32 = arith.constant 0 : i32
    %c0_i32_0 = arith.constant 0 : i32
    return %arg0, %c0_i32 : i32, i32
  }
  func.func @transform_4(%arg0: i32) -> (i32, i32) {
    %c0_i32 = arith.constant 0 : i32
    %c0_i32_0 = arith.constant 0 : i32
    return %arg0, %c0_i32 : i32, i32
  }
  func.func @transform_5(%arg0: i32) -> (i32, i32) {
    %c0_i32 = arith.constant 0 : i32
    %c0_i32_0 = arith.constant 0 : i32
    return %arg0, %c0_i32 : i32, i32
  }
  func.func @transform_6(%arg0: i32) -> (i32, i32) {
    %c0_i32 = arith.constant 0 : i32
    %c0_i32_0 = arith.constant 0 : i32
    return %arg0, %c0_i32 : i32, i32
  }
  func.func @transform_7(%arg0: i32) -> (i32, i32) {
    %c0_i32 = arith.constant 0 : i32
    %c0_i32_0 = arith.constant 0 : i32
    return %arg0, %c0_i32 : i32, i32
  }
  func.func @transform_8(%arg0: i32) -> (i32, i32) {
    %c0_i32 = arith.constant 0 : i32
    %c0_i32_0 = arith.constant 0 : i32
    %c0_i32_1 = arith.constant 0 : i32
    return %c0_i32, %c0_i32_0 : i32, i32
  }
  func.func @transform_9(%arg0: i32) -> (i32, i32) {
    %c0_i32 = arith.constant 0 : i32
    %c0_i32_0 = arith.constant 0 : i32
    %c0_i32_1 = arith.constant 0 : i32
    return %c0_i32, %c0_i32_0 : i32, i32
  }
  func.func @transform_10(%arg0: i32) -> (i32, i32) {
    %c0_i32 = arith.constant 0 : i32
    %c0_i32_0 = arith.constant 0 : i32
    %c0_i32_1 = arith.constant 0 : i32
    return %c0_i32, %c0_i32_0 : i32, i32
  }
  func.func @transform_11(%arg0: i32) -> (i32, i32) {
    %c0_i32 = arith.constant 0 : i32
    %c0_i32_0 = arith.constant 0 : i32
    %c0_i32_1 = arith.constant 0 : i32
    return %c0_i32, %c0_i32_0 : i32, i32
  }
  func.func @transform_12(%arg0: i32) -> (i32, i32) {
    %c0_i32 = arith.constant 0 : i32
    %c0_i32_0 = arith.constant 0 : i32
    return %arg0, %c0_i32 : i32, i32
  }
  func.func @transform_13(%arg0: i32) -> (i32, i32) {
    %c0_i32 = arith.constant 0 : i32
    %c0_i32_0 = arith.constant 0 : i32
    return %arg0, %c0_i32 : i32, i32
  }
  func.func @transform_14(%arg0: i32) -> (i32, i32) {
    %c0_i32 = arith.constant 0 : i32
    %c0_i32_0 = arith.constant 0 : i32
    return %arg0, %c0_i32 : i32, i32
  }
  func.func @transform_15(%arg0: i32) -> (i32, i32) {
    %c0_i32 = arith.constant 0 : i32
    %c0_i32_0 = arith.constant 0 : i32
    return %arg0, %c0_i32 : i32, i32
  }
}

module attributes {stable_mosaic.version = 14 : i64} {
  func.func @_pool_body(%arg0: i32, %arg1: memref<2000x128xbf16, #tpu.memory_space<vmem>>, %arg2: memref<2000x128xbf16, #tpu.memory_space<vmem>>, %arg3: memref<2000x128xbf16, #tpu.memory_space<vmem>>, %arg4: memref<2000x128xbf16, #tpu.memory_space<vmem>>, %arg5: memref<1x1x2000xi32, #tpu.memory_space<vmem>>, %arg6: memref<512x512xf32, #tpu.memory_space<vmem>>, %arg7: memref<1x512xf32, #tpu.memory_space<vmem>>, %arg8: memref<512x16xf32, #tpu.memory_space<vmem>>, %arg9: memref<1x16xf32, #tpu.memory_space<vmem>>, %arg10: memref<64x16xf32, #tpu.memory_space<vmem>>, %arg11: memref<64x512xf32, #tpu.memory_space<vmem>>) attributes {dimension_semantics = [#tpu.dimension_semantics<arbitrary>], iteration_bounds = array<i64: 5>, scalar_prefetch = 0 : i64, scratch_operands = 1 : i64, tpu.core_type = #tpu.core_type<tc>, window_params = [{transform_indices = @transform_0, window_bounds = array<i64: 2000, 128>}, {transform_indices = @transform_1, window_bounds = array<i64: 2000, 128>}, {transform_indices = @transform_2, window_bounds = array<i64: 2000, 128>}, {transform_indices = @transform_3, window_bounds = array<i64: 2000, 128>}, {transform_indices = @transform_4, window_bounds = array<i64: 1, 1, 2000>}, {pipeline_mode = #tpu.pipeline_mode<synchronous>, transform_indices = @transform_5, window_bounds = array<i64: 512, 512>}, {pipeline_mode = #tpu.pipeline_mode<synchronous>, transform_indices = @transform_6, window_bounds = array<i64: 1, 512>}, {pipeline_mode = #tpu.pipeline_mode<synchronous>, transform_indices = @transform_7, window_bounds = array<i64: 512, 16>}, {pipeline_mode = #tpu.pipeline_mode<synchronous>, transform_indices = @transform_8, window_bounds = array<i64: 1, 16>}, {pipeline_mode = #tpu.pipeline_mode<synchronous>, transform_indices = @transform_9, window_bounds = array<i64: 64, 16>}]} {
    %eq3A = arith.constant 0 : i32
    %eq3A_0 = arith.cmpi eq, %arg0, %eq3A : i32
    %convert_element_type3A = arith.extui %eq3A_0 : i1 to i32
    %cond3A = arith.constant 0 : i32
    %cond3A_1 = arith.cmpi ne, %convert_element_type3A, %cond3A : i32
    scf.if %cond3A_1 {
      %broadcast_in_dim3A_38 = arith.constant 0.000000e+00 : f32
      %broadcast_in_dim3A_39 = vector.broadcast %broadcast_in_dim3A_38 : f32 to vector<64x512xf32>
      %swap3A_40 = arith.constant 0 : index
      %swap3A_41 = arith.constant 0 : index
      %swap3A_42 = vector.load %arg11[%swap3A_40, %swap3A_41] : memref<64x512xf32, #tpu.memory_space<vmem>>, vector<64x512xf32>
      tpu.vector_store %arg11[%swap3A_40, %swap3A_41], %broadcast_in_dim3A_39 {strides = array<i32>} : memref<64x512xf32, #tpu.memory_space<vmem>>, vector<64x512xf32>,
    } else {
    }
    %get3A = arith.constant 0 : index
    %get3A_2 = arith.constant 0 : index
    %get3A_3 = arith.constant 0 : index
    %get3A_4 = vector.load %arg5[%get3A, %get3A_2, %get3A_3] : memref<1x1x2000xi32, #tpu.memory_space<vmem>>, vector<1x1x2000xi32>
    %get3A_5 = vector.shape_cast %get3A_4 : vector<1x1x2000xi32> to vector<2000xi32>
    %broadcast_in_dim3A = vector.shape_cast %get3A_5 : vector<2000xi32> to vector<2000x1xi32>
    %iota3A = tpu.iota {dimensions = array<i32: 1>} : vector<1x64xi32>
    %eq3A_6 = vector.broadcast %broadcast_in_dim3A : vector<2000x1xi32> to vector<2000x64xi32>
    %eq3A_7 = vector.broadcast %iota3A : vector<1x64xi32> to vector<2000x64xi32>
    %eq3A_8 = arith.cmpi eq, %eq3A_6, %eq3A_7 : vector<2000x64xi32>
    %convert_element_type3A_9 = arith.extui %eq3A_8 : vector<2000x64xi1> to vector<2000x64xi32>
    %convert_element_type3A_10 = arith.sitofp %convert_element_type3A_9 : vector<2000x64xi32> to vector<2000x64xf32>
    %get3A_11 = arith.constant 0 : index
    %get3A_12 = arith.constant 0 : index
    %get3A_13 = vector.load %arg1[%get3A_11, %get3A_12] : memref<2000x128xbf16, #tpu.memory_space<vmem>>, vector<2000x128xbf16>
    %convert_element_type3A_14 = arith.extf %get3A_13 : vector<2000x128xbf16> to vector<2000x128xf32>
    %get3A_15 = arith.constant 0 : index
    %get3A_16 = arith.constant 0 : index
    %get3A_17 = vector.load %arg2[%get3A_15, %get3A_16] : memref<2000x128xbf16, #tpu.memory_space<vmem>>, vector<2000x128xbf16>
    %convert_element_type3A_18 = arith.extf %get3A_17 : vector<2000x128xbf16> to vector<2000x128xf32>
    %get3A_19 = arith.constant 0 : index
    %get3A_20 = arith.constant 0 : index
    %get3A_21 = vector.load %arg3[%get3A_19, %get3A_20] : memref<2000x128xbf16, #tpu.memory_space<vmem>>, vector<2000x128xbf16>
    %convert_element_type3A_22 = arith.extf %get3A_21 : vector<2000x128xbf16> to vector<2000x128xf32>
    %get3A_23 = arith.constant 0 : index
    %get3A_24 = arith.constant 0 : index
    %get3A_25 = vector.load %arg4[%get3A_23, %get3A_24] : memref<2000x128xbf16, #tpu.memory_space<vmem>>, vector<2000x128xbf16>
    %convert_element_type3A_26 = arith.extf %get3A_25 : vector<2000x128xbf16> to vector<2000x128xf32>
    %concatenate3A = tpu.concatenate %convert_element_type3A_14, %convert_element_type3A_18, %convert_element_type3A_22, %convert_element_type3A_26 in 1 : vector<2000x128xf32>, vector<2000x128xf32>, vector<2000x128xf32>, vector<2000x128xf32> -> vector<2000x512xf32>
    %get3A_27 = arith.constant 0 : index
    %get3A_28 = arith.constant 0 : index
    %get3A_29 = vector.load %arg11[%get3A_27, %get3A_28] : memref<64x512xf32, #tpu.memory_space<vmem>>, vector<64x512xf32>
    %dot_general3A = arith.constant dense<0.000000e+00> : vector<64x512xf32>
    %dot_general3A_30 = tpu.matmul %convert_element_type3A_10, %concatenate3A, %dot_general3A {dimension_numbers = #tpu.dot_dimension_numbers<[0], [0], [1], [1], [0, 1, 1, 1], [], []>, transpose_lhs_hint = false} : vector<2000x64xf32>, vector<2000x512xf32>, vector<64x512xf32> -> vector<64x512xf32>
    %add3A = arith.addf %get3A_29, %dot_general3A_30 : vector<64x512xf32>
    %swap3A = arith.constant 0 : index
    %swap3A_31 = arith.constant 0 : index
    %swap3A_32 = vector.load %arg11[%swap3A, %swap3A_31] : memref<64x512xf32, #tpu.memory_space<vmem>>, vector<64x512xf32>
    tpu.vector_store %arg11[%swap3A, %swap3A_31], %add3A {strides = array<i32>} : memref<64x512xf32, #tpu.memory_space<vmem>>, vector<64x512xf32>,
    %eq3A_33 = arith.constant 4 : i32
    %eq3A_34 = arith.cmpi eq, %arg0, %eq3A_33 : i32
    %convert_element_type3A_35 = arith.extui %eq3A_34 : i1 to i32
    %cond3A_36 = arith.constant 0 : i32
    %cond3A_37 = arith.cmpi ne, %convert_element_type3A_35, %cond3A_36 : i32
    scf.if %cond3A_37 {
      %get3A_38 = arith.constant 0 : index
      %get3A_39 = arith.constant 0 : index
      %get3A_40 = vector.load %arg11[%get3A_38, %get3A_39] : memref<64x512xf32, #tpu.memory_space<vmem>>, vector<64x512xf32>
      %get3A_41 = arith.constant 0 : index
      %get3A_42 = arith.constant 0 : index
      %get3A_43 = vector.load %arg6[%get3A_41, %get3A_42] : memref<512x512xf32, #tpu.memory_space<vmem>>, vector<512x512xf32>
      %dot_general3A_44 = arith.constant dense<0.000000e+00> : vector<64x512xf32>
      %dot_general3A_45 = tpu.matmul %get3A_40, %get3A_43, %dot_general3A_44 {dimension_numbers = #tpu.dot_dimension_numbers<[1], [0], [0], [1], [0, 0, 1, 1], [], []>, transpose_lhs_hint = false} : vector<64x512xf32>, vector<512x512xf32>, vector<64x512xf32> -> vector<64x512xf32>
      %get3A_46 = arith.constant 0 : index
      %get3A_47 = arith.constant 0 : index
      %get3A_48 = vector.load %arg7[%get3A_46, %get3A_47] : memref<1x512xf32, #tpu.memory_space<vmem>>, vector<1x512xf32>
      %add3A_49 = vector.broadcast %get3A_48 : vector<1x512xf32> to vector<64x512xf32>
      %add3A_50 = arith.addf %dot_general3A_45, %add3A_49 : vector<64x512xf32>
      %max3A = arith.constant 0.000000e+00 : f32
      %max3A_51 = vector.broadcast %max3A : f32 to vector<64x512xf32>
      %max3A_52 = arith.maximumf %add3A_50, %max3A_51 : vector<64x512xf32>
      %get3A_53 = arith.constant 0 : index
      %get3A_54 = arith.constant 0 : index
      %get3A_55 = vector.load %arg8[%get3A_53, %get3A_54] : memref<512x16xf32, #tpu.memory_space<vmem>>, vector<512x16xf32>
      %dot_general3A_56 = arith.constant dense<0.000000e+00> : vector<64x16xf32>
      %dot_general3A_57 = tpu.matmul %max3A_52, %get3A_55, %dot_general3A_56 {dimension_numbers = #tpu.dot_dimension_numbers<[1], [0], [0], [1], [0, 0, 1, 1], [], []>, transpose_lhs_hint = false} : vector<64x512xf32>, vector<512x16xf32>, vector<64x16xf32> -> vector<64x16xf32>
      %get3A_58 = arith.constant 0 : index
      %get3A_59 = arith.constant 0 : index
      %get3A_60 = vector.load %arg9[%get3A_58, %get3A_59] : memref<1x16xf32, #tpu.memory_space<vmem>>, vector<1x16xf32>
      %add3A_61 = vector.broadcast %get3A_60 : vector<1x16xf32> to vector<64x16xf32>
      %add3A_62 = arith.addf %dot_general3A_57, %add3A_61 : vector<64x16xf32>
      %reduce_max3A = arith.constant dense<0xFF800000> : vector<64xf32>
      %reduce_max3A_63 = vector.multi_reduction <maximumf>, %add3A_62, %reduce_max3A [1] : vector<64x16xf32> to vector<64xf32>
      %broadcast_in_dim3A_64 = vector.shape_cast %reduce_max3A_63 : vector<64xf32> to vector<64x1xf32>
      %sub3A = vector.broadcast %broadcast_in_dim3A_64 : vector<64x1xf32> to vector<64x16xf32>
      %sub3A_65 = arith.subf %add3A_62, %sub3A : vector<64x16xf32>
      %exp3A = math.exp %sub3A_65 : vector<64x16xf32>
      %reduce_sum3A = arith.constant dense<0.000000e+00> : vector<64xf32>
      %reduce_sum3A_66 = vector.multi_reduction <add>, %exp3A, %reduce_sum3A [1] : vector<64x16xf32> to vector<64xf32>
      %broadcast_in_dim3A_67 = vector.shape_cast %reduce_sum3A_66 : vector<64xf32> to vector<64x1xf32>
      %log3A = math.log %broadcast_in_dim3A_67 : vector<64x1xf32>
      %add3A_68 = arith.addf %log3A, %broadcast_in_dim3A_64 : vector<64x1xf32>
      %sub3A_69 = vector.broadcast %add3A_68 : vector<64x1xf32> to vector<64x16xf32>
      %sub3A_70 = arith.subf %add3A_62, %sub3A_69 : vector<64x16xf32>
      %swap3A_71 = arith.constant 0 : index
      %swap3A_72 = arith.constant 0 : index
      %swap3A_73 = vector.load %arg10[%swap3A_71, %swap3A_72] : memref<64x16xf32, #tpu.memory_space<vmem>>, vector<64x16xf32>
      tpu.vector_store %arg10[%swap3A_71, %swap3A_72], %sub3A_70 {strides = array<i32>} : memref<64x16xf32, #tpu.memory_space<vmem>>, vector<64x16xf32>,
    } else {
    }
    return
  }
  func.func @transform_0(%arg0: i32) -> (i32, i32) {
    %c0_i32 = arith.constant 0 : i32
    %c0_i32_0 = arith.constant 0 : i32
    return %arg0, %c0_i32 : i32, i32
  }
  func.func @transform_1(%arg0: i32) -> (i32, i32) {
    %c0_i32 = arith.constant 0 : i32
    %c0_i32_0 = arith.constant 0 : i32
    return %arg0, %c0_i32 : i32, i32
  }
  func.func @transform_2(%arg0: i32) -> (i32, i32) {
    %c0_i32 = arith.constant 0 : i32
    %c0_i32_0 = arith.constant 0 : i32
    return %arg0, %c0_i32 : i32, i32
  }
  func.func @transform_3(%arg0: i32) -> (i32, i32) {
    %c0_i32 = arith.constant 0 : i32
    %c0_i32_0 = arith.constant 0 : i32
    return %arg0, %c0_i32 : i32, i32
  }
  func.func @transform_4(%arg0: i32) -> (i32, i32, i32) {
    %c0_i32 = arith.constant 0 : i32
    %c0_i32_0 = arith.constant 0 : i32
    %c0_i32_1 = arith.constant 0 : i32
    return %arg0, %c0_i32, %c0_i32_0 : i32, i32, i32
  }
  func.func @transform_5(%arg0: i32) -> (i32, i32) {
    %c0_i32 = arith.constant 0 : i32
    %c0_i32_0 = arith.constant 0 : i32
    %c0_i32_1 = arith.constant 0 : i32
    return %c0_i32, %c0_i32_0 : i32, i32
  }
  func.func @transform_6(%arg0: i32) -> (i32, i32) {
    %c0_i32 = arith.constant 0 : i32
    %c0_i32_0 = arith.constant 0 : i32
    %c0_i32_1 = arith.constant 0 : i32
    return %c0_i32, %c0_i32_0 : i32, i32
  }
  func.func @transform_7(%arg0: i32) -> (i32, i32) {
    %c0_i32 = arith.constant 0 : i32
    %c0_i32_0 = arith.constant 0 : i32
    %c0_i32_1 = arith.constant 0 : i32
    return %c0_i32, %c0_i32_0 : i32, i32
  }
  func.func @transform_8(%arg0: i32) -> (i32, i32) {
    %c0_i32 = arith.constant 0 : i32
    %c0_i32_0 = arith.constant 0 : i32
    %c0_i32_1 = arith.constant 0 : i32
    return %c0_i32, %c0_i32_0 : i32, i32
  }
  func.func @transform_9(%arg0: i32) -> (i32, i32) {
    %c0_i32 = arith.constant 0 : i32
    %c0_i32_0 = arith.constant 0 : i32
    %c0_i32_1 = arith.constant 0 : i32
    return %c0_i32, %c0_i32_0 : i32, i32
  }
}

</mosaic_0001>

<sc_bundles>
// kernel: closed_call.17.cloned.1.call-start
scs
__scs_entry_jumppad:
0x0: {  	(pc) =	sbr.rel $0x88, $3  }
0x1: {  	(tag) =	ssettag $0x0;
	lr =	simm.s32 $0x1  }
0x2: {  	[smem:$0x3F94] =	sst lr;
	_ =	strace $0xD0000000  }
0x3: {  	_ = 	snop  }
0x4: {  	_ = 	snop  }
0x5: {  	_ = 	snop  }
0x6: {  	_ = 	snop  }
0x7: {  	_ = 	snop  }
__scs_overlays_trampoline_lowered:
0x8: {  	[smem:$0x3FA3] =	sst s0  }
0x9: {  	[smem:$0x3FA4] =	sst s1  }
0xa: {  	[smem:$0x3FA5] =	sst s2  }
0xb: {  	[smem:$0x3FA6] =	sst s3  }
0xc: {  	[smem:$0x3FA7] =	sst s4  }
0xd: {  	[smem:$0x3FA8] =	sst s5  }
0xe: {  	[smem:$0x3FA9] =	sst s6  }
0xf: {  	[smem:$0x3FAA] =	sst s7  }
0x10: {  	[smem:$0x3FAB] =	sst s8  }
0x11: {  	[smem:$0x3FAC] =	sst s9;
	s0 =	simm.s32 @!p0 $0x0  }
0x12: {  	s1 =	sld [smem:$0x3F92];
	s0 =	simm.s32 @p0 $0x1  }
0x13: {  	[smem:$0x3FAD] =	sst s0;
	s0 =	simm.s32 @!p1 $0x0  }
0x14: {  	s2 =	sld [smem:$0x3F91];
	s0 =	simm.s32 @p1 $0x1  }
0x15: {  	[smem:$0x3FAE] =	sst s0;
	s0 =	simm.s32 @!p2 $0x0  }
0x16: {  	s3 =	sld [smem:$0x3FDB];
	s0 =	simm.s32 @p2 $0x1  }
0x17: {  	s4 =	simm.s32 $0x1BF5;
	[smem:$0x3FB0] =	sst s0  }
0x18: {  	s0 =	sld [smem:$0x3F93];
	_ =	swait.ge [sflag:s4], $0x0  }
0x19: {  	s7 =	sld [smem:$0x3F94]  }
0x1a: {  	s8 =	sadd.s32 $0xFFFFE003, lr  }
0x1b: {  	s9 =	sadd.s32 $0xFFFFFEF7, lr;
	s5 =	simm.s32 $0xFFFFFFFF;
	p2 =	slt.u32 s8, $0xFFFFF086  }
0x1c: {  	p1 =	slt.u32 s9, $0xF7A;
	s5 =	simm.s32 @!p2 $0x0  }
0x1d: {  	s5 =	simm.s32 @p1 $0x1;
	p0 =	seq.s32 s7, s2  }
0x1e: {  	s7 =	smul.u32 @!p0 $0xF7A, s2;
	p2 =	seq.s32 @!p0 s5, $0x0  }
0x1f: {  	s9 =	smul.u32 $0xF7A, s1;
	s8 =	simm.s32 @!p0 $0x1BF5;
	p2 =	por !p2, p0  }
0x20: {  	[sflag:s8] =	ssyncset.s32 @!p0 $0xFFFFF086;
	s6 =	sadd.s32 @!p0 s3, s7;
	s7 =	simm.s32 @!p0 $0x108  }
0x21: {  	s3 =	sadd.s32 s3, s9;
	s6 =	sadd.s32 @!p0 $0x88, s6;
	s7 =	simm.s32 @p2 $0x1082  }
0x22: {  	[simem:s7], [sflag:s8] =	dma.local @!p0 [hbm:s6], $0xF7A  }
0x23: {  	s9 =	sor.u32 $0xD0000000, s2;
	s6 =	simm.s32 $0x108;
	_ =	swait.ge @!p0 [sflag:s8], $0x0  }
0x24: {  	s3 =	sadd.s32 $0x88, s3;
	s6 =	simm.s32 @!p1 $0x1082;
	[sflag:s4] =	ssyncset.s32 $0xFFFFF086  }
0x25: {  	[simem:s6], [sflag:s4] =	dma.local [hbm:s3], $0xF7A  }
0x26: {  	[smem:$0x3F94] =	sst s1;
	(tag) =	ssettag s2;
	_ =	strace s9  }
0x27: {  	s1 =	sld [smem:$0x3FA4]  }
0x28: {  	s2 =	sld [smem:$0x3FA5]  }
0x29: {  	s4 =	sld [smem:$0x3FA7]  }
0x2a: {  	p0 =	seq.s32 s5, $0x0;
	s5 =	sld [smem:$0x3FA8]  }
0x2b: {  	s6 =	sld [smem:$0x3FA9]  }
0x2c: {  	s7 =	sld [smem:$0x3FAA]  }
0x2d: {  	s3 =	simm.s32 $0x108;
	s8 =	sld [smem:$0x3FAB]  }
0x2e: {  	s3 =	simm.s32 @!p0 $0x1082;
	s9 =	sld [smem:$0x3FAC]  }
0x2f: {  	lr =	sadd.s32 s0, s3;
	s0 =	sld [smem:$0x3FA3]  }
0x30: {  	s3 =	sld [smem:$0x3FA6]  }
0x31: {  	[smem:$0x3FAF] =	sst s10  }
0x32: {  	s10 =	sld [smem:$0x3FAD];
	_ =	sdelay $0x3  }
0x33: {  	p0 =	seq.s32 s10, $0x1;
	s10 =	sld [smem:$0x3FAF];
	_ =	sdelay $0x3  }
0x34: {  	[smem:$0x3FAF] =	sst s10  }
0x35: {  	s10 =	sld [smem:$0x3FAE];
	_ =	sdelay $0x3  }
0x36: {  	p1 =	seq.s32 s10, $0x1;
	s10 =	sld [smem:$0x3FAF];
	_ =	sdelay $0x3  }
0x37: {  	[smem:$0x3FAF] =	sst s10  }
0x38: {  	s10 =	sld [smem:$0x3FB0]  }
0x39: {  	_ = 	snop;
	(pc) =	sbr.ind lr, $3  }
0x3a: {  	_ = 	snop  }
0x3b: {  	_ = 	snop  }
0x3c: {  	p2 =	seq.s32 s10, $0x1;
	s10 =	sld [smem:$0x3FAF]  }
0x3d: {  	_ =	shalt  }
0x3e: {  	_ =	shalt  }
0x3f: {  	_ =	shalt  }
0x40: {  	_ =	shalt  }
0x41: {  	_ =	shalt  }
0x42: {  	_ =	shalt  }
0x43: {  	_ =	shalt  }
0x44: {  	_ =	shalt  }
0x45: {  	_ =	shalt  }
0x46: {  	_ =	shalt  }
0x47: {  	_ =	shalt  }
0x48: {  	_ =	shalt  }
0x49: {  	_ =	shalt  }
0x4a: {  	_ =	shalt  }
0x4b: {  	_ =	shalt  }
0x4c: {  	_ =	shalt  }
0x4d: {  	_ =	shalt  }
0x4e: {  	_ =	shalt  }
0x4f: {  	_ =	shalt  }
0x50: {  	_ =	shalt  }
0x51: {  	_ =	shalt  }
0x52: {  	_ =	shalt  }
0x53: {  	_ =	shalt  }
0x54: {  	_ =	shalt  }
0x55: {  	_ =	shalt  }
0x56: {  	_ =	shalt  }
0x57: {  	_ =	shalt  }
0x58: {  	_ =	shalt  }
0x59: {  	_ =	shalt  }
0x5a: {  	_ =	shalt  }
0x5b: {  	_ =	shalt  }
0x5c: {  	_ =	shalt  }
0x5d: {  	_ =	shalt  }
0x5e: {  	_ =	shalt  }
0x5f: {  	_ =	shalt  }
0x60: {  	_ =	shalt  }
0x61: {  	_ =	shalt  }
0x62: {  	_ =	shalt  }
0x63: {  	_ =	shalt  }
0x64: {  	_ =	shalt  }
0x65: {  	_ =	shalt  }
0x66: {  	_ =	shalt  }
0x67: {  	_ =	shalt  }
0x68: {  	_ =	shalt  }
0x69: {  	_ =	shalt  }
0x6a: {  	_ =	shalt  }
0x6b: {  	_ =	shalt  }
0x6c: {  	_ =	shalt  }
0x6d: {  	_ =	shalt  }
0x6e: {  	_ =	shalt  }
0x6f: {  	_ =	shalt  }
0x70: {  	_ =	shalt  }
0x71: {  	_ =	shalt  }
0x72: {  	_ =	shalt  }
0x73: {  	_ =	shalt  }
0x74: {  	_ =	shalt  }
0x75: {  	_ =	shalt  }
0x76: {  	_ =	shalt  }
0x77: {  	_ =	shalt  }
0x78: {  	_ =	shalt  }
0x79: {  	_ =	shalt  }
0x7a: {  	_ =	shalt  }
0x7b: {  	_ =	shalt  }
0x7c: {  	_ =	shalt  }
0x7d: {  	_ =	shalt  }
0x7e: {  	_ =	shalt  }
0x7f: {  	_ =	shalt  }
0x80: {  	_ =	shalt  }
0x81: {  	_ =	shalt  }
0x82: {  	_ =	shalt  }
0x83: {  	_ =	shalt  }
0x84: {  	_ =	shalt  }
0x85: {  	_ =	shalt  }
0x86: {  	_ =	shalt  }
0x87: {  	_ =	shalt  }
.Lfunc_end0:
.L_simem_size_0:
called_computation_lowered:
.L_overlay_start_0:
0x88: {  	s2 =	sld [smem:$0x3FD9]  }
0x89: {  	s3 =	sld [smem:$0x3FFE];
	_ =	sdelay $0x1  }
0x8a: {  	s1 =	srdreg.scid  }
0x8b: {  	s0 =	sand.u32 $0x1, s1  }
0x8c: {  	s16 =	sshll.u32 s0, $0xA;
	s2 =	sadd.s32 s3, s2  }
0x8d: {  	s2 =	sadd.s32 s2, s16  }
0x8e: {  	[smem:$0x3FBB] =	sst s2  }
0x8f: {  	_ = 	snop  }
0x90: {  	(tm) =	ssettm $0x1  }
0x91: {  	s17 =	sld [smem:$0x3FFB];
	_ =	sdelay $0x3  }
0x92: {  	_ =	strace s17  }
0x93: {  	s2 =	sld [smem:$0x3FFC];
	_ =	sdelay $0x3  }
0x94: {  	_ =	strace s2  }
0x95: {  	s2 =	sld [smem:$0x3FFD];
	_ =	sdelay $0x3  }
0x96: {  	_ =	strace s2  }
0x97: {  	_ =	strace $0x8FFFFFFF  }
0x98: {  	s18 =	sld [smem:$0x3FDB];
	_ =	sdelay $0x1  }
0x99: {  	s19 =	simm.s32 $_scs_section_size  }
0x9a: {  	s4 =	simm.s32 $_size__tile_overlayer_lowered;
	s5 =	simm.s32 $_tile_overlayer_lowered  }
0x9b: {  	s22 =	simm.s32 $0x1BFF;
	s21 =	sshll.u32 s5, $0x1;
	s2 =	sadd.s32 s19, s18  }
0x9c: {  	s6 =	simm.s32 $0x0;
	s20 =	sshll.u32 s4, $0x1;
	s4 =	sadd.s32 s21, s2  }
0x9d: {  	[timem:s6], [sflag:s22] =	dma.local [hbm:s4], s20  }
0x9e: {  	_ =	swait.ge [sflag:s22], s20  }
0x9f: {  	s3 =	ssub.s32 $0x0, s20;
	[sflag:s22] =	ssyncset.done $0x0  }
0xa0: {  	[sflag:s22] =	ssyncadd.s32 s3;
	_ =	sdelay $0x1  }
0xa1: {  	s23 =	simm.s32 $0x1B8B  }
0xa2: {  	_ =	swait.ge [sflag:s23], $0x1  }
0xa3: {  	[sflag:s23] =	ssyncset.done $0x0  }
0xa4: {  	s25 =	simm.s32 $0x1B8E;
	s24 =	sld [smem:$0x3FFE];
	[sflag:s23] =	ssyncadd.s32 $0xFFFFFFFF  }
0xa5: {  	s26 =	simm.s32 $execute0_lowered;
	[smem:$0x3FD2] =	sst s25  }
0xa6: {  	s4 =	sshll.u32 s26, $0x1;
	_ =	strace $0x80000046;
	[dreg:$0x1] =	wrdreg $0xFFFFFFFF  }
0xa7: {  	s28 =	simm.s32 $_size_execute0_lowered;
	s2 =	sadd.s32 s2, s4;
	[dreg:$0x0] =	wrdreg $0x0  }
0xa8: {  	s4 =	sshll.u32 s28, $0x1;
	[dreg:$0x2] =	wrdreg s2  }
0xa9: {  	[dreg:$0x3] =	wrdreg s4  }
0xaa: {  	[dreg:$0x4] =	wrdreg $0xC0  }
0xab: {  	_ =	task [dreg:s6], $0x5FFFF  }
0xac: {  	[dreg:$0x1] =	wrdreg $0xFFFFFFFF  }
0xad: {  	[dreg:$0x0] =	wrdreg $0x60  }
0xae: {  	[dreg:$0x2] =	wrdreg s24  }
0xaf: {  	[dreg:$0x3] =	wrdreg $0x122000  }
0xb0: {  	[dreg:$0x4] =	wrdreg $0x9  }
0xb1: {  	_ =	task.clear_ibuf [dreg:s6], $0x5FFFF;
	_ =	strace $0x90000046  }
0xb2: {  	s29 =	simm.s32 $0x9;
	_ =	strace $0x80000048  }
0xb3: {  	_ =	swait.ge [sflag:s29], $0x1  }
0xb4: {  	[sflag:s29] =	ssyncadd.s32 $0xFFFFFFFF  }
0xb5: {  	_ =	strace $0x90000048  }
0xb6: {  	_ =	sfence  }
0xb7: {  	s30 =	sld [smem:$0x0];
	_ =	sdelay $0x2  }
0xb8: {  	s31 =	sshll.u32 s1, $0xD;
	s1 =	sshrl.u32 s1, $0x2  }
0xb9: {  	s3 =	sand.u32 $0x4000, s31;
	s1 =	sadd.s32 s1, s30  }
0xba: {  	s0 =	sor.u32 s3, s0;
	s1 =	sshll.u32 s1, $0x11  }
0xbb: {  	s0 =	sor.u32 s1, s0  }
0xbc: {  	s0 =	sadd.s32 $0x8F2B, s0  }
0xbd: {  	[sflag:s0] =	ssyncadd.remote.s32 $0x1  }
0xbe: {  	_ =	sfence.sel $0xFFFF  }
0xbf: {  	[dreg:$0x0] =	wrdreg $0xFFFFFFFF;
	(pc) =	sbr.abs _section_cstart, $3  }
0xc0: {  	[dreg:$0x1] =	wrdreg $0xFFFFFFFF  }
0xc1: {  	_ =	task.clear_ibuf [dreg:s6], $0x2FFFF;
	_ =	strace $0x9FFFFFFF  }
0xc2: {  	(tm) =	ssettm $0x7FFFFFFF  }
0xc3: {  	_ =	shalt  }
tec
execute0_lowered:
.L_overlay_start_1:
0x0: {  	(tag) =	ssettag $0x1  }
0x1: {  	s0 =	rddreg [dreg:$0x0]  }
0x2: {  	s2 =	rddreg [dreg:$0x1];
	s11 =	stileid.u32  }
0x3: {  	s17 =	simm.s32 $0x0;
	s8 =	srdreg.scid;
	s29 =	simm.s32 $0x9000  }
0x4: {  	s31 =	simm.s32 $0xB000;
	s30 =	simm.s32 $0xD000;
	s13 =	simm.s32 $0x8  }
0x5: {  	s28 =	simm.s32 $0x9;
	s12 =	simm.s32 $0xA;
	s1 =	smul.u32 $0x500, s11  }
0x6: {  	[smem:$0x7FF] =	sst s17;
	s4 =	sadd.s32 $0x20400, s0;
	s5 =	sadd.s32 $0x33E00, s0  }
0x7: {  	s3 =	smul.u32 $0x1F400, s11;
	s6 =	sadd.s32 $0x47800, s0;
	s7 =	sadd.s32 $0x5B200, s0  }
0x8: {  	s8 =	sand.u32 $0x1, s8;
	s9 =	sadd.s32 $0x82600, s0;
	s19 =	smul.u32 $0x3E800, s11  }
0x9: {  	p1 =	sgt.u32 s11, $0x9;
	p2 =	slt.u32 s11, $0xA;
	s11 =	simm.s32 $0x7  }
0xa: {  	_ =	strace $0x80000047;
	[dreg:$0x3] =	wrdreg s9;
	s15 =	ssub.s32 $0x2, s8  }
0xb: {  	p0 =	seq.s32 s8, $0x1;
	s8 =	simm.s32 $0x2;
	s9 =	simm.s32 $0x3  }
0xc: {  	s1 =	sadd.s32 s1, s0;
	s10 =	sshrl.u32 s3, $0x4;
	s16 =	sshrl.u32 s15, $0x1  }
0xd: {  	[dreg:$0x4] =	wrdreg s10;
	s10 =	sadd.s32 s10, s0;
	s0 =	sadd.s32 $0xA9A00, s0  }
0xe: {  	s20 =	sshrl.u32 s3, $0x1;
	s18 =	sadd.s32 $0x16400, s1;
	[dreg:$0x5] =	wrdreg s0  }
0xf: {  	s22 =	sshrl.u32 s19, $0x2;
	s1 =	sadd.s32 $0x1B400, s1;
	[dreg:$0x6] =	wrdreg s18  }
0x10: {  	s0 =	ssub.s32 s15, s16;
	[dreg:$0x7] =	wrdreg s1;
	s21 =	sadd.s32 $0x6EC00, s10  }
0x11: {  	s1 =	sadd.s32 s20, s2;
	s23 =	sadd.s32 $0x96000, s10;
	[dreg:$0x8] =	wrdreg s21  }
0x12: {  	s10 =	simm.s32 $0x6;
	s16 =	simm.s32 $0x4;
	[dreg:$0x9] =	wrdreg s1  }
0x13: {  	s15 =	simm.s32 $0x0;
	[dreg:$0xa] =	wrdreg s23;
	s0 =	smax.u32 s0, $0x1  }
0x14: {  	s21 =	sadd.s32 s22, s2;
	s22 =	simm.s32 $0xB;
	[dreg:$0xb] =	wrdreg s0  }
.Ltmp0:
0x15: {  	s24 =	sadd.s32 $0x6400, s21;
	[dreg:$0xc] =	wrdreg s21;
	(pc) =	sbr.rel .LBB2_1-.Ltmp0, $4  }
0x16: {  	s1 =	simm.s32 $0x5;
	s25 =	sadd.s32 $0x9600, s21;
	[dreg:$0xe] =	wrdreg s24  }
0x17: {  	s23 =	sadd.s32 $0x3200, s21;
	s26 =	sadd.s32 $0xC800, s21;
	[dreg:$0xf] =	wrdreg s25  }
0x18: {  	s0 =	simm.s32 $0x1;
	[dreg:$0x10] =	wrdreg s26;
	s24 =	simm.s32 $0x80  }
0x19: {  	v0 =	vimm.bf16 $0.0e+00;
	s25 =	simm.s32 $0x5000;
	s26 =	simm.s32 $0x7000;
	[dreg:$0xd] =	wrdreg s23  }
.LBB2_18:
0x1a: {  	s14 =	stileid.u32;
	s17 =	rddreg [dreg:$0x4]  }
0x1b: {  	s20 =	rddreg [dreg:$0x9];
	s14 =	sshll.u32 s14, $0x6  }
0x1c: {  	s3 =	sadd.s32 s3, s17;
	s17 =	sshrl.u32 s20, $0x3;
	s14 =	sor.u32 $0x1C0B, s14  }
0x1d: {  	[hbm:s3], [sflag:s14] =	dma.local [spmem:s17], $0x1F40  }
0x1e: {  	_ =	swait.ge [sflag:s22], $0x1F40  }
0x1f: {  	[sflag:s22] =	ssyncset.done $0x0  }
0x20: {  	[sflag:s22] =	ssyncadd.s32 $0xFFFFE0C0  }
.LBB2_19:
0x21: {  	s15 =	sadd.s32 $0x1, s15;
	s3 =	rddreg [dreg:$0xb]  }
0x22: {  	p3 =	sne.s32 s15, s3  }
.Ltmp1:
0x23: {  	_ = 	snop;
	(pc) =	sbr.rel @!p3 .LBB2_20-.Ltmp1, $3  }
0x24: {  	_ =	sdelay $0x1  }
0x25: {  	[bflag:$0x0] =	sbarrier.arrive $0xFFFF  }
0x26: {  	s17 =	simm.s32 $0x0  }
.LBB2_1:
0x27: {  	s3 =	rddreg [dreg:$0x6]  }
0x28: {  	[tilespmem:s17], [sflag:$0xB] =	stream.linear.gather [hbm4b:s3+s17], $0x2800, $0x38;
	[tilespmem:$0x1BE80] =	vst v63  }
0x29: {  	_ =	swait.ge [sflag:s22], $0x2800  }
0x2a: {  	[sflag:s22] =	ssyncset.done $0x0  }
0x2b: {  	s14 =	simm.s32 $0x2800;
	s20 =	rddreg [dreg:$0x7];
	[sflag:s22] =	ssyncadd.s32 $0xFFFFD800  }
0x2c: {  	[tilespmem:s14], [sflag:$0xB] =	stream.linear.gather [hbm4b:s20+s17], $0x2800, $0x38;
	[tilespmem:$0x1BE80] =	vst v63  }
0x2d: {  	_ =	swait.ge [sflag:s22], $0x2800  }
0x2e: {  	[sflag:s22] =	ssyncset.done $0x0  }
0x2f: {  	s3 =	simm.s32 $0x0;
	s14 =	simm.s32 $0x100;
	[sflag:s22] =	ssyncadd.s32 $0xFFFFD800  }
.LBB2_2:
0x30: {  	p3 =	sne.s32 s14, $0xC700;
	[tilespmem:s3+$0xF030] =	vst v0;
	s18 =	smov.u32 s14;
	s14 =	sadd.s32 $0x100, s14  }
.Ltmp2:
0x31: {  	[tilespmem:s3+$0xF020] =	vst v0;
	(pc) =	sbr.rel @p3 .LBB2_2-.Ltmp2, $3  }
0x32: {  	[tilespmem:s3+$0xF000] =	vst v0  }
0x33: {  	[tilespmem:s3+$0xF010] =	vst v0;
	_ =	sdelay $0x1  }
0x34: {  	s3 =	sshra.s32 s18, $0x2  }
.Ltmp3:
0x35: {  	[tilespmem:s3+$0xF030] =	vst v0;
	(pc) =	sbr.rel @!p0 .LBB2_4-.Ltmp3, $4  }
0x36: {  	[tilespmem:s3+$0xF020] =	vst v0  }
0x37: {  	[tilespmem:s3+$0xF000] =	vst v0;
	s14 =	stileid.u32  }
0x38: {  	[tilespmem:s3+$0xF010] =	vst v0;
	s3 =	rddreg [dreg:$0x9];
	s14 =	sshll.u32 @!p1 s14, $0x6  }
0x39: {  	s3 =	sshrl.u32 @!p1 s3, $0x3;
	s14 =	sor.u32 @!p1 $0x1C0B, s14  }
0x3a: {  	[tilespmem:s25], [sflag:$0x1] =	stream.indirect.gather [hbm4b:s6+s24], $0x40, s17, s24, $0xb8;
	[tilespmem:$0x1BE80] =	vst v63  }
0x3b: {  	_ = 	snop  }
0x3c: {  	[tilespmem:s26], [sflag:$0x2] =	stream.indirect.gather [hbm4b:s6+s24], $0x40, s24, s24, $0xb8;
	[tilespmem:$0x1BE80] =	vst v63  }
0x3d: {  	s19 =	simm.s32 $0x100  }
0x3e: {  	[tilespmem:s29], [sflag:$0x3] =	stream.indirect.gather [hbm4b:s6+s24], $0x40, s19, s24, $0xb8;
	[tilespmem:$0x1BE80] =	vst v63  }
0x3f: {  	s20 =	simm.s32 $0x180  }
0x40: {  	[tilespmem:s31], [sflag:$0x4] =	stream.indirect.gather [hbm4b:s6+s24], $0x40, s20, s24, $0xb8;
	[tilespmem:$0x1BE80] =	vst v63  }
0x41: {  	s17 =	simm.s32 @!p1 $0xF000;
	s18 =	simm.s32 @!p1 $0xB  }
0x42: {  	[spmem:s21] =	stream.linear.scatter @!p1 [tilespmem:s17], [sflag:$0xB], $0x3200, $0x38;
	[tilespmem:$0x1BE80] =	vst v63  }
0x43: {  	_ =	swait.ge @!p1 [sflag:s18], $0x3200  }
0x44: {  	[sflag:s18] =	ssyncset.done @!p1 $0x0  }
0x45: {  	[sflag:s18] =	ssyncadd.s32 @!p1 $0xFFFFCE00  }
0x46: {  	[spmem:s23] =	stream.linear.scatter @!p1 [tilespmem:s17], [sflag:$0xB], $0x3200, $0x38;
	[tilespmem:$0x1BE80] =	vst v63  }
0x47: {  	_ =	swait.ge @!p1 [sflag:s18], $0x3200  }
0x48: {  	[sflag:s18] =	ssyncset.done @!p1 $0x0  }
0x49: {  	s19 =	rddreg [dreg:$0xe];
	[sflag:s18] =	ssyncadd.s32 @!p1 $0xFFFFCE00  }
0x4a: {  	[spmem:s19] =	stream.linear.scatter @!p1 [tilespmem:s17], [sflag:$0xB], $0x3200, $0x38;
	[tilespmem:$0x1BE80] =	vst v63  }
0x4b: {  	_ =	swait.ge @!p1 [sflag:s18], $0x3200  }
0x4c: {  	[sflag:s18] =	ssyncset.done @!p1 $0x0  }
0x4d: {  	s19 =	rddreg [dreg:$0xf];
	[sflag:s18] =	ssyncadd.s32 @!p1 $0xFFFFCE00  }
0x4e: {  	[spmem:s19] =	stream.linear.scatter @!p1 [tilespmem:s17], [sflag:$0xB], $0x3200, $0x38;
	[tilespmem:$0x1BE80] =	vst v63  }
0x4f: {  	_ =	swait.ge @!p1 [sflag:s18], $0x3200  }
0x50: {  	[sflag:s18] =	ssyncset.done @!p1 $0x0  }
0x51: {  	s19 =	rddreg [dreg:$0x10];
	[sflag:s18] =	ssyncadd.s32 @!p1 $0xFFFFCE00  }
0x52: {  	[spmem:s19] =	stream.linear.scatter @!p1 [tilespmem:s17], [sflag:$0xB], $0x3200, $0x38;
	[tilespmem:$0x1BE80] =	vst v63  }
0x53: {  	_ =	swait.ge @!p1 [sflag:s18], $0x3200  }
0x54: {  	[sflag:s18] =	ssyncset.done @!p1 $0x0  }
0x55: {  	[sflag:s18] =	ssyncadd.s32 @!p1 $0xFFFFCE00  }
0x56: {  	[bflag:$0x0] =	sbarrier.arrive $0xFFFF  }
0x57: {  	_ =	swait.ge [sflag:s0], $0x2000  }
0x58: {  	[sflag:s0] =	ssyncset.done $0x0  }
0x59: {  	s18 =	simm.s32 $0x2800;
	[sflag:s0] =	ssyncadd.s32 $0xFFFFE000  }
0x5a: {  	[spmem:s2] =	stream.indirect.scatter.add.bf16 [tilespmem:s25], [sflag:$0x6], $0x40, s18, s24, $0xb8;
	[tilespmem:$0x1BE80] =	vst v63  }
0x5b: {  	s19 =	simm.s32 $0x200  }
0x5c: {  	[tilespmem:s30], [sflag:$0x5] =	stream.indirect.gather [hbm4b:s6+s24], $0x40, s19, s24, $0xb8;
	[tilespmem:$0x1BE80] =	vst v63  }
0x5d: {  	_ =	swait.ge [sflag:s8], $0x2000  }
0x5e: {  	[sflag:s8] =	ssyncset.done $0x0  }
0x5f: {  	s20 =	simm.s32 $0x2880;
	[sflag:s8] =	ssyncadd.s32 $0xFFFFE000  }
0x60: {  	[spmem:s2] =	stream.indirect.scatter.add.bf16 [tilespmem:s26], [sflag:$0x7], $0x40, s20, s24, $0xb8;
	[tilespmem:$0x1BE80] =	vst v63  }
0x61: {  	_ =	swait.ge [sflag:s10], $0x2000  }
0x62: {  	[sflag:s10] =	ssyncset.done $0x0  }
0x63: {  	s21 =	simm.s32 $0x280;
	[sflag:s10] =	ssyncadd.s32 $0xFFFFE000  }
0x64: {  	[tilespmem:s25], [sflag:$0x1] =	stream.indirect.gather [hbm4b:s6+s24], $0x40, s21, s24, $0xb8;
	[tilespmem:$0x1BE80] =	vst v63  }
0x65: {  	_ =	swait.ge [sflag:s9], $0x2000  }
0x66: {  	[sflag:s9] =	ssyncset.done $0x0  }
0x67: {  	s23 =	simm.s32 $0x2900;
	[sflag:s9] =	ssyncadd.s32 $0xFFFFE000  }
0x68: {  	[spmem:s2] =	stream.indirect.scatter.add.bf16 [tilespmem:s29], [sflag:$0x8], $0x40, s23, s24, $0xb8;
	[tilespmem:$0x1BE80] =	vst v63  }
0x69: {  	_ =	swait.ge [sflag:s11], $0x2000  }
0x6a: {  	[sflag:s11] =	ssyncset.done $0x0  }
0x6b: {  	s18 =	simm.s32 $0x300;
	[sflag:s11] =	ssyncadd.s32 $0xFFFFE000  }
0x6c: {  	[tilespmem:s26], [sflag:$0x2] =	stream.indirect.gather [hbm4b:s6+s24], $0x40, s18, s24, $0xb8;
	[tilespmem:$0x1BE80] =	vst v63  }
0x6d: {  	_ =	swait.ge [sflag:s16], $0x2000  }
0x6e: {  	[sflag:s16] =	ssyncset.done $0x0  }
0x6f: {  	s19 =	simm.s32 $0x2980;
	[sflag:s16] =	ssyncadd.s32 $0xFFFFE000  }
0x70: {  	[spmem:s2] =	stream.indirect.scatter.add.bf16 [tilespmem:s31], [sflag:$0x9], $0x40, s19, s24, $0xb8;
	[tilespmem:$0x1BE80] =	vst v63  }
0x71: {  	_ =	swait.ge [sflag:s13], $0x2000  }
0x72: {  	[sflag:s13] =	ssyncset.done $0x0  }
0x73: {  	s20 =	simm.s32 $0x380;
	[sflag:s13] =	ssyncadd.s32 $0xFFFFE000  }
0x74: {  	[tilespmem:s29], [sflag:$0x3] =	stream.indirect.gather [hbm4b:s6+s24], $0x40, s20, s24, $0xb8;
	[tilespmem:$0x1BE80] =	vst v63  }
0x75: {  	_ =	swait.ge [sflag:s1], $0x2000  }
0x76: {  	[sflag:s1] =	ssyncset.done $0x0  }
0x77: {  	s21 =	simm.s32 $0x2A00;
	[sflag:s1] =	ssyncadd.s32 $0xFFFFE000  }
0x78: {  	[spmem:s2] =	stream.indirect.scatter.add.bf16 [tilespmem:s30], [sflag:$0xA], $0x40, s21, s24, $0xb8;
	[tilespmem:$0x1BE80] =	vst v63  }
0x79: {  	_ =	swait.ge [sflag:s28], $0x2000  }
0x7a: {  	[sflag:s28] =	ssyncset.done $0x0  }
0x7b: {  	s23 =	simm.s32 $0x400;
	[sflag:s28] =	ssyncadd.s32 $0xFFFFE000  }
0x7c: {  	[tilespmem:s31], [sflag:$0x4] =	stream.indirect.gather [hbm4b:s6+s24], $0x40, s23, s24, $0xb8;
	[tilespmem:$0x1BE80] =	vst v63  }
0x7d: {  	s23 =	simm.s32 $0x0  }
.LBB2_12:
0x7e: {  	_ =	swait.ge [sflag:s0], $0x2000  }
0x7f: {  	s18 =	sshra.s32 s23, $0x2;
	[sflag:s0] =	ssyncset.done $0x0  }
0x80: {  	s17 =	sadd.s32 $0x2A80, s18;
	[sflag:s0] =	ssyncadd.s32 $0xFFFFE000  }
0x81: {  	[spmem:s2] =	stream.indirect.scatter.add.bf16 [tilespmem:s25], [sflag:$0x6], $0x40, s17, s24, $0xb8;
	[tilespmem:$0x1BE80] =	vst v63  }
0x82: {  	_ =	swait.ge [sflag:s12], $0x2000  }
0x83: {  	[sflag:s12] =	ssyncset.done $0x0  }
0x84: {  	s19 =	sadd.s32 $0x480, s18;
	[sflag:s12] =	ssyncadd.s32 $0xFFFFE000  }
0x85: {  	[tilespmem:s30], [sflag:$0x5] =	stream.indirect.gather [hbm4b:s6+s24], $0x40, s19, s24, $0xb8;
	[tilespmem:$0x1BE80] =	vst v63  }
0x86: {  	_ =	swait.ge [sflag:s8], $0x2000  }
0x87: {  	p3 =	seq.s32 s23, $0x8C00;
	[sflag:s8] =	ssyncset.done $0x0  }
0x88: {  	s20 =	sadd.s32 $0x2B00, s18;
	s17 =	simm.s32 @p3 $0x3;
	[sflag:s8] =	ssyncadd.s32 $0xFFFFE000  }
0x89: {  	[spmem:s2] =	stream.indirect.scatter.add.bf16 [tilespmem:s26], [sflag:$0x7], $0x40, s20, s24, $0xb8;
	[tilespmem:$0x1BE80] =	vst v63  }
0x8a: {  	_ =	swait.ge @p3 [sflag:s17], $0x2000  }
0x8b: {  	[sflag:s17] =	ssyncset.done @p3 $0x0  }
0x8c: {  	[sflag:s17] =	ssyncadd.s32 @p3 $0xFFFFE000;
	s17 =	sshra.s32 @p3 s23, $0x2  }
0x8d: {  	s19 =	simm.s32 @p3 $0x80;
	s20 =	simm.s32 @p3 $0x9000;
	s17 =	sadd.s32 @p3 $0x2B80, s17  }
0x8e: {  	[spmem:s2] =	stream.indirect.scatter.add.bf16 @p3 [tilespmem:s20], [sflag:$0x8], $0x40, s17, s19, $0xb8;
	[tilespmem:$0x1BE80] =	vst v63  }
0x8f: {  	s17 =	simm.s32 @!p3 $0x6  }
0x90: {  	_ =	swait.ge @!p3 [sflag:s17], $0x2000  }
0x91: {  	[sflag:s17] =	ssyncset.done @!p3 $0x0  }
0x92: {  	[sflag:s17] =	ssyncadd.s32 @!p3 $0xFFFFE000;
	s17 =	sshra.s32 @!p3 s23, $0x2  }
0x93: {  	s21 =	simm.s32 @!p3 $0x5000;
	s20 =	simm.s32 @!p3 $0x80;
	s19 =	sadd.s32 @!p3 $0x500, s17  }
0x94: {  	[tilespmem:s21], [sflag:$0x1] =	stream.indirect.gather @!p3 [hbm4b:s6+s20], $0x40, s19, s20, $0xb8;
	[tilespmem:$0x1BE80] =	vst v63  }
0x95: {  	s19 =	simm.s32 @!p3 $0x3  }
0x96: {  	_ =	swait.ge @!p3 [sflag:s19], $0x2000  }
0x97: {  	[sflag:s19] =	ssyncset.done @!p3 $0x0  }
0x98: {  	s21 =	simm.s32 @!p3 $0x9000;
	[sflag:s19] =	ssyncadd.s32 @!p3 $0xFFFFE000;
	s19 =	sadd.s32 @!p3 $0x2B80, s17  }
0x99: {  	[spmem:s2] =	stream.indirect.scatter.add.bf16 @!p3 [tilespmem:s21], [sflag:$0x8], $0x40, s19, s20, $0xb8;
	[tilespmem:$0x1BE80] =	vst v63  }
0x9a: {  	s19 =	simm.s32 @!p3 $0x7  }
0x9b: {  	_ =	swait.ge @!p3 [sflag:s19], $0x2000  }
0x9c: {  	[sflag:s19] =	ssyncset.done @!p3 $0x0  }
0x9d: {  	s17 =	sadd.s32 @!p3 $0x580, s17;
	[sflag:s19] =	ssyncadd.s32 @!p3 $0xFFFFE000;
	s19 =	simm.s32 @!p3 $0x7000  }
0x9e: {  	[tilespmem:s19], [sflag:$0x2] =	stream.indirect.gather @!p3 [hbm4b:s6+s20], $0x40, s17, s20, $0xb8;
	[tilespmem:$0x1BE80] =	vst v63  }
.Ltmp4:
0x9f: {  	_ = 	snop;
	(pc) =	sbr.rel @p3 .LBB2_14-.Ltmp4, $4  }
0xa0: {  	_ =	swait.ge [sflag:s16], $0x2000  }
0xa1: {  	[sflag:s16] =	ssyncset.done $0x0  }
0xa2: {  	s21 =	sadd.s32 $0x2C00, s18;
	s19 =	sadd.s32 $0x2C80, s18;
	[sflag:s16] =	ssyncadd.s32 $0xFFFFE000  }
0xa3: {  	[spmem:s2] =	stream.indirect.scatter.add.bf16 [tilespmem:s31], [sflag:$0x9], $0x40, s21, s24, $0xb8;
	[tilespmem:$0x1BE80] =	vst v63  }
0xa4: {  	_ =	swait.ge [sflag:s13], $0x2000  }
0xa5: {  	[sflag:s13] =	ssyncset.done $0x0  }
0xa6: {  	s17 =	sadd.s32 $0x600, s18;
	[sflag:s13] =	ssyncadd.s32 $0xFFFFE000  }
0xa7: {  	[tilespmem:s29], [sflag:$0x3] =	stream.indirect.gather [hbm4b:s6+s24], $0x40, s17, s24, $0xb8;
	[tilespmem:$0x1BE80] =	vst v63  }
0xa8: {  	_ =	swait.ge [sflag:s1], $0x2000  }
0xa9: {  	[sflag:s1] =	ssyncset.done $0x0  }
0xaa: {  	[sflag:s1] =	ssyncadd.s32 $0xFFFFE000  }
0xab: {  	[spmem:s2] =	stream.indirect.scatter.add.bf16 [tilespmem:s30], [sflag:$0xA], $0x40, s19, s24, $0xb8;
	[tilespmem:$0x1BE80] =	vst v63  }
.Ltmp5:
0xac: {  	_ = 	snop;
	(pc) =	sbr.rel .LBB2_12-.Ltmp5, $4  }
0xad: {  	_ =	swait.ge [sflag:s28], $0x2000  }
0xae: {  	[sflag:s28] =	ssyncset.done $0x0  }
0xaf: {  	s21 =	sadd.s32 $0x680, s18;
	s23 =	sadd.s32 $0xA00, s23;
	[sflag:s28] =	ssyncadd.s32 $0xFFFFE000  }
0xb0: {  	[tilespmem:s31], [sflag:$0x4] =	stream.indirect.gather [hbm4b:s6+s24], $0x40, s21, s24, $0xb8;
	[tilespmem:$0x1BE80] =	vst v63  }
.LBB2_4:
0xb1: {  	[tilespmem:s25], [sflag:$0x1] =	stream.indirect.gather [hbm4b:s4+s24], $0x40, s17, s24, $0xb8;
	[tilespmem:$0x1BE80] =	vst v63  }
0xb2: {  	_ = 	snop  }
0xb3: {  	[tilespmem:s26], [sflag:$0x2] =	stream.indirect.gather [hbm4b:s4+s24], $0x40, s24, s24, $0xb8;
	[tilespmem:$0x1BE80] =	vst v63  }
0xb4: {  	s19 =	simm.s32 $0x100  }
0xb5: {  	[tilespmem:s29], [sflag:$0x3] =	stream.indirect.gather [hbm4b:s4+s24], $0x40, s19, s24, $0xb8;
	[tilespmem:$0x1BE80] =	vst v63  }
0xb6: {  	s20 =	simm.s32 $0x180  }
0xb7: {  	[tilespmem:s31], [sflag:$0x4] =	stream.indirect.gather [hbm4b:s4+s24], $0x40, s20, s24, $0xb8;
	[tilespmem:$0x1BE80] =	vst v63  }
0xb8: {  	s18 =	simm.s32 @!p1 $0xF000;
	s19 =	simm.s32 @!p1 $0xB  }
0xb9: {  	[spmem:s21] =	stream.linear.scatter @!p1 [tilespmem:s18], [sflag:$0xB], $0x3200, $0x38;
	[tilespmem:$0x1BE80] =	vst v63  }
0xba: {  	_ =	swait.ge @!p1 [sflag:s19], $0x3200  }
0xbb: {  	[sflag:s19] =	ssyncset.done @!p1 $0x0  }
0xbc: {  	[sflag:s19] =	ssyncadd.s32 @!p1 $0xFFFFCE00  }
0xbd: {  	[spmem:s23] =	stream.linear.scatter @!p1 [tilespmem:s18], [sflag:$0xB], $0x3200, $0x38;
	[tilespmem:$0x1BE80] =	vst v63  }
0xbe: {  	_ =	swait.ge @!p1 [sflag:s19], $0x3200  }
0xbf: {  	[sflag:s19] =	ssyncset.done @!p1 $0x0  }
0xc0: {  	s17 =	rddreg [dreg:$0xe];
	[sflag:s19] =	ssyncadd.s32 @!p1 $0xFFFFCE00  }
0xc1: {  	[spmem:s17] =	stream.linear.scatter @!p1 [tilespmem:s18], [sflag:$0xB], $0x3200, $0x38;
	[tilespmem:$0x1BE80] =	vst v63  }
0xc2: {  	_ =	swait.ge @!p1 [sflag:s19], $0x3200  }
0xc3: {  	[sflag:s19] =	ssyncset.done @!p1 $0x0  }
0xc4: {  	s17 =	rddreg [dreg:$0xf];
	[sflag:s19] =	ssyncadd.s32 @!p1 $0xFFFFCE00  }
0xc5: {  	[spmem:s17] =	stream.linear.scatter @!p1 [tilespmem:s18], [sflag:$0xB], $0x3200, $0x38;
	[tilespmem:$0x1BE80] =	vst v63  }
0xc6: {  	_ =	swait.ge @!p1 [sflag:s19], $0x3200  }
0xc7: {  	[sflag:s19] =	ssyncset.done @!p1 $0x0  }
0xc8: {  	s17 =	rddreg [dreg:$0x10];
	[sflag:s19] =	ssyncadd.s32 @!p1 $0xFFFFCE00  }
0xc9: {  	[spmem:s17] =	stream.linear.scatter @!p1 [tilespmem:s18], [sflag:$0xB], $0x3200, $0x38;
	[tilespmem:$0x1BE80] =	vst v63  }
0xca: {  	_ =	swait.ge @!p1 [sflag:s19], $0x3200  }
0xcb: {  	[sflag:s19] =	ssyncset.done @!p1 $0x0  }
0xcc: {  	[sflag:s19] =	ssyncadd.s32 @!p1 $0xFFFFCE00  }
0xcd: {  	[bflag:$0x0] =	sbarrier.arrive $0xFFFF  }
0xce: {  	_ =	swait.ge [sflag:s0], $0x2000  }
0xcf: {  	[sflag:s0] =	ssyncset.done $0x0  }
0xd0: {  	s18 =	simm.s32 $0x2800;
	[sflag:s0] =	ssyncadd.s32 $0xFFFFE000  }
0xd1: {  	[spmem:s2] =	stream.indirect.scatter.add.bf16 [tilespmem:s25], [sflag:$0x6], $0x40, s18, s24, $0xb8;
	[tilespmem:$0x1BE80] =	vst v63  }
0xd2: {  	s19 =	simm.s32 $0x200  }
0xd3: {  	[tilespmem:s30], [sflag:$0x5] =	stream.indirect.gather [hbm4b:s4+s24], $0x40, s19, s24, $0xb8;
	[tilespmem:$0x1BE80] =	vst v63  }
0xd4: {  	_ =	swait.ge [sflag:s8], $0x2000  }
0xd5: {  	[sflag:s8] =	ssyncset.done $0x0  }
0xd6: {  	s20 =	simm.s32 $0x2880;
	[sflag:s8] =	ssyncadd.s32 $0xFFFFE000  }
0xd7: {  	[spmem:s2] =	stream.indirect.scatter.add.bf16 [tilespmem:s26], [sflag:$0x7], $0x40, s20, s24, $0xb8;
	[tilespmem:$0x1BE80] =	vst v63  }
0xd8: {  	_ =	swait.ge [sflag:s10], $0x2000  }
0xd9: {  	[sflag:s10] =	ssyncset.done $0x0  }
0xda: {  	s21 =	simm.s32 $0x280;
	[sflag:s10] =	ssyncadd.s32 $0xFFFFE000  }
0xdb: {  	[tilespmem:s25], [sflag:$0x1] =	stream.indirect.gather [hbm4b:s4+s24], $0x40, s21, s24, $0xb8;
	[tilespmem:$0x1BE80] =	vst v63  }
0xdc: {  	_ =	swait.ge [sflag:s9], $0x2000  }
0xdd: {  	[sflag:s9] =	ssyncset.done $0x0  }
0xde: {  	s23 =	simm.s32 $0x2900;
	[sflag:s9] =	ssyncadd.s32 $0xFFFFE000  }
0xdf: {  	[spmem:s2] =	stream.indirect.scatter.add.bf16 [tilespmem:s29], [sflag:$0x8], $0x40, s23, s24, $0xb8;
	[tilespmem:$0x1BE80] =	vst v63  }
0xe0: {  	_ =	swait.ge [sflag:s11], $0x2000  }
0xe1: {  	[sflag:s11] =	ssyncset.done $0x0  }
0xe2: {  	s18 =	simm.s32 $0x300;
	[sflag:s11] =	ssyncadd.s32 $0xFFFFE000  }
0xe3: {  	[tilespmem:s26], [sflag:$0x2] =	stream.indirect.gather [hbm4b:s4+s24], $0x40, s18, s24, $0xb8;
	[tilespmem:$0x1BE80] =	vst v63  }
0xe4: {  	_ =	swait.ge [sflag:s16], $0x2000  }
0xe5: {  	[sflag:s16] =	ssyncset.done $0x0  }
0xe6: {  	s19 =	simm.s32 $0x2980;
	[sflag:s16] =	ssyncadd.s32 $0xFFFFE000  }
0xe7: {  	[spmem:s2] =	stream.indirect.scatter.add.bf16 [tilespmem:s31], [sflag:$0x9], $0x40, s19, s24, $0xb8;
	[tilespmem:$0x1BE80] =	vst v63  }
0xe8: {  	_ =	swait.ge [sflag:s13], $0x2000  }
0xe9: {  	[sflag:s13] =	ssyncset.done $0x0  }
0xea: {  	s20 =	simm.s32 $0x380;
	[sflag:s13] =	ssyncadd.s32 $0xFFFFE000  }
0xeb: {  	[tilespmem:s29], [sflag:$0x3] =	stream.indirect.gather [hbm4b:s4+s24], $0x40, s20, s24, $0xb8;
	[tilespmem:$0x1BE80] =	vst v63  }
0xec: {  	_ =	swait.ge [sflag:s1], $0x2000  }
0xed: {  	[sflag:s1] =	ssyncset.done $0x0  }
0xee: {  	s21 =	simm.s32 $0x2A00;
	[sflag:s1] =	ssyncadd.s32 $0xFFFFE000  }
0xef: {  	[spmem:s2] =	stream.indirect.scatter.add.bf16 [tilespmem:s30], [sflag:$0xA], $0x40, s21, s24, $0xb8;
	[tilespmem:$0x1BE80] =	vst v63  }
0xf0: {  	_ =	swait.ge [sflag:s28], $0x2000  }
0xf1: {  	[sflag:s28] =	ssyncset.done $0x0  }
0xf2: {  	s23 =	simm.s32 $0x400;
	[sflag:s28] =	ssyncadd.s32 $0xFFFFE000  }
0xf3: {  	[tilespmem:s31], [sflag:$0x4] =	stream.indirect.gather [hbm4b:s4+s24], $0x40, s23, s24, $0xb8;
	[tilespmem:$0x1BE80] =	vst v63  }
0xf4: {  	s23 =	simm.s32 $0x0  }
.LBB2_5:
0xf5: {  	_ =	swait.ge [sflag:s0], $0x2000  }
0xf6: {  	s18 =	sshra.s32 s23, $0x2;
	[sflag:s0] =	ssyncset.done $0x0  }
0xf7: {  	s19 =	sadd.s32 $0x2A80, s18;
	[sflag:s0] =	ssyncadd.s32 $0xFFFFE000  }
0xf8: {  	[spmem:s2] =	stream.indirect.scatter.add.bf16 [tilespmem:s25], [sflag:$0x6], $0x40, s19, s24, $0xb8;
	[tilespmem:$0x1BE80] =	vst v63  }
0xf9: {  	_ =	swait.ge [sflag:s12], $0x2000  }
0xfa: {  	[sflag:s12] =	ssyncset.done $0x0  }
0xfb: {  	s17 =	sadd.s32 $0x480, s18;
	[sflag:s12] =	ssyncadd.s32 $0xFFFFE000  }
0xfc: {  	[tilespmem:s30], [sflag:$0x5] =	stream.indirect.gather [hbm4b:s4+s24], $0x40, s17, s24, $0xb8;
	[tilespmem:$0x1BE80] =	vst v63  }
0xfd: {  	_ =	swait.ge [sflag:s8], $0x2000  }
0xfe: {  	p3 =	seq.s32 s23, $0x8C00;
	[sflag:s8] =	ssyncset.done $0x0  }
0xff: {  	s20 =	sadd.s32 $0x2B00, s18;
	s19 =	simm.s32 @p3 $0x3;
	[sflag:s8] =	ssyncadd.s32 $0xFFFFE000  }
0x100: {  	[spmem:s2] =	stream.indirect.scatter.add.bf16 [tilespmem:s26], [sflag:$0x7], $0x40, s20, s24, $0xb8;
	[tilespmem:$0x1BE80] =	vst v63  }
0x101: {  	_ =	swait.ge @p3 [sflag:s19], $0x2000  }
0x102: {  	[sflag:s19] =	ssyncset.done @p3 $0x0  }
0x103: {  	[sflag:s19] =	ssyncadd.s32 @p3 $0xFFFFE000;
	s19 =	sshra.s32 @p3 s23, $0x2  }
0x104: {  	s21 =	simm.s32 @p3 $0x9000;
	s20 =	simm.s32 @p3 $0x80;
	s19 =	sadd.s32 @p3 $0x2B80, s19  }
0x105: {  	[spmem:s2] =	stream.indirect.scatter.add.bf16 @p3 [tilespmem:s21], [sflag:$0x8], $0x40, s19, s20, $0xb8;
	[tilespmem:$0x1BE80] =	vst v63  }
0x106: {  	s19 =	simm.s32 @!p3 $0x6  }
0x107: {  	_ =	swait.ge @!p3 [sflag:s19], $0x2000  }
0x108: {  	[sflag:s19] =	ssyncset.done @!p3 $0x0  }
0x109: {  	[sflag:s19] =	ssyncadd.s32 @!p3 $0xFFFFE000;
	s19 =	sshra.s32 @!p3 s23, $0x2  }
0x10a: {  	s17 =	simm.s32 @!p3 $0x5000;
	s21 =	simm.s32 @!p3 $0x80;
	s20 =	sadd.s32 @!p3 $0x500, s19  }
0x10b: {  	[tilespmem:s17], [sflag:$0x1] =	stream.indirect.gather @!p3 [hbm4b:s4+s21], $0x40, s20, s21, $0xb8;
	[tilespmem:$0x1BE80] =	vst v63  }
0x10c: {  	s17 =	simm.s32 @!p3 $0x3  }
0x10d: {  	_ =	swait.ge @!p3 [sflag:s17], $0x2000  }
0x10e: {  	[sflag:s17] =	ssyncset.done @!p3 $0x0  }
0x10f: {  	s20 =	simm.s32 @!p3 $0x9000;
	[sflag:s17] =	ssyncadd.s32 @!p3 $0xFFFFE000;
	s17 =	sadd.s32 @!p3 $0x2B80, s19  }
0x110: {  	[spmem:s2] =	stream.indirect.scatter.add.bf16 @!p3 [tilespmem:s20], [sflag:$0x8], $0x40, s17, s21, $0xb8;
	[tilespmem:$0x1BE80] =	vst v63  }
0x111: {  	s17 =	simm.s32 @!p3 $0x7  }
0x112: {  	_ =	swait.ge @!p3 [sflag:s17], $0x2000  }
0x113: {  	[sflag:s17] =	ssyncset.done @!p3 $0x0  }
0x114: {  	[sflag:s17] =	ssyncadd.s32 @!p3 $0xFFFFE000;
	s17 =	sadd.s32 @!p3 $0x580, s19;
	s19 =	simm.s32 @!p3 $0x7000  }
0x115: {  	[tilespmem:s19], [sflag:$0x2] =	stream.indirect.gather @!p3 [hbm4b:s4+s21], $0x40, s17, s21, $0xb8;
	[tilespmem:$0x1BE80] =	vst v63  }
.Ltmp6:
0x116: {  	_ = 	snop;
	(pc) =	sbr.rel @p3 .LBB2_7-.Ltmp6, $4  }
0x117: {  	_ =	swait.ge [sflag:s16], $0x2000  }
0x118: {  	[sflag:s16] =	ssyncset.done $0x0  }
0x119: {  	s21 =	sadd.s32 $0x2C00, s18;
	s19 =	sadd.s32 $0x2C80, s18;
	[sflag:s16] =	ssyncadd.s32 $0xFFFFE000  }
0x11a: {  	[spmem:s2] =	stream.indirect.scatter.add.bf16 [tilespmem:s31], [sflag:$0x9], $0x40, s21, s24, $0xb8;
	[tilespmem:$0x1BE80] =	vst v63  }
0x11b: {  	_ =	swait.ge [sflag:s13], $0x2000  }
0x11c: {  	[sflag:s13] =	ssyncset.done $0x0  }
0x11d: {  	s17 =	sadd.s32 $0x600, s18;
	[sflag:s13] =	ssyncadd.s32 $0xFFFFE000  }
0x11e: {  	[tilespmem:s29], [sflag:$0x3] =	stream.indirect.gather [hbm4b:s4+s24], $0x40, s17, s24, $0xb8;
	[tilespmem:$0x1BE80] =	vst v63  }
0x11f: {  	_ =	swait.ge [sflag:s1], $0x2000  }
0x120: {  	[sflag:s1] =	ssyncset.done $0x0  }
0x121: {  	[sflag:s1] =	ssyncadd.s32 $0xFFFFE000  }
0x122: {  	[spmem:s2] =	stream.indirect.scatter.add.bf16 [tilespmem:s30], [sflag:$0xA], $0x40, s19, s24, $0xb8;
	[tilespmem:$0x1BE80] =	vst v63  }
.Ltmp7:
0x123: {  	_ = 	snop;
	(pc) =	sbr.rel .LBB2_5-.Ltmp7, $4  }
0x124: {  	_ =	swait.ge [sflag:s28], $0x2000  }
0x125: {  	[sflag:s28] =	ssyncset.done $0x0  }
0x126: {  	s21 =	sadd.s32 $0x680, s18;
	s23 =	sadd.s32 $0xA00, s23;
	[sflag:s28] =	ssyncadd.s32 $0xFFFFE000  }
0x127: {  	[tilespmem:s31], [sflag:$0x4] =	stream.indirect.gather [hbm4b:s4+s24], $0x40, s21, s24, $0xb8;
	[tilespmem:$0x1BE80] =	vst v63  }
.LBB2_14:
0x128: {  	_ =	swait.ge [sflag:s1], $0x2000  }
0x129: {  	[sflag:s1] =	ssyncset.done $0x0  }
0x12a: {  	[sflag:s1] =	ssyncadd.s32 $0xFFFFE000  }
0x12b: {  	[spmem:s2] =	stream.indirect.scatter.add.bf16 [tilespmem:s30], [sflag:$0xA], $0x40, s19, s24, $0xb8;
	[tilespmem:$0x1BE80] =	vst v63  }
0x12c: {  	_ =	swait.ge [sflag:s10], $0x2000  }
0x12d: {  	[sflag:s10] =	ssyncset.done $0x0  }
0x12e: {  	[sflag:s10] =	ssyncadd.s32 $0xFFFFE000  }
0x12f: {  	_ =	swait.ge [sflag:s11], $0x2000  }
0x130: {  	[sflag:s11] =	ssyncset.done $0x0  }
0x131: {  	[sflag:s11] =	ssyncadd.s32 $0xFFFFE000  }
0x132: {  	_ =	swait.ge [sflag:s13], $0x2000  }
0x133: {  	[sflag:s13] =	ssyncset.done $0x0  }
0x134: {  	[sflag:s13] =	ssyncadd.s32 $0xFFFFE000  }
0x135: {  	_ =	swait.ge [sflag:s28], $0x2000  }
0x136: {  	[sflag:s28] =	ssyncset.done $0x0  }
0x137: {  	[sflag:s28] =	ssyncadd.s32 $0xFFFFE000  }
0x138: {  	_ =	swait.ge [sflag:s12], $0x2000  }
0x139: {  	[sflag:s12] =	ssyncset.done $0x0  }
0x13a: {  	[sflag:s12] =	ssyncadd.s32 $0xFFFFE000  }
0x13b: {  	s17 =	simm.s32 @p1 $0x80;
	[bflag:$0x0] =	sbarrier.arrive $0xFFFF  }
0x13c: {  	s18 =	simm.s32 @p1 $0x0;
	s19 =	simm.s32 @p1 $0x5000;
	[bflag:$0x0] =	sbarrier.arrive @p1 $0xFFFF  }
0x13d: {  	[tilespmem:s19], [sflag:$0x1] =	stream.indirect.gather @p1 [hbm4b:s7+s17], $0x40, s18, s17, $0xb8;
	[tilespmem:$0x1BE80] =	vst v63  }
0x13e: {  	s18 =	simm.s32 @p1 $0x7000  }
0x13f: {  	[tilespmem:s18], [sflag:$0x2] =	stream.indirect.gather @p1 [hbm4b:s7+s17], $0x40, s17, s17, $0xb8;
	[tilespmem:$0x1BE80] =	vst v63  }
0x140: {  	s19 =	simm.s32 @p1 $0x9000;
	s18 =	simm.s32 @p1 $0x100  }
0x141: {  	[tilespmem:s19], [sflag:$0x3] =	stream.indirect.gather @p1 [hbm4b:s7+s17], $0x40, s18, s17, $0xb8;
	[tilespmem:$0x1BE80] =	vst v63  }
0x142: {  	s18 =	simm.s32 @p1 $0x180;
	s19 =	simm.s32 @p1 $0xB000  }
0x143: {  	[tilespmem:s19], [sflag:$0x4] =	stream.indirect.gather @p1 [hbm4b:s7+s17], $0x40, s18, s17, $0xb8;
	[tilespmem:$0x1BE80] =	vst v63  }
0x144: {  	s17 =	rddreg [dreg:$0xa]  }
0x145: {  	[hbm:s17], [sflag:s14] =	dma.local @!p1 [spmem:s3], $0x1F40  }
0x146: {  	s3 =	simm.s32 @!p1 $0xB  }
0x147: {  	_ =	swait.ge @!p1 [sflag:s3], $0x1F40  }
0x148: {  	[sflag:s3] =	ssyncset.done @!p1 $0x0  }
0x149: {  	s18 =	simm.s32 @!p1 $0x5000;
	[sflag:s3] =	ssyncadd.s32 @!p1 $0xFFFFE0C0  }
0x14a: {  	s14 =	simm.s32 @!p1 $0x80;
	s17 =	simm.s32 @!p1 $0x0;
	[bflag:$0x0] =	sbarrier.arrive @!p1 $0xFFFF  }
0x14b: {  	[tilespmem:s18], [sflag:$0x1] =	stream.indirect.gather @!p1 [hbm4b:s7+s14], $0x40, s17, s14, $0xb8;
	[tilespmem:$0x1BE80] =	vst v63  }
0x14c: {  	s17 =	simm.s32 @!p1 $0x7000  }
0x14d: {  	[tilespmem:s17], [sflag:$0x2] =	stream.indirect.gather @!p1 [hbm4b:s7+s14], $0x40, s14, s14, $0xb8;
	[tilespmem:$0x1BE80] =	vst v63  }
0x14e: {  	s18 =	simm.s32 @!p1 $0x9000;
	s17 =	simm.s32 @!p1 $0x100  }
0x14f: {  	[tilespmem:s18], [sflag:$0x3] =	stream.indirect.gather @!p1 [hbm4b:s7+s14], $0x40, s17, s14, $0xb8;
	[tilespmem:$0x1BE80] =	vst v63  }
0x150: {  	s17 =	simm.s32 @!p1 $0x180;
	s18 =	simm.s32 @!p1 $0xB000  }
0x151: {  	[tilespmem:s18], [sflag:$0x4] =	stream.indirect.gather @!p1 [hbm4b:s7+s14], $0x40, s17, s14, $0xb8;
	[tilespmem:$0x1BE80] =	vst v63  }
0x152: {  	s21 =	rddreg [dreg:$0xc];
	s14 =	simm.s32 @!p1 $0xF000  }
0x153: {  	[spmem:s21] =	stream.linear.scatter @!p1 [tilespmem:s14], [sflag:$0xB], $0x3200, $0x38;
	[tilespmem:$0x1BE80] =	vst v63  }
0x154: {  	_ =	swait.ge @!p1 [sflag:s3], $0x3200  }
0x155: {  	[sflag:s3] =	ssyncset.done @!p1 $0x0  }
0x156: {  	s23 =	rddreg [dreg:$0xd];
	[sflag:s3] =	ssyncadd.s32 @!p1 $0xFFFFCE00  }
0x157: {  	[spmem:s23] =	stream.linear.scatter @!p1 [tilespmem:s14], [sflag:$0xB], $0x3200, $0x38;
	[tilespmem:$0x1BE80] =	vst v63  }
0x158: {  	_ =	swait.ge @!p1 [sflag:s3], $0x3200  }
0x159: {  	[sflag:s3] =	ssyncset.done @!p1 $0x0  }
0x15a: {  	s17 =	rddreg [dreg:$0xe];
	[sflag:s3] =	ssyncadd.s32 @!p1 $0xFFFFCE00  }
0x15b: {  	[spmem:s17] =	stream.linear.scatter @!p1 [tilespmem:s14], [sflag:$0xB], $0x3200, $0x38;
	[tilespmem:$0x1BE80] =	vst v63  }
0x15c: {  	_ =	swait.ge @!p1 [sflag:s3], $0x3200  }
0x15d: {  	[sflag:s3] =	ssyncset.done @!p1 $0x0  }
0x15e: {  	s17 =	rddreg [dreg:$0xf];
	[sflag:s3] =	ssyncadd.s32 @!p1 $0xFFFFCE00  }
0x15f: {  	[spmem:s17] =	stream.linear.scatter @!p1 [tilespmem:s14], [sflag:$0xB], $0x3200, $0x38;
	[tilespmem:$0x1BE80] =	vst v63  }
0x160: {  	_ =	swait.ge @!p1 [sflag:s3], $0x3200  }
0x161: {  	[sflag:s3] =	ssyncset.done @!p1 $0x0  }
0x162: {  	s17 =	rddreg [dreg:$0x10];
	[sflag:s3] =	ssyncadd.s32 @!p1 $0xFFFFCE00  }
0x163: {  	[spmem:s17] =	stream.linear.scatter @!p1 [tilespmem:s14], [sflag:$0xB], $0x3200, $0x38;
	[tilespmem:$0x1BE80] =	vst v63  }
0x164: {  	_ =	swait.ge @!p1 [sflag:s3], $0x3200  }
0x165: {  	[sflag:s3] =	ssyncset.done @!p1 $0x0  }
0x166: {  	[sflag:s3] =	ssyncadd.s32 @!p1 $0xFFFFCE00  }
0x167: {  	[bflag:$0x0] =	sbarrier.arrive $0xFFFF  }
0x168: {  	_ =	swait.ge [sflag:s0], $0x2000  }
0x169: {  	[sflag:s0] =	ssyncset.done $0x0  }
0x16a: {  	s14 =	simm.s32 $0x2800;
	[sflag:s0] =	ssyncadd.s32 $0xFFFFE000  }
0x16b: {  	[spmem:s2] =	stream.indirect.scatter.add.bf16 [tilespmem:s25], [sflag:$0x6], $0x40, s14, s24, $0xb8;
	[tilespmem:$0x1BE80] =	vst v63  }
0x16c: {  	s17 =	simm.s32 $0x200  }
0x16d: {  	[tilespmem:s30], [sflag:$0x5] =	stream.indirect.gather [hbm4b:s7+s24], $0x40, s17, s24, $0xb8;
	[tilespmem:$0x1BE80] =	vst v63  }
0x16e: {  	_ =	swait.ge [sflag:s8], $0x2000  }
0x16f: {  	[sflag:s8] =	ssyncset.done $0x0  }
0x170: {  	s18 =	simm.s32 $0x2880;
	[sflag:s8] =	ssyncadd.s32 $0xFFFFE000  }
0x171: {  	[spmem:s2] =	stream.indirect.scatter.add.bf16 [tilespmem:s26], [sflag:$0x7], $0x40, s18, s24, $0xb8;
	[tilespmem:$0x1BE80] =	vst v63  }
0x172: {  	_ =	swait.ge [sflag:s10], $0x2000  }
0x173: {  	[sflag:s10] =	ssyncset.done $0x0  }
0x174: {  	s19 =	simm.s32 $0x280;
	[sflag:s10] =	ssyncadd.s32 $0xFFFFE000  }
0x175: {  	[tilespmem:s25], [sflag:$0x1] =	stream.indirect.gather [hbm4b:s7+s24], $0x40, s19, s24, $0xb8;
	[tilespmem:$0x1BE80] =	vst v63  }
0x176: {  	_ =	swait.ge [sflag:s9], $0x2000  }
0x177: {  	[sflag:s9] =	ssyncset.done $0x0  }
0x178: {  	s20 =	simm.s32 $0x2900;
	[sflag:s9] =	ssyncadd.s32 $0xFFFFE000  }
0x179: {  	[spmem:s2] =	stream.indirect.scatter.add.bf16 [tilespmem:s29], [sflag:$0x8], $0x40, s20, s24, $0xb8;
	[tilespmem:$0x1BE80] =	vst v63  }
0x17a: {  	_ =	swait.ge [sflag:s11], $0x2000  }
0x17b: {  	[sflag:s11] =	ssyncset.done $0x0  }
0x17c: {  	s14 =	simm.s32 $0x300;
	[sflag:s11] =	ssyncadd.s32 $0xFFFFE000  }
0x17d: {  	[tilespmem:s26], [sflag:$0x2] =	stream.indirect.gather [hbm4b:s7+s24], $0x40, s14, s24, $0xb8;
	[tilespmem:$0x1BE80] =	vst v63  }
0x17e: {  	_ =	swait.ge [sflag:s16], $0x2000  }
0x17f: {  	[sflag:s16] =	ssyncset.done $0x0  }
0x180: {  	s17 =	simm.s32 $0x2980;
	[sflag:s16] =	ssyncadd.s32 $0xFFFFE000  }
0x181: {  	[spmem:s2] =	stream.indirect.scatter.add.bf16 [tilespmem:s31], [sflag:$0x9], $0x40, s17, s24, $0xb8;
	[tilespmem:$0x1BE80] =	vst v63  }
0x182: {  	_ =	swait.ge [sflag:s13], $0x2000  }
0x183: {  	[sflag:s13] =	ssyncset.done $0x0  }
0x184: {  	s18 =	simm.s32 $0x380;
	[sflag:s13] =	ssyncadd.s32 $0xFFFFE000  }
0x185: {  	[tilespmem:s29], [sflag:$0x3] =	stream.indirect.gather [hbm4b:s7+s24], $0x40, s18, s24, $0xb8;
	[tilespmem:$0x1BE80] =	vst v63  }
0x186: {  	_ =	swait.ge [sflag:s1], $0x2000  }
0x187: {  	[sflag:s1] =	ssyncset.done $0x0  }
0x188: {  	s19 =	simm.s32 $0x2A00;
	[sflag:s1] =	ssyncadd.s32 $0xFFFFE000  }
0x189: {  	[spmem:s2] =	stream.indirect.scatter.add.bf16 [tilespmem:s30], [sflag:$0xA], $0x40, s19, s24, $0xb8;
	[tilespmem:$0x1BE80] =	vst v63  }
0x18a: {  	_ =	swait.ge [sflag:s28], $0x2000  }
0x18b: {  	[sflag:s28] =	ssyncset.done $0x0  }
0x18c: {  	s3 =	simm.s32 $0x0;
	s20 =	simm.s32 $0x400;
	[sflag:s28] =	ssyncadd.s32 $0xFFFFE000  }
0x18d: {  	[tilespmem:s31], [sflag:$0x4] =	stream.indirect.gather [hbm4b:s7+s24], $0x40, s20, s24, $0xb8;
	[tilespmem:$0x1BE80] =	vst v63  }
.LBB2_15:
0x18e: {  	_ =	swait.ge [sflag:s0], $0x2000  }
0x18f: {  	s14 =	sshra.s32 s3, $0x2;
	[sflag:s0] =	ssyncset.done $0x0  }
0x190: {  	s17 =	sadd.s32 $0x2A80, s14;
	[sflag:s0] =	ssyncadd.s32 $0xFFFFE000  }
0x191: {  	[spmem:s2] =	stream.indirect.scatter.add.bf16 [tilespmem:s25], [sflag:$0x6], $0x40, s17, s24, $0xb8;
	[tilespmem:$0x1BE80] =	vst v63  }
0x192: {  	_ =	swait.ge [sflag:s12], $0x2000  }
0x193: {  	[sflag:s12] =	ssyncset.done $0x0  }
0x194: {  	s18 =	sadd.s32 $0x480, s14;
	[sflag:s12] =	ssyncadd.s32 $0xFFFFE000  }
0x195: {  	[tilespmem:s30], [sflag:$0x5] =	stream.indirect.gather [hbm4b:s7+s24], $0x40, s18, s24, $0xb8;
	[tilespmem:$0x1BE80] =	vst v63  }
0x196: {  	_ =	swait.ge [sflag:s8], $0x2000  }
0x197: {  	p3 =	seq.s32 s3, $0x8C00;
	[sflag:s8] =	ssyncset.done $0x0  }
0x198: {  	s19 =	sadd.s32 $0x2B00, s14;
	s17 =	simm.s32 @p3 $0x3;
	[sflag:s8] =	ssyncadd.s32 $0xFFFFE000  }
0x199: {  	[spmem:s2] =	stream.indirect.scatter.add.bf16 [tilespmem:s26], [sflag:$0x7], $0x40, s19, s24, $0xb8;
	[tilespmem:$0x1BE80] =	vst v63  }
0x19a: {  	_ =	swait.ge @p3 [sflag:s17], $0x2000  }
0x19b: {  	[sflag:s17] =	ssyncset.done @p3 $0x0  }
0x19c: {  	[sflag:s17] =	ssyncadd.s32 @p3 $0xFFFFE000;
	s17 =	sshra.s32 @p3 s3, $0x2  }
0x19d: {  	s18 =	simm.s32 @p3 $0x80;
	s19 =	simm.s32 @p3 $0x9000;
	s17 =	sadd.s32 @p3 $0x2B80, s17  }
0x19e: {  	[spmem:s2] =	stream.indirect.scatter.add.bf16 @p3 [tilespmem:s19], [sflag:$0x8], $0x40, s17, s18, $0xb8;
	[tilespmem:$0x1BE80] =	vst v63  }
0x19f: {  	s17 =	simm.s32 @!p3 $0x6  }
0x1a0: {  	_ =	swait.ge @!p3 [sflag:s17], $0x2000  }
0x1a1: {  	[sflag:s17] =	ssyncset.done @!p3 $0x0  }
0x1a2: {  	[sflag:s17] =	ssyncadd.s32 @!p3 $0xFFFFE000;
	s17 =	sshra.s32 @!p3 s3, $0x2  }
0x1a3: {  	s20 =	simm.s32 @!p3 $0x5000;
	s19 =	simm.s32 @!p3 $0x80;
	s18 =	sadd.s32 @!p3 $0x500, s17  }
0x1a4: {  	[tilespmem:s20], [sflag:$0x1] =	stream.indirect.gather @!p3 [hbm4b:s7+s19], $0x40, s18, s19, $0xb8;
	[tilespmem:$0x1BE80] =	vst v63  }
0x1a5: {  	s18 =	simm.s32 @!p3 $0x3  }
0x1a6: {  	_ =	swait.ge @!p3 [sflag:s18], $0x2000  }
0x1a7: {  	[sflag:s18] =	ssyncset.done @!p3 $0x0  }
0x1a8: {  	s20 =	simm.s32 @!p3 $0x9000;
	[sflag:s18] =	ssyncadd.s32 @!p3 $0xFFFFE000;
	s18 =	sadd.s32 @!p3 $0x2B80, s17  }
0x1a9: {  	[spmem:s2] =	stream.indirect.scatter.add.bf16 @!p3 [tilespmem:s20], [sflag:$0x8], $0x40, s18, s19, $0xb8;
	[tilespmem:$0x1BE80] =	vst v63  }
0x1aa: {  	s18 =	simm.s32 @!p3 $0x7  }
0x1ab: {  	_ =	swait.ge @!p3 [sflag:s18], $0x2000  }
0x1ac: {  	[sflag:s18] =	ssyncset.done @!p3 $0x0  }
0x1ad: {  	s17 =	sadd.s32 @!p3 $0x580, s17;
	[sflag:s18] =	ssyncadd.s32 @!p3 $0xFFFFE000;
	s18 =	simm.s32 @!p3 $0x7000  }
0x1ae: {  	[tilespmem:s18], [sflag:$0x2] =	stream.indirect.gather @!p3 [hbm4b:s7+s19], $0x40, s17, s19, $0xb8;
	[tilespmem:$0x1BE80] =	vst v63  }
.Ltmp8:
0x1af: {  	_ = 	snop;
	(pc) =	sbr.rel @p3 .LBB2_17-.Ltmp8, $4  }
0x1b0: {  	_ =	swait.ge [sflag:s16], $0x2000  }
0x1b1: {  	[sflag:s16] =	ssyncset.done $0x0  }
0x1b2: {  	s20 =	sadd.s32 $0x2C00, s14;
	s18 =	sadd.s32 $0x2C80, s14;
	[sflag:s16] =	ssyncadd.s32 $0xFFFFE000  }
0x1b3: {  	[spmem:s2] =	stream.indirect.scatter.add.bf16 [tilespmem:s31], [sflag:$0x9], $0x40, s20, s24, $0xb8;
	[tilespmem:$0x1BE80] =	vst v63  }
0x1b4: {  	_ =	swait.ge [sflag:s13], $0x2000  }
0x1b5: {  	[sflag:s13] =	ssyncset.done $0x0  }
0x1b6: {  	s17 =	sadd.s32 $0x600, s14;
	[sflag:s13] =	ssyncadd.s32 $0xFFFFE000  }
0x1b7: {  	[tilespmem:s29], [sflag:$0x3] =	stream.indirect.gather [hbm4b:s7+s24], $0x40, s17, s24, $0xb8;
	[tilespmem:$0x1BE80] =	vst v63  }
0x1b8: {  	_ =	swait.ge [sflag:s1], $0x2000  }
0x1b9: {  	[sflag:s1] =	ssyncset.done $0x0  }
0x1ba: {  	[sflag:s1] =	ssyncadd.s32 $0xFFFFE000  }
0x1bb: {  	[spmem:s2] =	stream.indirect.scatter.add.bf16 [tilespmem:s30], [sflag:$0xA], $0x40, s18, s24, $0xb8;
	[tilespmem:$0x1BE80] =	vst v63  }
.Ltmp9:
0x1bc: {  	_ = 	snop;
	(pc) =	sbr.rel .LBB2_15-.Ltmp9, $4  }
0x1bd: {  	_ =	swait.ge [sflag:s28], $0x2000  }
0x1be: {  	[sflag:s28] =	ssyncset.done $0x0  }
0x1bf: {  	s20 =	sadd.s32 $0x680, s14;
	s3 =	sadd.s32 $0xA00, s3;
	[sflag:s28] =	ssyncadd.s32 $0xFFFFE000  }
0x1c0: {  	[tilespmem:s31], [sflag:$0x4] =	stream.indirect.gather [hbm4b:s7+s24], $0x40, s20, s24, $0xb8;
	[tilespmem:$0x1BE80] =	vst v63  }
.LBB2_7:
0x1c1: {  	_ =	swait.ge [sflag:s1], $0x2000  }
0x1c2: {  	[sflag:s1] =	ssyncset.done $0x0  }
0x1c3: {  	[sflag:s1] =	ssyncadd.s32 $0xFFFFE000  }
0x1c4: {  	[spmem:s2] =	stream.indirect.scatter.add.bf16 [tilespmem:s30], [sflag:$0xA], $0x40, s19, s24, $0xb8;
	[tilespmem:$0x1BE80] =	vst v63  }
0x1c5: {  	_ =	swait.ge [sflag:s10], $0x2000  }
0x1c6: {  	[sflag:s10] =	ssyncset.done $0x0  }
0x1c7: {  	[sflag:s10] =	ssyncadd.s32 $0xFFFFE000  }
0x1c8: {  	_ =	swait.ge [sflag:s11], $0x2000  }
0x1c9: {  	[sflag:s11] =	ssyncset.done $0x0  }
0x1ca: {  	[sflag:s11] =	ssyncadd.s32 $0xFFFFE000  }
0x1cb: {  	_ =	swait.ge [sflag:s13], $0x2000  }
0x1cc: {  	[sflag:s13] =	ssyncset.done $0x0  }
0x1cd: {  	[sflag:s13] =	ssyncadd.s32 $0xFFFFE000  }
0x1ce: {  	_ =	swait.ge [sflag:s28], $0x2000  }
0x1cf: {  	[sflag:s28] =	ssyncset.done $0x0  }
0x1d0: {  	[sflag:s28] =	ssyncadd.s32 $0xFFFFE000  }
0x1d1: {  	_ =	swait.ge [sflag:s12], $0x2000  }
0x1d2: {  	[sflag:s12] =	ssyncset.done $0x0  }
0x1d3: {  	[sflag:s12] =	ssyncadd.s32 $0xFFFFE000  }
0x1d4: {  	s17 =	simm.s32 @p1 $0x80;
	[bflag:$0x0] =	sbarrier.arrive $0xFFFF  }
0x1d5: {  	s18 =	simm.s32 @p1 $0x0;
	s19 =	simm.s32 @p1 $0x5000;
	[bflag:$0x0] =	sbarrier.arrive @p1 $0xFFFF  }
0x1d6: {  	[tilespmem:s19], [sflag:$0x1] =	stream.indirect.gather @p1 [hbm4b:s5+s17], $0x40, s18, s17, $0xb8;
	[tilespmem:$0x1BE80] =	vst v63  }
0x1d7: {  	s18 =	simm.s32 @p1 $0x7000  }
0x1d8: {  	[tilespmem:s18], [sflag:$0x2] =	stream.indirect.gather @p1 [hbm4b:s5+s17], $0x40, s17, s17, $0xb8;
	[tilespmem:$0x1BE80] =	vst v63  }
0x1d9: {  	s19 =	simm.s32 @p1 $0x9000;
	s18 =	simm.s32 @p1 $0x100  }
0x1da: {  	[tilespmem:s19], [sflag:$0x3] =	stream.indirect.gather @p1 [hbm4b:s5+s17], $0x40, s18, s17, $0xb8;
	[tilespmem:$0x1BE80] =	vst v63  }
0x1db: {  	s18 =	simm.s32 @p1 $0x180;
	s19 =	simm.s32 @p1 $0xB000  }
0x1dc: {  	[tilespmem:s19], [sflag:$0x4] =	stream.indirect.gather @p1 [hbm4b:s5+s17], $0x40, s18, s17, $0xb8;
	[tilespmem:$0x1BE80] =	vst v63  }
0x1dd: {  	s17 =	rddreg [dreg:$0x8]  }
0x1de: {  	[hbm:s17], [sflag:s14] =	dma.local @!p1 [spmem:s3], $0x1F40  }
0x1df: {  	s3 =	simm.s32 @!p1 $0xB  }
0x1e0: {  	_ =	swait.ge @!p1 [sflag:s3], $0x1F40  }
0x1e1: {  	[sflag:s3] =	ssyncset.done @!p1 $0x0  }
0x1e2: {  	s18 =	simm.s32 @!p1 $0x5000;
	[sflag:s3] =	ssyncadd.s32 @!p1 $0xFFFFE0C0  }
0x1e3: {  	s14 =	simm.s32 @!p1 $0x80;
	s17 =	simm.s32 @!p1 $0x0;
	[bflag:$0x0] =	sbarrier.arrive @!p1 $0xFFFF  }
0x1e4: {  	[tilespmem:s18], [sflag:$0x1] =	stream.indirect.gather @!p1 [hbm4b:s5+s14], $0x40, s17, s14, $0xb8;
	[tilespmem:$0x1BE80] =	vst v63  }
0x1e5: {  	s17 =	simm.s32 @!p1 $0x7000  }
0x1e6: {  	[tilespmem:s17], [sflag:$0x2] =	stream.indirect.gather @!p1 [hbm4b:s5+s14], $0x40, s14, s14, $0xb8;
	[tilespmem:$0x1BE80] =	vst v63  }
0x1e7: {  	s18 =	simm.s32 @!p1 $0x9000;
	s17 =	simm.s32 @!p1 $0x100  }
0x1e8: {  	[tilespmem:s18], [sflag:$0x3] =	stream.indirect.gather @!p1 [hbm4b:s5+s14], $0x40, s17, s14, $0xb8;
	[tilespmem:$0x1BE80] =	vst v63  }
0x1e9: {  	s17 =	simm.s32 @!p1 $0x180;
	s18 =	simm.s32 @!p1 $0xB000  }
0x1ea: {  	[tilespmem:s18], [sflag:$0x4] =	stream.indirect.gather @!p1 [hbm4b:s5+s14], $0x40, s17, s14, $0xb8;
	[tilespmem:$0x1BE80] =	vst v63  }
0x1eb: {  	s21 =	rddreg [dreg:$0xc];
	s14 =	simm.s32 @!p1 $0xF000  }
0x1ec: {  	[spmem:s21] =	stream.linear.scatter @!p1 [tilespmem:s14], [sflag:$0xB], $0x3200, $0x38;
	[tilespmem:$0x1BE80] =	vst v63  }
0x1ed: {  	_ =	swait.ge @!p1 [sflag:s3], $0x3200  }
0x1ee: {  	[sflag:s3] =	ssyncset.done @!p1 $0x0  }
0x1ef: {  	s23 =	rddreg [dreg:$0xd];
	[sflag:s3] =	ssyncadd.s32 @!p1 $0xFFFFCE00  }
0x1f0: {  	[spmem:s23] =	stream.linear.scatter @!p1 [tilespmem:s14], [sflag:$0xB], $0x3200, $0x38;
	[tilespmem:$0x1BE80] =	vst v63  }
0x1f1: {  	_ =	swait.ge @!p1 [sflag:s3], $0x3200  }
0x1f2: {  	[sflag:s3] =	ssyncset.done @!p1 $0x0  }
0x1f3: {  	s17 =	rddreg [dreg:$0xe];
	[sflag:s3] =	ssyncadd.s32 @!p1 $0xFFFFCE00  }
0x1f4: {  	[spmem:s17] =	stream.linear.scatter @!p1 [tilespmem:s14], [sflag:$0xB], $0x3200, $0x38;
	[tilespmem:$0x1BE80] =	vst v63  }
0x1f5: {  	_ =	swait.ge @!p1 [sflag:s3], $0x3200  }
0x1f6: {  	[sflag:s3] =	ssyncset.done @!p1 $0x0  }
0x1f7: {  	s17 =	rddreg [dreg:$0xf];
	[sflag:s3] =	ssyncadd.s32 @!p1 $0xFFFFCE00  }
0x1f8: {  	[spmem:s17] =	stream.linear.scatter @!p1 [tilespmem:s14], [sflag:$0xB], $0x3200, $0x38;
	[tilespmem:$0x1BE80] =	vst v63  }
0x1f9: {  	_ =	swait.ge @!p1 [sflag:s3], $0x3200  }
0x1fa: {  	[sflag:s3] =	ssyncset.done @!p1 $0x0  }
0x1fb: {  	s17 =	rddreg [dreg:$0x10];
	[sflag:s3] =	ssyncadd.s32 @!p1 $0xFFFFCE00  }
0x1fc: {  	[spmem:s17] =	stream.linear.scatter @!p1 [tilespmem:s14], [sflag:$0xB], $0x3200, $0x38;
	[tilespmem:$0x1BE80] =	vst v63  }
0x1fd: {  	_ =	swait.ge @!p1 [sflag:s3], $0x3200  }
0x1fe: {  	[sflag:s3] =	ssyncset.done @!p1 $0x0  }
0x1ff: {  	[sflag:s3] =	ssyncadd.s32 @!p1 $0xFFFFCE00  }
0x200: {  	[bflag:$0x0] =	sbarrier.arrive $0xFFFF  }
0x201: {  	_ =	swait.ge [sflag:s0], $0x2000  }
0x202: {  	[sflag:s0] =	ssyncset.done $0x0  }
0x203: {  	s14 =	simm.s32 $0x2800;
	[sflag:s0] =	ssyncadd.s32 $0xFFFFE000  }
0x204: {  	[spmem:s2] =	stream.indirect.scatter.add.bf16 [tilespmem:s25], [sflag:$0x6], $0x40, s14, s24, $0xb8;
	[tilespmem:$0x1BE80] =	vst v63  }
0x205: {  	s17 =	simm.s32 $0x200  }
0x206: {  	[tilespmem:s30], [sflag:$0x5] =	stream.indirect.gather [hbm4b:s5+s24], $0x40, s17, s24, $0xb8;
	[tilespmem:$0x1BE80] =	vst v63  }
0x207: {  	_ =	swait.ge [sflag:s8], $0x2000  }
0x208: {  	[sflag:s8] =	ssyncset.done $0x0  }
0x209: {  	s18 =	simm.s32 $0x2880;
	[sflag:s8] =	ssyncadd.s32 $0xFFFFE000  }
0x20a: {  	[spmem:s2] =	stream.indirect.scatter.add.bf16 [tilespmem:s26], [sflag:$0x7], $0x40, s18, s24, $0xb8;
	[tilespmem:$0x1BE80] =	vst v63  }
0x20b: {  	_ =	swait.ge [sflag:s10], $0x2000  }
0x20c: {  	[sflag:s10] =	ssyncset.done $0x0  }
0x20d: {  	s19 =	simm.s32 $0x280;
	[sflag:s10] =	ssyncadd.s32 $0xFFFFE000  }
0x20e: {  	[tilespmem:s25], [sflag:$0x1] =	stream.indirect.gather [hbm4b:s5+s24], $0x40, s19, s24, $0xb8;
	[tilespmem:$0x1BE80] =	vst v63  }
0x20f: {  	_ =	swait.ge [sflag:s9], $0x2000  }
0x210: {  	[sflag:s9] =	ssyncset.done $0x0  }
0x211: {  	s20 =	simm.s32 $0x2900;
	[sflag:s9] =	ssyncadd.s32 $0xFFFFE000  }
0x212: {  	[spmem:s2] =	stream.indirect.scatter.add.bf16 [tilespmem:s29], [sflag:$0x8], $0x40, s20, s24, $0xb8;
	[tilespmem:$0x1BE80] =	vst v63  }
0x213: {  	_ =	swait.ge [sflag:s11], $0x2000  }
0x214: {  	[sflag:s11] =	ssyncset.done $0x0  }
0x215: {  	s14 =	simm.s32 $0x300;
	[sflag:s11] =	ssyncadd.s32 $0xFFFFE000  }
0x216: {  	[tilespmem:s26], [sflag:$0x2] =	stream.indirect.gather [hbm4b:s5+s24], $0x40, s14, s24, $0xb8;
	[tilespmem:$0x1BE80] =	vst v63  }
0x217: {  	_ =	swait.ge [sflag:s16], $0x2000  }
0x218: {  	[sflag:s16] =	ssyncset.done $0x0  }
0x219: {  	s17 =	simm.s32 $0x2980;
	[sflag:s16] =	ssyncadd.s32 $0xFFFFE000  }
0x21a: {  	[spmem:s2] =	stream.indirect.scatter.add.bf16 [tilespmem:s31], [sflag:$0x9], $0x40, s17, s24, $0xb8;
	[tilespmem:$0x1BE80] =	vst v63  }
0x21b: {  	_ =	swait.ge [sflag:s13], $0x2000  }
0x21c: {  	[sflag:s13] =	ssyncset.done $0x0  }
0x21d: {  	s18 =	simm.s32 $0x380;
	[sflag:s13] =	ssyncadd.s32 $0xFFFFE000  }
0x21e: {  	[tilespmem:s29], [sflag:$0x3] =	stream.indirect.gather [hbm4b:s5+s24], $0x40, s18, s24, $0xb8;
	[tilespmem:$0x1BE80] =	vst v63  }
0x21f: {  	_ =	swait.ge [sflag:s1], $0x2000  }
0x220: {  	[sflag:s1] =	ssyncset.done $0x0  }
0x221: {  	s19 =	simm.s32 $0x2A00;
	[sflag:s1] =	ssyncadd.s32 $0xFFFFE000  }
0x222: {  	[spmem:s2] =	stream.indirect.scatter.add.bf16 [tilespmem:s30], [sflag:$0xA], $0x40, s19, s24, $0xb8;
	[tilespmem:$0x1BE80] =	vst v63  }
0x223: {  	_ =	swait.ge [sflag:s28], $0x2000  }
0x224: {  	[sflag:s28] =	ssyncset.done $0x0  }
0x225: {  	s3 =	simm.s32 $0x0;
	s20 =	simm.s32 $0x400;
	[sflag:s28] =	ssyncadd.s32 $0xFFFFE000  }
0x226: {  	[tilespmem:s31], [sflag:$0x4] =	stream.indirect.gather [hbm4b:s5+s24], $0x40, s20, s24, $0xb8;
	[tilespmem:$0x1BE80] =	vst v63  }
.LBB2_8:
0x227: {  	_ =	swait.ge [sflag:s0], $0x2000  }
0x228: {  	s14 =	sshra.s32 s3, $0x2;
	[sflag:s0] =	ssyncset.done $0x0  }
0x229: {  	s17 =	sadd.s32 $0x2A80, s14;
	[sflag:s0] =	ssyncadd.s32 $0xFFFFE000  }
0x22a: {  	[spmem:s2] =	stream.indirect.scatter.add.bf16 [tilespmem:s25], [sflag:$0x6], $0x40, s17, s24, $0xb8;
	[tilespmem:$0x1BE80] =	vst v63  }
0x22b: {  	_ =	swait.ge [sflag:s12], $0x2000  }
0x22c: {  	[sflag:s12] =	ssyncset.done $0x0  }
0x22d: {  	s18 =	sadd.s32 $0x480, s14;
	[sflag:s12] =	ssyncadd.s32 $0xFFFFE000  }
0x22e: {  	[tilespmem:s30], [sflag:$0x5] =	stream.indirect.gather [hbm4b:s5+s24], $0x40, s18, s24, $0xb8;
	[tilespmem:$0x1BE80] =	vst v63  }
0x22f: {  	_ =	swait.ge [sflag:s8], $0x2000  }
0x230: {  	p3 =	seq.s32 s3, $0x8C00;
	[sflag:s8] =	ssyncset.done $0x0  }
0x231: {  	s19 =	sadd.s32 $0x2B00, s14;
	s17 =	simm.s32 @p3 $0x3;
	[sflag:s8] =	ssyncadd.s32 $0xFFFFE000  }
0x232: {  	[spmem:s2] =	stream.indirect.scatter.add.bf16 [tilespmem:s26], [sflag:$0x7], $0x40, s19, s24, $0xb8;
	[tilespmem:$0x1BE80] =	vst v63  }
0x233: {  	_ =	swait.ge @p3 [sflag:s17], $0x2000  }
0x234: {  	[sflag:s17] =	ssyncset.done @p3 $0x0  }
0x235: {  	[sflag:s17] =	ssyncadd.s32 @p3 $0xFFFFE000;
	s17 =	sshra.s32 @p3 s3, $0x2  }
0x236: {  	s18 =	simm.s32 @p3 $0x80;
	s19 =	simm.s32 @p3 $0x9000;
	s17 =	sadd.s32 @p3 $0x2B80, s17  }
0x237: {  	[spmem:s2] =	stream.indirect.scatter.add.bf16 @p3 [tilespmem:s19], [sflag:$0x8], $0x40, s17, s18, $0xb8;
	[tilespmem:$0x1BE80] =	vst v63  }
0x238: {  	s17 =	simm.s32 @!p3 $0x6  }
0x239: {  	_ =	swait.ge @!p3 [sflag:s17], $0x2000  }
0x23a: {  	[sflag:s17] =	ssyncset.done @!p3 $0x0  }
0x23b: {  	[sflag:s17] =	ssyncadd.s32 @!p3 $0xFFFFE000;
	s17 =	sshra.s32 @!p3 s3, $0x2  }
0x23c: {  	s20 =	simm.s32 @!p3 $0x5000;
	s19 =	simm.s32 @!p3 $0x80;
	s18 =	sadd.s32 @!p3 $0x500, s17  }
0x23d: {  	[tilespmem:s20], [sflag:$0x1] =	stream.indirect.gather @!p3 [hbm4b:s5+s19], $0x40, s18, s19, $0xb8;
	[tilespmem:$0x1BE80] =	vst v63  }
0x23e: {  	s18 =	simm.s32 @!p3 $0x3  }
0x23f: {  	_ =	swait.ge @!p3 [sflag:s18], $0x2000  }
0x240: {  	[sflag:s18] =	ssyncset.done @!p3 $0x0  }
0x241: {  	s20 =	simm.s32 @!p3 $0x9000;
	[sflag:s18] =	ssyncadd.s32 @!p3 $0xFFFFE000;
	s18 =	sadd.s32 @!p3 $0x2B80, s17  }
0x242: {  	[spmem:s2] =	stream.indirect.scatter.add.bf16 @!p3 [tilespmem:s20], [sflag:$0x8], $0x40, s18, s19, $0xb8;
	[tilespmem:$0x1BE80] =	vst v63  }
0x243: {  	s18 =	simm.s32 @!p3 $0x7  }
0x244: {  	_ =	swait.ge @!p3 [sflag:s18], $0x2000  }
0x245: {  	[sflag:s18] =	ssyncset.done @!p3 $0x0  }
0x246: {  	s17 =	sadd.s32 @!p3 $0x580, s17;
	[sflag:s18] =	ssyncadd.s32 @!p3 $0xFFFFE000;
	s18 =	simm.s32 @!p3 $0x7000  }
0x247: {  	[tilespmem:s18], [sflag:$0x2] =	stream.indirect.gather @!p3 [hbm4b:s5+s19], $0x40, s17, s19, $0xb8;
	[tilespmem:$0x1BE80] =	vst v63  }
.Ltmp10:
0x248: {  	_ = 	snop;
	(pc) =	sbr.rel @p3 .LBB2_10-.Ltmp10, $4  }
0x249: {  	_ =	swait.ge [sflag:s16], $0x2000  }
0x24a: {  	[sflag:s16] =	ssyncset.done $0x0  }
0x24b: {  	s20 =	sadd.s32 $0x2C00, s14;
	s18 =	sadd.s32 $0x2C80, s14;
	[sflag:s16] =	ssyncadd.s32 $0xFFFFE000  }
0x24c: {  	[spmem:s2] =	stream.indirect.scatter.add.bf16 [tilespmem:s31], [sflag:$0x9], $0x40, s20, s24, $0xb8;
	[tilespmem:$0x1BE80] =	vst v63  }
0x24d: {  	_ =	swait.ge [sflag:s13], $0x2000  }
0x24e: {  	[sflag:s13] =	ssyncset.done $0x0  }
0x24f: {  	s17 =	sadd.s32 $0x600, s14;
	[sflag:s13] =	ssyncadd.s32 $0xFFFFE000  }
0x250: {  	[tilespmem:s29], [sflag:$0x3] =	stream.indirect.gather [hbm4b:s5+s24], $0x40, s17, s24, $0xb8;
	[tilespmem:$0x1BE80] =	vst v63  }
0x251: {  	_ =	swait.ge [sflag:s1], $0x2000  }
0x252: {  	[sflag:s1] =	ssyncset.done $0x0  }
0x253: {  	[sflag:s1] =	ssyncadd.s32 $0xFFFFE000  }
0x254: {  	[spmem:s2] =	stream.indirect.scatter.add.bf16 [tilespmem:s30], [sflag:$0xA], $0x40, s18, s24, $0xb8;
	[tilespmem:$0x1BE80] =	vst v63  }
.Ltmp11:
0x255: {  	_ = 	snop;
	(pc) =	sbr.rel .LBB2_8-.Ltmp11, $4  }
0x256: {  	_ =	swait.ge [sflag:s28], $0x2000  }
0x257: {  	[sflag:s28] =	ssyncset.done $0x0  }
0x258: {  	s20 =	sadd.s32 $0x680, s14;
	s3 =	sadd.s32 $0xA00, s3;
	[sflag:s28] =	ssyncadd.s32 $0xFFFFE000  }
0x259: {  	[tilespmem:s31], [sflag:$0x4] =	stream.indirect.gather [hbm4b:s5+s24], $0x40, s20, s24, $0xb8;
	[tilespmem:$0x1BE80] =	vst v63  }
.LBB2_17:
0x25a: {  	_ =	swait.ge [sflag:s1], $0x2000  }
0x25b: {  	[sflag:s1] =	ssyncset.done $0x0  }
0x25c: {  	[sflag:s1] =	ssyncadd.s32 $0xFFFFE000  }
0x25d: {  	[spmem:s2] =	stream.indirect.scatter.add.bf16 [tilespmem:s30], [sflag:$0xA], $0x40, s18, s24, $0xb8;
	[tilespmem:$0x1BE80] =	vst v63  }
0x25e: {  	_ =	swait.ge [sflag:s10], $0x2000  }
0x25f: {  	[sflag:s10] =	ssyncset.done $0x0  }
0x260: {  	[sflag:s10] =	ssyncadd.s32 $0xFFFFE000  }
0x261: {  	_ =	swait.ge [sflag:s11], $0x2000  }
0x262: {  	[sflag:s11] =	ssyncset.done $0x0  }
0x263: {  	[sflag:s11] =	ssyncadd.s32 $0xFFFFE000  }
0x264: {  	_ =	swait.ge [sflag:s13], $0x2000  }
0x265: {  	[sflag:s13] =	ssyncset.done $0x0  }
0x266: {  	[sflag:s13] =	ssyncadd.s32 $0xFFFFE000  }
0x267: {  	_ =	swait.ge [sflag:s28], $0x2000  }
0x268: {  	[sflag:s28] =	ssyncset.done $0x0  }
0x269: {  	[sflag:s28] =	ssyncadd.s32 $0xFFFFE000  }
.Ltmp12:
0x26a: {  	_ =	swait.ge [sflag:s12], $0x2000;
	(pc) =	sbr.rel @p1 .LBB2_19-.Ltmp12, $4  }
.Ltmp13:
0x26b: {  	[sflag:s12] =	ssyncset.done $0x0;
	(pc) =	sbr.rel @!p1 .LBB2_18-.Ltmp13, $4  }
0x26c: {  	[sflag:s12] =	ssyncadd.s32 $0xFFFFE000  }
0x26d: {  	[bflag:$0x0] =	sbarrier.arrive $0xFFFF  }
0x26e: {  	s3 =	rddreg [dreg:$0x5]  }
0x26f: {  	_ = 	snop  }
.LBB2_10:
0x270: {  	_ =	swait.ge [sflag:s1], $0x2000  }
0x271: {  	[sflag:s1] =	ssyncset.done $0x0  }
0x272: {  	[sflag:s1] =	ssyncadd.s32 $0xFFFFE000  }
0x273: {  	[spmem:s2] =	stream.indirect.scatter.add.bf16 [tilespmem:s30], [sflag:$0xA], $0x40, s18, s24, $0xb8;
	[tilespmem:$0x1BE80] =	vst v63  }
0x274: {  	_ =	swait.ge [sflag:s10], $0x2000  }
0x275: {  	[sflag:s10] =	ssyncset.done $0x0  }
0x276: {  	[sflag:s10] =	ssyncadd.s32 $0xFFFFE000  }
0x277: {  	_ =	swait.ge [sflag:s11], $0x2000  }
0x278: {  	[sflag:s11] =	ssyncset.done $0x0  }
0x279: {  	[sflag:s11] =	ssyncadd.s32 $0xFFFFE000  }
0x27a: {  	_ =	swait.ge [sflag:s13], $0x2000  }
0x27b: {  	[sflag:s13] =	ssyncset.done $0x0  }
0x27c: {  	[sflag:s13] =	ssyncadd.s32 $0xFFFFE000  }
0x27d: {  	_ =	swait.ge [sflag:s28], $0x2000  }
0x27e: {  	[sflag:s28] =	ssyncset.done $0x0  }
0x27f: {  	[sflag:s28] =	ssyncadd.s32 $0xFFFFE000  }
.Ltmp14:
0x280: {  	_ =	swait.ge [sflag:s12], $0x2000;
	(pc) =	sbr.rel @p2 .LBB2_18-.Ltmp14, $4  }
.Ltmp15:
0x281: {  	[sflag:s12] =	ssyncset.done $0x0;
	(pc) =	sbr.rel @!p2 .LBB2_19-.Ltmp15, $4  }
0x282: {  	[sflag:s12] =	ssyncadd.s32 $0xFFFFE000  }
0x283: {  	[bflag:$0x0] =	sbarrier.arrive $0xFFFF  }
0x284: {  	s3 =	rddreg [dreg:$0x3]  }
0x285: {  	_ = 	snop  }
.LBB2_20:
0x286: {  	_ =	sfence.sel $0x180000  }
0x287: {  	[bflag:$0x0] =	sbarrier.arrive $0xFFFF  }
0x288: {  	_ =	strace $0x90000047  }
0x289: {  	s0 =	stileid.u32;
	[bflag:$0x2] =	sbarrier.arrive $0xFFFF  }
0x28a: {  	p0 =	sne.s32 s0, $0x0;
	s0 =	rddreg [dreg:$0x2]  }
0x28b: {  	s0 =	sadd.s32 @!p0 $0x100000, s0  }
0x28c: {  	[sflag:s0] =	ssyncadd.tile.s32 @!p0 $0x1;
	_ =	shalt  }
.Lfunc_end2:
_tile_overlayer_lowered:
.L_overlay_start_2:
0x28d: {  	(tag) =	ssettag $0x2  }
0x28e: {  	s0 =	rddreg [dreg:$0x0];
	s2 =	stileid.u32  }
0x28f: {  	s1 =	rddreg [dreg:$0x1];
	p0 =	sne.s32 s2, $0x0  }
0x290: {  	s3 =	rddreg [dreg:$0x2];
	[bflag:$0x3] =	sbarrier.arrive $0xFFFF;
	s2 =	simm.s32 @!p0 $0x1C0B  }
0x291: {  	[timem:s3], [sflag:s2] =	dma.local @!p0 [hbm:s0], s1  }
0x292: {  	s0 =	simm.s32 @!p0 $0xB  }
0x293: {  	_ =	swait.ge @!p0 [sflag:s0], s1  }
0x294: {  	s1 =	ssub.s32 @!p0 $0x0, s1;
	[sflag:s0] =	ssyncset.done @!p0 $0x0  }
0x295: {  	[sflag:s0] =	ssyncadd.s32 @!p0 s1  }
0x296: {  	[bflag:$0x3] =	sbarrier.arrive $0xFFFF  }
0x297: {  	_ =	shalt  }

</sc_bundles>
